<compile_context>
chip_gen: v7x
topology: tpu7x:2x2x1
jax: 0.10.2.dev20260603
libtpu: 0.0.44.dev20260713+nightly
codegen_flags: <defaults>
</compile_context>

<pallas_src>
import functools
import jax
import jax.numpy as jnp
from jax import lax
from jax.experimental import pallas as pl
from jax.experimental.pallas import tpu as pltpu
from jax.experimental.pallas import tpu_sc as plsc

B = 16384
H = 50
D = 64
NV = 100000
NR = 5

NC = 2
NS = 16
NW = NC * NS
NODES_PER_W = B // NW
GCHUNK = 800

_mesh = plsc.VectorSubcoreMesh(core_axis_name="c", subcore_axis_name="s")



def _mktable_body(vp_ref, wbd_ref, r2e_ref, w1bt_ref, w1b_ref, o_ref):
    rp = jnp.dot(r2e_ref[0], w1bt_ref[...],
                 preferred_element_type=jnp.float32) + w1b_ref[...]
    rp2 = jnp.concatenate([rp, rp], axis=1)
    o_ref[...] = jnp.dot(vp_ref[...], wbd_ref[...],
                         preferred_element_type=jnp.float32) + rp2


def _mktable(v2e_pair, wa_bd, r2e3, w1b_t, w_r1_b):
    blk = 2000
    nc = (NV // 2) // blk
    return pl.pallas_call(
        _mktable_body,
        grid=(nc, NR),
        in_specs=[
            pl.BlockSpec((blk, 2 * D), lambda c, r: (c, 0)),
            pl.BlockSpec((2 * D, 2 * D), lambda c, r: (0, 0)),
            pl.BlockSpec((1, 1, D), lambda c, r: (r, 0, 0)),
            pl.BlockSpec((D, D), lambda c, r: (0, 0)),
            pl.BlockSpec((D,), lambda c, r: (0,)),
        ],
        out_specs=pl.BlockSpec((blk, 2 * D), lambda c, r: (r * nc + c, 0)),
        out_shape=jax.ShapeDtypeStruct((NR * NV // 2, 2 * D), jnp.float32),
    )(v2e_pair, wa_bd, r2e3, w1b_t, w_r1_b)



def _pad_body(huv_ref, hrr_ref, o_ref):
    blk = huv_ref.shape[0]
    z = jnp.zeros((blk, 128 - 2 * H), dtype=jnp.int32)
    o_ref[...] = jnp.concatenate(
        [huv_ref[...], z[:, : 64 - H], hrr_ref[...], z[:, : 64 - H]], axis=1)


def _pad_hist(history_uv, history_r):
    blk = 2000
    return pl.pallas_call(
        _pad_body,
        grid=(NV // blk,),
        in_specs=[
            pl.BlockSpec((blk, H), lambda i: (i, 0)),
            pl.BlockSpec((blk, H), lambda i: (i, 0)),
        ],
        out_specs=pl.BlockSpec((blk, 128), lambda i: (i, 0)),
        out_shape=jax.ShapeDtypeStruct((NV, 128), jnp.int32),
    )(history_uv, history_r)



@functools.partial(
    pl.kernel,
    mesh=_mesh,
    compiler_params=pltpu.CompilerParams(use_tc_tiling_on_sc=False),
    out_type=(
        jax.ShapeDtypeStruct((B, 128), jnp.int32),
        jax.ShapeDtypeStruct((B, D), jnp.float32),
    ),
    scratch_types=[
        pltpu.VMEM((NODES_PER_W,), jnp.int32),
        pltpu.VMEM((NODES_PER_W, 128), jnp.int32),
        pltpu.VMEM((NODES_PER_W, D), jnp.float32),
        pltpu.SemaphoreType.DMA,
    ],
)
def _sc_gather_nodes(nodes_hbm, hist_hbm, u2e_hbm,
                     hist_out, uv_out,
                     idx_v, hist_v, uv_v, sem):
    wid = lax.axis_index("s") * NC + lax.axis_index("c")
    base = wid * NODES_PER_W
    pltpu.sync_copy(nodes_hbm.at[pl.ds(base, NODES_PER_W)], idx_v)
    a = pltpu.async_copy(hist_hbm.at[idx_v], hist_v, sem)
    b = pltpu.async_copy(u2e_hbm.at[idx_v], uv_v, sem)
    a.wait()
    b.wait()
    pltpu.sync_copy(hist_v, hist_out.at[pl.ds(base, NODES_PER_W)])
    pltpu.sync_copy(uv_v, uv_out.at[pl.ds(base, NODES_PER_W)])



def _make_sc_gather(nidx):
    per_w = nidx // NW
    nch = per_w // GCHUNK

    @functools.partial(
        pl.kernel,
        mesh=_mesh,
        compiler_params=pltpu.CompilerParams(use_tc_tiling_on_sc=False),
        out_type=jax.ShapeDtypeStruct((nidx, D), jnp.float32),
        scratch_types=[
            pltpu.VMEM((GCHUNK,), jnp.int32),
            pltpu.VMEM((GCHUNK,), jnp.int32),
            pltpu.VMEM((GCHUNK, D), jnp.float32),
            pltpu.VMEM((GCHUNK, D), jnp.float32),
            pltpu.SemaphoreType.DMA,
            pltpu.SemaphoreType.DMA,
        ],
    )
    def k(vtab_hbm, idx_hbm, out_hbm, idx0, idx1, r0, r1, s0, s1):
        wid = lax.axis_index("s") * NC + lax.axis_index("c")
        base = wid * per_w
        idxv = [idx0, idx1]
        rv = [r0, r1]
        sv = [s0, s1]
        h = [None, None]
        pltpu.sync_copy(idx_hbm.at[pl.ds(base, GCHUNK)], idx0)
        h[0] = pltpu.async_copy(vtab_hbm.at[idx0], r0, s0)
        for c in range(nch):
            cur = c & 1
            nxt = 1 - cur
            if c + 1 < nch:
                pltpu.sync_copy(
                    idx_hbm.at[pl.ds(base + (c + 1) * GCHUNK, GCHUNK)],
                    idxv[nxt])
                h[nxt] = pltpu.async_copy(vtab_hbm.at[idxv[nxt]], rv[nxt],
                                          sv[nxt])
            h[cur].wait()
            pltpu.sync_copy(rv[cur], out_hbm.at[pl.ds(base + c * GCHUNK,
                                                      GCHUNK)])

    return k


_NSPLIT = 4
_sc_gather_part = _make_sc_gather(B * H // _NSPLIT)



_NPAIR = 128
_MROWS = H * _NPAIR


def _main_body(vg_ref, uv_ref, wbd2_ref, b2_ref, abd1o_ref, abd1u_ref,
               a1b_ref, abd2_ref, a2b_ref, att3m_ref, lbd1u_ref, lbd1n_ref,
               l1b_ref, o_ref):
    bf = jnp.bfloat16
    x1 = jnp.maximum(vg_ref[...], 0.0)
    o = jnp.maximum(jnp.dot(x1.astype(bf), wbd2_ref[...],
                            preferred_element_type=jnp.float32)
                    + b2_ref[...], 0.0)
    uvp = uv_ref[...]
    up = jnp.dot(uvp, abd1u_ref[...], preferred_element_type=jnp.float32)
    upb = jnp.broadcast_to(up[None], (H, _NPAIR, 2 * D)).reshape(_MROWS, 2 * D)
    a1 = jnp.maximum(jnp.dot(o.astype(bf), abd1o_ref[...],
                             preferred_element_type=jnp.float32)
                     + upb + a1b_ref[...], 0.0)
    a2 = jnp.maximum(jnp.dot(a1.astype(bf), abd2_ref[...],
                             preferred_element_type=jnp.float32)
                     + a2b_ref[...], 0.0)
    l128 = jnp.dot(a2.astype(bf), att3m_ref[...],
                   preferred_element_type=jnp.float32)
    l3 = l128.reshape(H, _NPAIR, 2 * D)
    m = jnp.max(l3, axis=0, keepdims=True)
    e3 = jnp.exp(l3 - m)
    s = jnp.sum(e3, axis=0, keepdims=True)
    w3 = e3 / s
    o3 = o.reshape(H, _NPAIR, 2 * D)
    neigh = jnp.sum(o3 * w3, axis=0)
    o_ref[...] = jnp.maximum(
        jnp.dot(uvp, lbd1u_ref[...], preferred_element_type=jnp.float32)
        + jnp.dot(neigh, lbd1n_ref[...], preferred_element_type=jnp.float32)
        + l1b_ref[...], 0.0)


def _main(vgp, uvp, wbd2, b2, abd1o, abd1u, a1b, abd2, a2b, att3m,
          lbd1u, lbd1n, l1b):
    nb = vgp.shape[0] // _MROWS
    full = lambda shape: pl.BlockSpec(shape, lambda i: tuple(0 for _ in shape))
    return pl.pallas_call(
        _main_body,
        grid=(nb,),
        in_specs=[
            pl.BlockSpec((_MROWS, 2 * D), lambda i: (i, 0)),
            pl.BlockSpec((_NPAIR, 2 * D), lambda i: (i, 0)),
            full((2 * D, 2 * D)), full((2 * D,)),
            full((2 * D, 2 * D)), full((2 * D, 2 * D)), full((2 * D,)),
            full((2 * D, 2 * D)), full((2 * D,)),
            full((2 * D, 2 * D)),
            full((2 * D, 2 * D)), full((2 * D, 2 * D)), full((2 * D,)),
        ],
        out_specs=pl.BlockSpec((_NPAIR, 2 * D), lambda i: (i, 0)),
        out_shape=jax.ShapeDtypeStruct((nb * _NPAIR, 2 * D), jnp.float32),
    )(vgp, uvp, wbd2, b2, abd1o, abd1u, a1b, abd2, a2b, att3m,
      lbd1u, lbd1n, l1b)


def _bd(m):
    z = jnp.zeros_like(m)
    return jnp.concatenate(
        [jnp.concatenate([m, z], axis=1), jnp.concatenate([z, m], axis=1)],
        axis=0)


def kernel(nodes, history_uv, history_r, u2e, v2e, r2e,
           w_r1_w, w_r1_b, w_r2_w, w_r2_b,
           att1_w, att1_b, att2_w, att2_b, att3_w, att3_b,
           lin1_w, lin1_b):
    wa_t = jnp.transpose(w_r1_w[:, :D])
    w1b_t = jnp.transpose(w_r1_w[:, D:])
    wbd2 = _bd(jnp.transpose(w_r2_w)).astype(jnp.bfloat16)
    abd1o = _bd(jnp.transpose(att1_w[:, :D])).astype(jnp.bfloat16)
    abd1u = _bd(jnp.transpose(att1_w[:, D:]))
    abd2 = _bd(jnp.transpose(att2_w)).astype(jnp.bfloat16)
    att3m = _bd(att3_w[0][:, None] *
                jnp.ones((1, D), jnp.float32)).astype(jnp.bfloat16)
    lbd1u = _bd(jnp.transpose(lin1_w[:, :D]))
    lbd1n = _bd(jnp.transpose(lin1_w[:, D:]))
    b2 = jnp.concatenate([w_r2_b, w_r2_b])
    a1b = jnp.concatenate([att1_b, att1_b])
    a2b = jnp.concatenate([att2_b, att2_b])
    l1b = jnp.concatenate([lin1_b, lin1_b])

    tbl_pair = _mktable(v2e.reshape(NV // 2, 2 * D), _bd(wa_t),
                        r2e[:, None, :], w1b_t, w_r1_b)
    tbl = tbl_pair.reshape(NR * NV, D)

    hist_pad = _pad_hist(history_uv, history_r)
    hist_g, uv = _sc_gather_nodes(nodes, hist_pad, u2e)
    hi = hist_g[:, :H]
    hr = hist_g[:, 64:64 + H]
    idxc = hi + NV * hr
    idx = jnp.transpose(idxc.reshape(B // (2 * _NPAIR), 2 * _NPAIR, H),
                        (0, 2, 1)).reshape(-1)
    part_n = B * H // _NSPLIT
    upart = B // 2 // _NSPLIT
    uvp = uv.reshape(B // 2, 2 * D)
    outs = []
    for part in range(_NSPLIT):
        vg = _sc_gather_part(tbl, idx[part * part_n:(part + 1) * part_n])
        vgp = vg.reshape(part_n // 2, 2 * D)
        uvp_p = uvp[part * upart:(part + 1) * upart]
        outs.append(_main(vgp, uvp_p, wbd2, b2, abd1o, abd1u, a1b, abd2,
                          a2b, att3m, lbd1u, lbd1n, l1b))
    return jnp.concatenate(outs, axis=0).reshape(B, D)

# --- scband reference (transcript-rebuilt; emitter-appended) ---
"""Pipeline reference for scband-user-item-opinion-consider-18253611008735 (READ-ONLY COPY).

The authoritative reference and input builder live on the scoring server;
editing this copy changes nothing except your own understanding.
"""

import jax, jax.numpy as jnp
import numpy as np

NUM_USERS = 100000
NUM_ITEMS = 100000
NUM_RATINGS = 5
EMBED_DIM = 64
HIST_LEN = 50
BATCH = 16384


def _lin(k, fin, fout):
    kw, kb = jax.random.split(k)
    s = 1.0 / np.sqrt(fin)
    W = jax.random.uniform(kw, (fout, fin), minval=-s, maxval=s, dtype=jnp.float32)
    b = jax.random.uniform(kb, (fout,), minval=-s, maxval=s, dtype=jnp.float32)
    return W, b


def setup_inputs(seed: int = 0) -> dict:
    key = jax.random.key(seed)
    ks = jax.random.split(key, 12)
    d = EMBED_DIM
    inp = {}
    inp["nodes"] = jax.random.randint(ks[0], (BATCH,), 0, NUM_USERS, dtype=jnp.int32)
    inp["history_uv"] = jax.random.randint(ks[1], (NUM_USERS, HIST_LEN), 0, NUM_ITEMS, dtype=jnp.int32)
    inp["history_r"] = jax.random.randint(ks[2], (NUM_USERS, HIST_LEN), 0, NUM_RATINGS, dtype=jnp.int32)
    inp["u2e"] = jax.random.normal(ks[3], (NUM_USERS, d), dtype=jnp.float32)
    inp["v2e"] = jax.random.normal(ks[4], (NUM_ITEMS, d), dtype=jnp.float32)
    inp["r2e"] = jax.random.normal(ks[5], (NUM_RATINGS, d), dtype=jnp.float32)
    inp["w_r1_w"], inp["w_r1_b"] = _lin(ks[6], 2 * d, d)
    inp["w_r2_w"], inp["w_r2_b"] = _lin(ks[7], d, d)
    inp["att1_w"], inp["att1_b"] = _lin(ks[8], 2 * d, d)
    inp["att2_w"], inp["att2_b"] = _lin(ks[9], d, d)
    inp["att3_w"], inp["att3_b"] = _lin(ks[10], d, 1)
    inp["lin1_w"], inp["lin1_b"] = _lin(ks[11], 2 * d, d)
    return inp


def reference(nodes, history_uv, history_r, u2e, v2e, r2e,
              w_r1_w, w_r1_b, w_r2_w, w_r2_b,
              att1_w, att1_b, att2_w, att2_b, att3_w, att3_b,
              lin1_w, lin1_b):
    # UserItemUpdater.forward: look up interaction history for each node
    hist_items = jnp.take(history_uv, nodes, axis=0)      # [B, H]
    hist_ratings = jnp.take(history_r, nodes, axis=0)     # [B, H]
    # UserItemAggregator.forward (user_latent_flag=True -> aggregate items into users)
    e_uv = jnp.take(v2e, hist_items, axis=0)              # [B, H, d]
    e_r = jnp.take(r2e, hist_ratings, axis=0)             # [B, H, d]
    x = jnp.concatenate([e_uv, e_r], axis=-1)             # [B, H, 2d]
    x = jax.nn.relu(x @ w_r1_w.T + w_r1_b)
    o_history = jax.nn.relu(x @ w_r2_w.T + w_r2_b)        # [B, H, d]
    uv_rep = jnp.take(u2e, nodes, axis=0)                 # [B, d]
    uv_reps = jnp.broadcast_to(uv_rep[:, None, :], o_history.shape)
    a = jnp.concatenate([o_history, uv_reps], axis=-1)    # [B, H, 2d]
    a = jax.nn.relu(a @ att1_w.T + att1_b)
    a = jax.nn.relu(a @ att2_w.T + att2_b)
    a = a @ att3_w.T + att3_b                             # [B, H, 1]
    att_w = jax.nn.softmax(a, axis=1)                     # softmax over history dim
    neigh_feats = jnp.sum(o_history * att_w, axis=1)      # [B, d]
    # UserItemUpdater: combine self embedding with aggregated neighbor features
    combined = jnp.concatenate([uv_rep, neigh_feats], axis=-1)
    return jax.nn.relu(combined @ lin1_w.T + lin1_b)      # [B, d]

if __name__ == "__main__":
    import jax
    _d = setup_inputs()
    print(jax.jit(kernel)(*tuple(_d.values())))

</pallas_src>

<mosaic_0001>
#map = affine_map<(d0, d1) -> (0)>
#map1 = affine_map<(d0, d1) -> (0, 0)>
module attributes {stable_mosaic.version = 14 : i64} {
  func.func @_sc_gather_nodes(%arg0: i32, %arg1: i32, %arg2: memref<16384xi32, #tpu.memory_space<hbm>>, %arg3: memref<100000x128xi32, #tpu.memory_space<hbm>>, %arg4: memref<100000x64xf32, #tpu.memory_space<hbm>>, %arg5: memref<16384x128xi32, #tpu.memory_space<hbm>>, %arg6: memref<16384x64xf32, #tpu.memory_space<hbm>>, %arg7: memref<512xi32, #tpu.memory_space<vmem>>, %arg8: memref<512x128xi32, #tpu.memory_space<vmem>>, %arg9: memref<512x64xf32, #tpu.memory_space<vmem>>, %arg10: memref<!tpu.dma_semaphore, #tpu.memory_space<semaphore_mem>>) attributes {dimension_semantics = [#tpu.dimension_semantics<core_parallel>, #tpu.dimension_semantics<subcore_parallel>], iteration_bounds = array<i64: 2, 16>, scalar_prefetch = 0 : i64, scratch_operands = 4 : i64, tpu.core_type = #tpu.core_type<sc_vector_subcore>, window_params = [{transform_indices = #map}, {transform_indices = #map1}, {transform_indices = #map1}, {transform_indices = #map1}, {transform_indices = #map1}]} {
    %mul3A = arith.constant 2 : i32
    %mul3A_0 = arith.muli %arg1, %mul3A : i32
    %add3A = arith.addi %mul3A_0, %arg0 : i32
    %mul3A_1 = arith.constant 512 : i32
    %mul3A_2 = arith.muli %add3A, %mul3A_1 : i32
    "tpu.region"() ({
      %run_scoped3A = tpu.sem_alloc : memref<!tpu.dma_semaphore, #tpu.memory_space<semaphore_mem>>
      %dma_start3A_13 = tpu.memref_slice %arg2[%mul3A_2] : memref<16384xi32, #tpu.memory_space<hbm>> -> memref<512xi32, #tpu.memory_space<hbm>>
      %dma_start3A_14 = tpu.memref_slice %arg2[%mul3A_2] : memref<16384xi32, #tpu.memory_space<hbm>> -> memref<512xi32, #tpu.memory_space<hbm>>
      tpu.enqueue_dma source(%dma_start3A_14 : memref<512xi32, #tpu.memory_space<hbm>>) target(%arg7 : memref<512xi32, #tpu.memory_space<vmem>>) target_semaphore(%run_scoped3A : memref<!tpu.dma_semaphore, #tpu.memory_space<semaphore_mem>>)
      %dma_wait3A_15 = tpu.memref_slice %arg2[%mul3A_2] : memref<16384xi32, #tpu.memory_space<hbm>> -> memref<512xi32, #tpu.memory_space<hbm>>
      %dma_wait3A_16 = tpu.memref_slice %arg2[%mul3A_2] : memref<16384xi32, #tpu.memory_space<hbm>> -> memref<512xi32, #tpu.memory_space<hbm>>
      tpu.wait_dma2 semaphore(%run_scoped3A : memref<!tpu.dma_semaphore, #tpu.memory_space<semaphore_mem>>) src(%dma_wait3A_16 : memref<512xi32, #tpu.memory_space<hbm>>) dst(%arg7 : memref<512xi32, #tpu.memory_space<vmem>>)
      tpu.yield
    }) : () -> ()
    %dma_start3A = arith.constant 0 : i32
    %dma_start3A_3 = arith.constant 0 : i32
    %dma_start3A_4 = tpu.memref_slice %arg3[%dma_start3A, %dma_start3A_3] : memref<100000x128xi32, #tpu.memory_space<hbm>> -> memref<100000x128xi32, #tpu.memory_space<hbm>>
    tpu.enqueue_indirect_dma source(%dma_start3A_4 : memref<100000x128xi32, #tpu.memory_space<hbm>>) target(%arg8 : memref<512x128xi32, #tpu.memory_space<vmem>>) offsets(%arg7 : memref<512xi32, #tpu.memory_space<vmem>>) semaphore(%arg10 : memref<!tpu.dma_semaphore, #tpu.memory_space<semaphore_mem>>)
    %dma_start3A_5 = arith.constant 0 : i32
    %dma_start3A_6 = arith.constant 0 : i32
    %dma_start3A_7 = tpu.memref_slice %arg4[%dma_start3A_5, %dma_start3A_6] : memref<100000x64xf32, #tpu.memory_space<hbm>> -> memref<100000x64xf32, #tpu.memory_space<hbm>>
    tpu.enqueue_indirect_dma source(%dma_start3A_7 : memref<100000x64xf32, #tpu.memory_space<hbm>>) target(%arg9 : memref<512x64xf32, #tpu.memory_space<vmem>>) offsets(%arg7 : memref<512xi32, #tpu.memory_space<vmem>>) semaphore(%arg10 : memref<!tpu.dma_semaphore, #tpu.memory_space<semaphore_mem>>)
    %dma_wait3A = arith.constant 0 : i32
    %dma_wait3A_8 = arith.constant 0 : i32
    %dma_wait3A_9 = tpu.memref_slice %arg3[%dma_wait3A, %dma_wait3A_8] : memref<100000x128xi32, #tpu.memory_space<hbm>> -> memref<100000x128xi32, #tpu.memory_space<hbm>>
    tpu.wait_indirect_dma semaphore(%arg10 : memref<!tpu.dma_semaphore, #tpu.memory_space<semaphore_mem>>) src(%dma_wait3A_9 : memref<100000x128xi32, #tpu.memory_space<hbm>>) dst(%arg8 : memref<512x128xi32, #tpu.memory_space<vmem>>)
    %dma_wait3A_10 = arith.constant 0 : i32
    %dma_wait3A_11 = arith.constant 0 : i32
    %dma_wait3A_12 = tpu.memref_slice %arg4[%dma_wait3A_10, %dma_wait3A_11] : memref<100000x64xf32, #tpu.memory_space<hbm>> -> memref<100000x64xf32, #tpu.memory_space<hbm>>
    tpu.wait_indirect_dma semaphore(%arg10 : memref<!tpu.dma_semaphore, #tpu.memory_space<semaphore_mem>>) src(%dma_wait3A_12 : memref<100000x64xf32, #tpu.memory_space<hbm>>) dst(%arg9 : memref<512x64xf32, #tpu.memory_space<vmem>>)
    "tpu.region"() ({
      %run_scoped3A = tpu.sem_alloc : memref<!tpu.dma_semaphore, #tpu.memory_space<semaphore_mem>>
      %dma_start3A_13 = arith.constant 0 : i32
      %dma_start3A_14 = tpu.memref_slice %arg5[%mul3A_2, %dma_start3A_13] : memref<16384x128xi32, #tpu.memory_space<hbm>> -> memref<512x128xi32, #tpu.memory_space<hbm>>
      %dma_start3A_15 = arith.constant 0 : i32
      %dma_start3A_16 = tpu.memref_slice %arg5[%mul3A_2, %dma_start3A_15] : memref<16384x128xi32, #tpu.memory_space<hbm>> -> memref<512x128xi32, #tpu.memory_space<hbm>>
      tpu.enqueue_dma source(%arg8 : memref<512x128xi32, #tpu.memory_space<vmem>>) target(%dma_start3A_16 : memref<512x128xi32, #tpu.memory_space<hbm>>) target_semaphore(%run_scoped3A : memref<!tpu.dma_semaphore, #tpu.memory_space<semaphore_mem>>)
      %dma_wait3A_17 = arith.constant 0 : i32
      %dma_wait3A_18 = tpu.memref_slice %arg5[%mul3A_2, %dma_wait3A_17] : memref<16384x128xi32, #tpu.memory_space<hbm>> -> memref<512x128xi32, #tpu.memory_space<hbm>>
      %dma_wait3A_19 = arith.constant 0 : i32
      %dma_wait3A_20 = tpu.memref_slice %arg5[%mul3A_2, %dma_wait3A_19] : memref<16384x128xi32, #tpu.memory_space<hbm>> -> memref<512x128xi32, #tpu.memory_space<hbm>>
      tpu.wait_dma2 semaphore(%run_scoped3A : memref<!tpu.dma_semaphore, #tpu.memory_space<semaphore_mem>>) src(%arg8 : memref<512x128xi32, #tpu.memory_space<vmem>>) dst(%dma_wait3A_20 : memref<512x128xi32, #tpu.memory_space<hbm>>)
      tpu.yield
    }) : () -> ()
    "tpu.region"() ({
      %run_scoped3A = tpu.sem_alloc : memref<!tpu.dma_semaphore, #tpu.memory_space<semaphore_mem>>
      %dma_start3A_13 = arith.constant 0 : i32
      %dma_start3A_14 = tpu.memref_slice %arg6[%mul3A_2, %dma_start3A_13] : memref<16384x64xf32, #tpu.memory_space<hbm>> -> memref<512x64xf32, #tpu.memory_space<hbm>>
      %dma_start3A_15 = arith.constant 0 : i32
      %dma_start3A_16 = tpu.memref_slice %arg6[%mul3A_2, %dma_start3A_15] : memref<16384x64xf32, #tpu.memory_space<hbm>> -> memref<512x64xf32, #tpu.memory_space<hbm>>
      tpu.enqueue_dma source(%arg9 : memref<512x64xf32, #tpu.memory_space<vmem>>) target(%dma_start3A_16 : memref<512x64xf32, #tpu.memory_space<hbm>>) target_semaphore(%run_scoped3A : memref<!tpu.dma_semaphore, #tpu.memory_space<semaphore_mem>>)
      %dma_wait3A_17 = arith.constant 0 : i32
      %dma_wait3A_18 = tpu.memref_slice %arg6[%mul3A_2, %dma_wait3A_17] : memref<16384x64xf32, #tpu.memory_space<hbm>> -> memref<512x64xf32, #tpu.memory_space<hbm>>
      %dma_wait3A_19 = arith.constant 0 : i32
      %dma_wait3A_20 = tpu.memref_slice %arg6[%mul3A_2, %dma_wait3A_19] : memref<16384x64xf32, #tpu.memory_space<hbm>> -> memref<512x64xf32, #tpu.memory_space<hbm>>
      tpu.wait_dma2 semaphore(%run_scoped3A : memref<!tpu.dma_semaphore, #tpu.memory_space<semaphore_mem>>) src(%arg9 : memref<512x64xf32, #tpu.memory_space<vmem>>) dst(%dma_wait3A_20 : memref<512x64xf32, #tpu.memory_space<hbm>>)
      tpu.yield
    }) : () -> ()
    return
  }
}

#map = affine_map<(d0, d1) -> (0, 0)>
#map1 = affine_map<(d0, d1) -> (0)>
module attributes {stable_mosaic.version = 14 : i64} {
  func.func @k(%arg0: i32, %arg1: i32, %arg2: memref<500000x64xf32, #tpu.memory_space<hbm>>, %arg3: memref<204800xi32, #tpu.memory_space<hbm>>, %arg4: memref<204800x64xf32, #tpu.memory_space<hbm>>, %arg5: memref<800xi32, #tpu.memory_space<vmem>>, %arg6: memref<800xi32, #tpu.memory_space<vmem>>, %arg7: memref<800x64xf32, #tpu.memory_space<vmem>>, %arg8: memref<800x64xf32, #tpu.memory_space<vmem>>, %arg9: memref<!tpu.dma_semaphore, #tpu.memory_space<semaphore_mem>>, %arg10: memref<!tpu.dma_semaphore, #tpu.memory_space<semaphore_mem>>) attributes {dimension_semantics = [#tpu.dimension_semantics<core_parallel>, #tpu.dimension_semantics<subcore_parallel>], iteration_bounds = array<i64: 2, 16>, scalar_prefetch = 0 : i64, scratch_operands = 6 : i64, tpu.core_type = #tpu.core_type<sc_vector_subcore>, window_params = [{transform_indices = #map}, {transform_indices = #map1}, {transform_indices = #map}]} {
    %mul3A = arith.constant 2 : i32
    %mul3A_0 = arith.muli %arg1, %mul3A : i32
    %add3A = arith.addi %mul3A_0, %arg0 : i32
    %mul3A_1 = arith.constant 6400 : i32
    %mul3A_2 = arith.muli %add3A, %mul3A_1 : i32
    "tpu.region"() ({
      %run_scoped3A = tpu.sem_alloc : memref<!tpu.dma_semaphore, #tpu.memory_space<semaphore_mem>>
      %dma_start3A_79 = tpu.memref_slice %arg3[%mul3A_2] : memref<204800xi32, #tpu.memory_space<hbm>> -> memref<800xi32, #tpu.memory_space<hbm>>
      %dma_start3A_80 = tpu.memref_slice %arg3[%mul3A_2] : memref<204800xi32, #tpu.memory_space<hbm>> -> memref<800xi32, #tpu.memory_space<hbm>>
      tpu.enqueue_dma source(%dma_start3A_80 : memref<800xi32, #tpu.memory_space<hbm>>) target(%arg5 : memref<800xi32, #tpu.memory_space<vmem>>) target_semaphore(%run_scoped3A : memref<!tpu.dma_semaphore, #tpu.memory_space<semaphore_mem>>)
      %dma_wait3A_81 = tpu.memref_slice %arg3[%mul3A_2] : memref<204800xi32, #tpu.memory_space<hbm>> -> memref<800xi32, #tpu.memory_space<hbm>>
      %dma_wait3A_82 = tpu.memref_slice %arg3[%mul3A_2] : memref<204800xi32, #tpu.memory_space<hbm>> -> memref<800xi32, #tpu.memory_space<hbm>>
      tpu.wait_dma2 semaphore(%run_scoped3A : memref<!tpu.dma_semaphore, #tpu.memory_space<semaphore_mem>>) src(%dma_wait3A_82 : memref<800xi32, #tpu.memory_space<hbm>>) dst(%arg5 : memref<800xi32, #tpu.memory_space<vmem>>)
      tpu.yield
    }) : () -> ()
    %dma_start3A = arith.constant 0 : i32
    %dma_start3A_3 = arith.constant 0 : i32
    %dma_start3A_4 = tpu.memref_slice %arg2[%dma_start3A, %dma_start3A_3] : memref<500000x64xf32, #tpu.memory_space<hbm>> -> memref<500000x64xf32, #tpu.memory_space<hbm>>
    tpu.enqueue_indirect_dma source(%dma_start3A_4 : memref<500000x64xf32, #tpu.memory_space<hbm>>) target(%arg7 : memref<800x64xf32, #tpu.memory_space<vmem>>) offsets(%arg5 : memref<800xi32, #tpu.memory_space<vmem>>) semaphore(%arg9 : memref<!tpu.dma_semaphore, #tpu.memory_space<semaphore_mem>>)
    %add3A_5 = arith.constant 800 : i32
    %add3A_6 = arith.addi %mul3A_2, %add3A_5 : i32
    "tpu.region"() ({
      %run_scoped3A = tpu.sem_alloc : memref<!tpu.dma_semaphore, #tpu.memory_space<semaphore_mem>>
      %dma_start3A_79 = tpu.memref_slice %arg3[%add3A_6] : memref<204800xi32, #tpu.memory_space<hbm>> -> memref<800xi32, #tpu.memory_space<hbm>>
      %dma_start3A_80 = tpu.memref_slice %arg3[%add3A_6] : memref<204800xi32, #tpu.memory_space<hbm>> -> memref<800xi32, #tpu.memory_space<hbm>>
      tpu.enqueue_dma source(%dma_start3A_80 : memref<800xi32, #tpu.memory_space<hbm>>) target(%arg6 : memref<800xi32, #tpu.memory_space<vmem>>) target_semaphore(%run_scoped3A : memref<!tpu.dma_semaphore, #tpu.memory_space<semaphore_mem>>)
      %dma_wait3A_81 = tpu.memref_slice %arg3[%add3A_6] : memref<204800xi32, #tpu.memory_space<hbm>> -> memref<800xi32, #tpu.memory_space<hbm>>
      %dma_wait3A_82 = tpu.memref_slice %arg3[%add3A_6] : memref<204800xi32, #tpu.memory_space<hbm>> -> memref<800xi32, #tpu.memory_space<hbm>>
      tpu.wait_dma2 semaphore(%run_scoped3A : memref<!tpu.dma_semaphore, #tpu.memory_space<semaphore_mem>>) src(%dma_wait3A_82 : memref<800xi32, #tpu.memory_space<hbm>>) dst(%arg6 : memref<800xi32, #tpu.memory_space<vmem>>)
      tpu.yield
    }) : () -> ()
    %dma_start3A_7 = arith.constant 0 : i32
    %dma_start3A_8 = arith.constant 0 : i32
    %dma_start3A_9 = tpu.memref_slice %arg2[%dma_start3A_7, %dma_start3A_8] : memref<500000x64xf32, #tpu.memory_space<hbm>> -> memref<500000x64xf32, #tpu.memory_space<hbm>>
    tpu.enqueue_indirect_dma source(%dma_start3A_9 : memref<500000x64xf32, #tpu.memory_space<hbm>>) target(%arg8 : memref<800x64xf32, #tpu.memory_space<vmem>>) offsets(%arg6 : memref<800xi32, #tpu.memory_space<vmem>>) semaphore(%arg10 : memref<!tpu.dma_semaphore, #tpu.memory_space<semaphore_mem>>)
    %dma_wait3A = arith.constant 0 : i32
    %dma_wait3A_10 = arith.constant 0 : i32
    %dma_wait3A_11 = tpu.memref_slice %arg2[%dma_wait3A, %dma_wait3A_10] : memref<500000x64xf32, #tpu.memory_space<hbm>> -> memref<500000x64xf32, #tpu.memory_space<hbm>>
    tpu.wait_indirect_dma semaphore(%arg9 : memref<!tpu.dma_semaphore, #tpu.memory_space<semaphore_mem>>) src(%dma_wait3A_11 : memref<500000x64xf32, #tpu.memory_space<hbm>>) dst(%arg7 : memref<800x64xf32, #tpu.memory_space<vmem>>)
    %add3A_12 = arith.constant 0 : i32
    %add3A_13 = arith.addi %mul3A_2, %add3A_12 : i32
    "tpu.region"() ({
      %run_scoped3A = tpu.sem_alloc : memref<!tpu.dma_semaphore, #tpu.memory_space<semaphore_mem>>
      %dma_start3A_79 = arith.constant 0 : i32
      %dma_start3A_80 = tpu.memref_slice %arg4[%add3A_13, %dma_start3A_79] : memref<204800x64xf32, #tpu.memory_space<hbm>> -> memref<800x64xf32, #tpu.memory_space<hbm>>
      %dma_start3A_81 = arith.constant 0 : i32
      %dma_start3A_82 = tpu.memref_slice %arg4[%add3A_13, %dma_start3A_81] : memref<204800x64xf32, #tpu.memory_space<hbm>> -> memref<800x64xf32, #tpu.memory_space<hbm>>
      tpu.enqueue_dma source(%arg7 : memref<800x64xf32, #tpu.memory_space<vmem>>) target(%dma_start3A_82 : memref<800x64xf32, #tpu.memory_space<hbm>>) target_semaphore(%run_scoped3A : memref<!tpu.dma_semaphore, #tpu.memory_space<semaphore_mem>>)
      %dma_wait3A_83 = arith.constant 0 : i32
      %dma_wait3A_84 = tpu.memref_slice %arg4[%add3A_13, %dma_wait3A_83] : memref<204800x64xf32, #tpu.memory_space<hbm>> -> memref<800x64xf32, #tpu.memory_space<hbm>>
      %dma_wait3A_85 = arith.constant 0 : i32
      %dma_wait3A_86 = tpu.memref_slice %arg4[%add3A_13, %dma_wait3A_85] : memref<204800x64xf32, #tpu.memory_space<hbm>> -> memref<800x64xf32, #tpu.memory_space<hbm>>
      tpu.wait_dma2 semaphore(%run_scoped3A : memref<!tpu.dma_semaphore, #tpu.memory_space<semaphore_mem>>) src(%arg7 : memref<800x64xf32, #tpu.memory_space<vmem>>) dst(%dma_wait3A_86 : memref<800x64xf32, #tpu.memory_space<hbm>>)
      tpu.yield
    }) : () -> ()
    %add3A_14 = arith.constant 1600 : i32
    %add3A_15 = arith.addi %mul3A_2, %add3A_14 : i32
    "tpu.region"() ({
      %run_scoped3A = tpu.sem_alloc : memref<!tpu.dma_semaphore, #tpu.memory_space<semaphore_mem>>
      %dma_start3A_79 = tpu.memref_slice %arg3[%add3A_15] : memref<204800xi32, #tpu.memory_space<hbm>> -> memref<800xi32, #tpu.memory_space<hbm>>
      %dma_start3A_80 = tpu.memref_slice %arg3[%add3A_15] : memref<204800xi32, #tpu.memory_space<hbm>> -> memref<800xi32, #tpu.memory_space<hbm>>
      tpu.enqueue_dma source(%dma_start3A_80 : memref<800xi32, #tpu.memory_space<hbm>>) target(%arg5 : memref<800xi32, #tpu.memory_space<vmem>>) target_semaphore(%run_scoped3A : memref<!tpu.dma_semaphore, #tpu.memory_space<semaphore_mem>>)
      %dma_wait3A_81 = tpu.memref_slice %arg3[%add3A_15] : memref<204800xi32, #tpu.memory_space<hbm>> -> memref<800xi32, #tpu.memory_space<hbm>>
      %dma_wait3A_82 = tpu.memref_slice %arg3[%add3A_15] : memref<204800xi32, #tpu.memory_space<hbm>> -> memref<800xi32, #tpu.memory_space<hbm>>
      tpu.wait_dma2 semaphore(%run_scoped3A : memref<!tpu.dma_semaphore, #tpu.memory_space<semaphore_mem>>) src(%dma_wait3A_82 : memref<800xi32, #tpu.memory_space<hbm>>) dst(%arg5 : memref<800xi32, #tpu.memory_space<vmem>>)
      tpu.yield
    }) : () -> ()
    %dma_start3A_16 = arith.constant 0 : i32
    %dma_start3A_17 = arith.constant 0 : i32
    %dma_start3A_18 = tpu.memref_slice %arg2[%dma_start3A_16, %dma_start3A_17] : memref<500000x64xf32, #tpu.memory_space<hbm>> -> memref<500000x64xf32, #tpu.memory_space<hbm>>
    tpu.enqueue_indirect_dma source(%dma_start3A_18 : memref<500000x64xf32, #tpu.memory_space<hbm>>) target(%arg7 : memref<800x64xf32, #tpu.memory_space<vmem>>) offsets(%arg5 : memref<800xi32, #tpu.memory_space<vmem>>) semaphore(%arg9 : memref<!tpu.dma_semaphore, #tpu.memory_space<semaphore_mem>>)
    %dma_wait3A_19 = arith.constant 0 : i32
    %dma_wait3A_20 = arith.constant 0 : i32
    %dma_wait3A_21 = tpu.memref_slice %arg2[%dma_wait3A_19, %dma_wait3A_20] : memref<500000x64xf32, #tpu.memory_space<hbm>> -> memref<500000x64xf32, #tpu.memory_space<hbm>>
    tpu.wait_indirect_dma semaphore(%arg10 : memref<!tpu.dma_semaphore, #tpu.memory_space<semaphore_mem>>) src(%dma_wait3A_21 : memref<500000x64xf32, #tpu.memory_space<hbm>>) dst(%arg8 : memref<800x64xf32, #tpu.memory_space<vmem>>)
    %add3A_22 = arith.constant 800 : i32
    %add3A_23 = arith.addi %mul3A_2, %add3A_22 : i32
    "tpu.region"() ({
      %run_scoped3A = tpu.sem_alloc : memref<!tpu.dma_semaphore, #tpu.memory_space<semaphore_mem>>
      %dma_start3A_79 = arith.constant 0 : i32
      %dma_start3A_80 = tpu.memref_slice %arg4[%add3A_23, %dma_start3A_79] : memref<204800x64xf32, #tpu.memory_space<hbm>> -> memref<800x64xf32, #tpu.memory_space<hbm>>
      %dma_start3A_81 = arith.constant 0 : i32
      %dma_start3A_82 = tpu.memref_slice %arg4[%add3A_23, %dma_start3A_81] : memref<204800x64xf32, #tpu.memory_space<hbm>> -> memref<800x64xf32, #tpu.memory_space<hbm>>
      tpu.enqueue_dma source(%arg8 : memref<800x64xf32, #tpu.memory_space<vmem>>) target(%dma_start3A_82 : memref<800x64xf32, #tpu.memory_space<hbm>>) target_semaphore(%run_scoped3A : memref<!tpu.dma_semaphore, #tpu.memory_space<semaphore_mem>>)
      %dma_wait3A_83 = arith.constant 0 : i32
      %dma_wait3A_84 = tpu.memref_slice %arg4[%add3A_23, %dma_wait3A_83] : memref<204800x64xf32, #tpu.memory_space<hbm>> -> memref<800x64xf32, #tpu.memory_space<hbm>>
      %dma_wait3A_85 = arith.constant 0 : i32
      %dma_wait3A_86 = tpu.memref_slice %arg4[%add3A_23, %dma_wait3A_85] : memref<204800x64xf32, #tpu.memory_space<hbm>> -> memref<800x64xf32, #tpu.memory_space<hbm>>
      tpu.wait_dma2 semaphore(%run_scoped3A : memref<!tpu.dma_semaphore, #tpu.memory_space<semaphore_mem>>) src(%arg8 : memref<800x64xf32, #tpu.memory_space<vmem>>) dst(%dma_wait3A_86 : memref<800x64xf32, #tpu.memory_space<hbm>>)
      tpu.yield
    }) : () -> ()
    %add3A_24 = arith.constant 2400 : i32
    %add3A_25 = arith.addi %mul3A_2, %add3A_24 : i32
    "tpu.region"() ({
      %run_scoped3A = tpu.sem_alloc : memref<!tpu.dma_semaphore, #tpu.memory_space<semaphore_mem>>
      %dma_start3A_79 = tpu.memref_slice %arg3[%add3A_25] : memref<204800xi32, #tpu.memory_space<hbm>> -> memref<800xi32, #tpu.memory_space<hbm>>
      %dma_start3A_80 = tpu.memref_slice %arg3[%add3A_25] : memref<204800xi32, #tpu.memory_space<hbm>> -> memref<800xi32, #tpu.memory_space<hbm>>
      tpu.enqueue_dma source(%dma_start3A_80 : memref<800xi32, #tpu.memory_space<hbm>>) target(%arg6 : memref<800xi32, #tpu.memory_space<vmem>>) target_semaphore(%run_scoped3A : memref<!tpu.dma_semaphore, #tpu.memory_space<semaphore_mem>>)
      %dma_wait3A_81 = tpu.memref_slice %arg3[%add3A_25] : memref<204800xi32, #tpu.memory_space<hbm>> -> memref<800xi32, #tpu.memory_space<hbm>>
      %dma_wait3A_82 = tpu.memref_slice %arg3[%add3A_25] : memref<204800xi32, #tpu.memory_space<hbm>> -> memref<800xi32, #tpu.memory_space<hbm>>
      tpu.wait_dma2 semaphore(%run_scoped3A : memref<!tpu.dma_semaphore, #tpu.memory_space<semaphore_mem>>) src(%dma_wait3A_82 : memref<800xi32, #tpu.memory_space<hbm>>) dst(%arg6 : memref<800xi32, #tpu.memory_space<vmem>>)
      tpu.yield
    }) : () -> ()
    %dma_start3A_26 = arith.constant 0 : i32
    %dma_start3A_27 = arith.constant 0 : i32
    %dma_start3A_28 = tpu.memref_slice %arg2[%dma_start3A_26, %dma_start3A_27] : memref<500000x64xf32, #tpu.memory_space<hbm>> -> memref<500000x64xf32, #tpu.memory_space<hbm>>
    tpu.enqueue_indirect_dma source(%dma_start3A_28 : memref<500000x64xf32, #tpu.memory_space<hbm>>) target(%arg8 : memref<800x64xf32, #tpu.memory_space<vmem>>) offsets(%arg6 : memref<800xi32, #tpu.memory_space<vmem>>) semaphore(%arg10 : memref<!tpu.dma_semaphore, #tpu.memory_space<semaphore_mem>>)
    %dma_wait3A_29 = arith.constant 0 : i32
    %dma_wait3A_30 = arith.constant 0 : i32
    %dma_wait3A_31 = tpu.memref_slice %arg2[%dma_wait3A_29, %dma_wait3A_30] : memref<500000x64xf32, #tpu.memory_space<hbm>> -> memref<500000x64xf32, #tpu.memory_space<hbm>>
    tpu.wait_indirect_dma semaphore(%arg9 : memref<!tpu.dma_semaphore, #tpu.memory_space<semaphore_mem>>) src(%dma_wait3A_31 : memref<500000x64xf32, #tpu.memory_space<hbm>>) dst(%arg7 : memref<800x64xf32, #tpu.memory_space<vmem>>)
    %add3A_32 = arith.constant 1600 : i32
    %add3A_33 = arith.addi %mul3A_2, %add3A_32 : i32
    "tpu.region"() ({
      %run_scoped3A = tpu.sem_alloc : memref<!tpu.dma_semaphore, #tpu.memory_space<semaphore_mem>>
      %dma_start3A_79 = arith.constant 0 : i32
      %dma_start3A_80 = tpu.memref_slice %arg4[%add3A_33, %dma_start3A_79] : memref<204800x64xf32, #tpu.memory_space<hbm>> -> memref<800x64xf32, #tpu.memory_space<hbm>>
      %dma_start3A_81 = arith.constant 0 : i32
      %dma_start3A_82 = tpu.memref_slice %arg4[%add3A_33, %dma_start3A_81] : memref<204800x64xf32, #tpu.memory_space<hbm>> -> memref<800x64xf32, #tpu.memory_space<hbm>>
      tpu.enqueue_dma source(%arg7 : memref<800x64xf32, #tpu.memory_space<vmem>>) target(%dma_start3A_82 : memref<800x64xf32, #tpu.memory_space<hbm>>) target_semaphore(%run_scoped3A : memref<!tpu.dma_semaphore, #tpu.memory_space<semaphore_mem>>)
      %dma_wait3A_83 = arith.constant 0 : i32
      %dma_wait3A_84 = tpu.memref_slice %arg4[%add3A_33, %dma_wait3A_83] : memref<204800x64xf32, #tpu.memory_space<hbm>> -> memref<800x64xf32, #tpu.memory_space<hbm>>
      %dma_wait3A_85 = arith.constant 0 : i32
      %dma_wait3A_86 = tpu.memref_slice %arg4[%add3A_33, %dma_wait3A_85] : memref<204800x64xf32, #tpu.memory_space<hbm>> -> memref<800x64xf32, #tpu.memory_space<hbm>>
      tpu.wait_dma2 semaphore(%run_scoped3A : memref<!tpu.dma_semaphore, #tpu.memory_space<semaphore_mem>>) src(%arg7 : memref<800x64xf32, #tpu.memory_space<vmem>>) dst(%dma_wait3A_86 : memref<800x64xf32, #tpu.memory_space<hbm>>)
      tpu.yield
    }) : () -> ()
    %add3A_34 = arith.constant 3200 : i32
    %add3A_35 = arith.addi %mul3A_2, %add3A_34 : i32
    "tpu.region"() ({
      %run_scoped3A = tpu.sem_alloc : memref<!tpu.dma_semaphore, #tpu.memory_space<semaphore_mem>>
      %dma_start3A_79 = tpu.memref_slice %arg3[%add3A_35] : memref<204800xi32, #tpu.memory_space<hbm>> -> memref<800xi32, #tpu.memory_space<hbm>>
      %dma_start3A_80 = tpu.memref_slice %arg3[%add3A_35] : memref<204800xi32, #tpu.memory_space<hbm>> -> memref<800xi32, #tpu.memory_space<hbm>>
      tpu.enqueue_dma source(%dma_start3A_80 : memref<800xi32, #tpu.memory_space<hbm>>) target(%arg5 : memref<800xi32, #tpu.memory_space<vmem>>) target_semaphore(%run_scoped3A : memref<!tpu.dma_semaphore, #tpu.memory_space<semaphore_mem>>)
      %dma_wait3A_81 = tpu.memref_slice %arg3[%add3A_35] : memref<204800xi32, #tpu.memory_space<hbm>> -> memref<800xi32, #tpu.memory_space<hbm>>
      %dma_wait3A_82 = tpu.memref_slice %arg3[%add3A_35] : memref<204800xi32, #tpu.memory_space<hbm>> -> memref<800xi32, #tpu.memory_space<hbm>>
      tpu.wait_dma2 semaphore(%run_scoped3A : memref<!tpu.dma_semaphore, #tpu.memory_space<semaphore_mem>>) src(%dma_wait3A_82 : memref<800xi32, #tpu.memory_space<hbm>>) dst(%arg5 : memref<800xi32, #tpu.memory_space<vmem>>)
      tpu.yield
    }) : () -> ()
    %dma_start3A_36 = arith.constant 0 : i32
    %dma_start3A_37 = arith.constant 0 : i32
    %dma_start3A_38 = tpu.memref_slice %arg2[%dma_start3A_36, %dma_start3A_37] : memref<500000x64xf32, #tpu.memory_space<hbm>> -> memref<500000x64xf32, #tpu.memory_space<hbm>>
    tpu.enqueue_indirect_dma source(%dma_start3A_38 : memref<500000x64xf32, #tpu.memory_space<hbm>>) target(%arg7 : memref<800x64xf32, #tpu.memory_space<vmem>>) offsets(%arg5 : memref<800xi32, #tpu.memory_space<vmem>>) semaphore(%arg9 : memref<!tpu.dma_semaphore, #tpu.memory_space<semaphore_mem>>)
    %dma_wait3A_39 = arith.constant 0 : i32
    %dma_wait3A_40 = arith.constant 0 : i32
    %dma_wait3A_41 = tpu.memref_slice %arg2[%dma_wait3A_39, %dma_wait3A_40] : memref<500000x64xf32, #tpu.memory_space<hbm>> -> memref<500000x64xf32, #tpu.memory_space<hbm>>
    tpu.wait_indirect_dma semaphore(%arg10 : memref<!tpu.dma_semaphore, #tpu.memory_space<semaphore_mem>>) src(%dma_wait3A_41 : memref<500000x64xf32, #tpu.memory_space<hbm>>) dst(%arg8 : memref<800x64xf32, #tpu.memory_space<vmem>>)
    %add3A_42 = arith.constant 2400 : i32
    %add3A_43 = arith.addi %mul3A_2, %add3A_42 : i32
    "tpu.region"() ({
      %run_scoped3A = tpu.sem_alloc : memref<!tpu.dma_semaphore, #tpu.memory_space<semaphore_mem>>
      %dma_start3A_79 = arith.constant 0 : i32
      %dma_start3A_80 = tpu.memref_slice %arg4[%add3A_43, %dma_start3A_79] : memref<204800x64xf32, #tpu.memory_space<hbm>> -> memref<800x64xf32, #tpu.memory_space<hbm>>
      %dma_start3A_81 = arith.constant 0 : i32
      %dma_start3A_82 = tpu.memref_slice %arg4[%add3A_43, %dma_start3A_81] : memref<204800x64xf32, #tpu.memory_space<hbm>> -> memref<800x64xf32, #tpu.memory_space<hbm>>
      tpu.enqueue_dma source(%arg8 : memref<800x64xf32, #tpu.memory_space<vmem>>) target(%dma_start3A_82 : memref<800x64xf32, #tpu.memory_space<hbm>>) target_semaphore(%run_scoped3A : memref<!tpu.dma_semaphore, #tpu.memory_space<semaphore_mem>>)
      %dma_wait3A_83 = arith.constant 0 : i32
      %dma_wait3A_84 = tpu.memref_slice %arg4[%add3A_43, %dma_wait3A_83] : memref<204800x64xf32, #tpu.memory_space<hbm>> -> memref<800x64xf32, #tpu.memory_space<hbm>>
      %dma_wait3A_85 = arith.constant 0 : i32
      %dma_wait3A_86 = tpu.memref_slice %arg4[%add3A_43, %dma_wait3A_85] : memref<204800x64xf32, #tpu.memory_space<hbm>> -> memref<800x64xf32, #tpu.memory_space<hbm>>
      tpu.wait_dma2 semaphore(%run_scoped3A : memref<!tpu.dma_semaphore, #tpu.memory_space<semaphore_mem>>) src(%arg8 : memref<800x64xf32, #tpu.memory_space<vmem>>) dst(%dma_wait3A_86 : memref<800x64xf32, #tpu.memory_space<hbm>>)
      tpu.yield
    }) : () -> ()
    %add3A_44 = arith.constant 4000 : i32
    %add3A_45 = arith.addi %mul3A_2, %add3A_44 : i32
    "tpu.region"() ({
      %run_scoped3A = tpu.sem_alloc : memref<!tpu.dma_semaphore, #tpu.memory_space<semaphore_mem>>
      %dma_start3A_79 = tpu.memref_slice %arg3[%add3A_45] : memref<204800xi32, #tpu.memory_space<hbm>> -> memref<800xi32, #tpu.memory_space<hbm>>
      %dma_start3A_80 = tpu.memref_slice %arg3[%add3A_45] : memref<204800xi32, #tpu.memory_space<hbm>> -> memref<800xi32, #tpu.memory_space<hbm>>
      tpu.enqueue_dma source(%dma_start3A_80 : memref<800xi32, #tpu.memory_space<hbm>>) target(%arg6 : memref<800xi32, #tpu.memory_space<vmem>>) target_semaphore(%run_scoped3A : memref<!tpu.dma_semaphore, #tpu.memory_space<semaphore_mem>>)
      %dma_wait3A_81 = tpu.memref_slice %arg3[%add3A_45] : memref<204800xi32, #tpu.memory_space<hbm>> -> memref<800xi32, #tpu.memory_space<hbm>>
      %dma_wait3A_82 = tpu.memref_slice %arg3[%add3A_45] : memref<204800xi32, #tpu.memory_space<hbm>> -> memref<800xi32, #tpu.memory_space<hbm>>
      tpu.wait_dma2 semaphore(%run_scoped3A : memref<!tpu.dma_semaphore, #tpu.memory_space<semaphore_mem>>) src(%dma_wait3A_82 : memref<800xi32, #tpu.memory_space<hbm>>) dst(%arg6 : memref<800xi32, #tpu.memory_space<vmem>>)
      tpu.yield
    }) : () -> ()
    %dma_start3A_46 = arith.constant 0 : i32
    %dma_start3A_47 = arith.constant 0 : i32
    %dma_start3A_48 = tpu.memref_slice %arg2[%dma_start3A_46, %dma_start3A_47] : memref<500000x64xf32, #tpu.memory_space<hbm>> -> memref<500000x64xf32, #tpu.memory_space<hbm>>
    tpu.enqueue_indirect_dma source(%dma_start3A_48 : memref<500000x64xf32, #tpu.memory_space<hbm>>) target(%arg8 : memref<800x64xf32, #tpu.memory_space<vmem>>) offsets(%arg6 : memref<800xi32, #tpu.memory_space<vmem>>) semaphore(%arg10 : memref<!tpu.dma_semaphore, #tpu.memory_space<semaphore_mem>>)
    %dma_wait3A_49 = arith.constant 0 : i32
    %dma_wait3A_50 = arith.constant 0 : i32
    %dma_wait3A_51 = tpu.memref_slice %arg2[%dma_wait3A_49, %dma_wait3A_50] : memref<500000x64xf32, #tpu.memory_space<hbm>> -> memref<500000x64xf32, #tpu.memory_space<hbm>>
    tpu.wait_indirect_dma semaphore(%arg9 : memref<!tpu.dma_semaphore, #tpu.memory_space<semaphore_mem>>) src(%dma_wait3A_51 : memref<500000x64xf32, #tpu.memory_space<hbm>>) dst(%arg7 : memref<800x64xf32, #tpu.memory_space<vmem>>)
    %add3A_52 = arith.constant 3200 : i32
    %add3A_53 = arith.addi %mul3A_2, %add3A_52 : i32
    "tpu.region"() ({
      %run_scoped3A = tpu.sem_alloc : memref<!tpu.dma_semaphore, #tpu.memory_space<semaphore_mem>>
      %dma_start3A_79 = arith.constant 0 : i32
      %dma_start3A_80 = tpu.memref_slice %arg4[%add3A_53, %dma_start3A_79] : memref<204800x64xf32, #tpu.memory_space<hbm>> -> memref<800x64xf32, #tpu.memory_space<hbm>>
      %dma_start3A_81 = arith.constant 0 : i32
      %dma_start3A_82 = tpu.memref_slice %arg4[%add3A_53, %dma_start3A_81] : memref<204800x64xf32, #tpu.memory_space<hbm>> -> memref<800x64xf32, #tpu.memory_space<hbm>>
      tpu.enqueue_dma source(%arg7 : memref<800x64xf32, #tpu.memory_space<vmem>>) target(%dma_start3A_82 : memref<800x64xf32, #tpu.memory_space<hbm>>) target_semaphore(%run_scoped3A : memref<!tpu.dma_semaphore, #tpu.memory_space<semaphore_mem>>)
      %dma_wait3A_83 = arith.constant 0 : i32
      %dma_wait3A_84 = tpu.memref_slice %arg4[%add3A_53, %dma_wait3A_83] : memref<204800x64xf32, #tpu.memory_space<hbm>> -> memref<800x64xf32, #tpu.memory_space<hbm>>
      %dma_wait3A_85 = arith.constant 0 : i32
      %dma_wait3A_86 = tpu.memref_slice %arg4[%add3A_53, %dma_wait3A_85] : memref<204800x64xf32, #tpu.memory_space<hbm>> -> memref<800x64xf32, #tpu.memory_space<hbm>>
      tpu.wait_dma2 semaphore(%run_scoped3A : memref<!tpu.dma_semaphore, #tpu.memory_space<semaphore_mem>>) src(%arg7 : memref<800x64xf32, #tpu.memory_space<vmem>>) dst(%dma_wait3A_86 : memref<800x64xf32, #tpu.memory_space<hbm>>)
      tpu.yield
    }) : () -> ()
    %add3A_54 = arith.constant 4800 : i32
    %add3A_55 = arith.addi %mul3A_2, %add3A_54 : i32
    "tpu.region"() ({
      %run_scoped3A = tpu.sem_alloc : memref<!tpu.dma_semaphore, #tpu.memory_space<semaphore_mem>>
      %dma_start3A_79 = tpu.memref_slice %arg3[%add3A_55] : memref<204800xi32, #tpu.memory_space<hbm>> -> memref<800xi32, #tpu.memory_space<hbm>>
      %dma_start3A_80 = tpu.memref_slice %arg3[%add3A_55] : memref<204800xi32, #tpu.memory_space<hbm>> -> memref<800xi32, #tpu.memory_space<hbm>>
      tpu.enqueue_dma source(%dma_start3A_80 : memref<800xi32, #tpu.memory_space<hbm>>) target(%arg5 : memref<800xi32, #tpu.memory_space<vmem>>) target_semaphore(%run_scoped3A : memref<!tpu.dma_semaphore, #tpu.memory_space<semaphore_mem>>)
      %dma_wait3A_81 = tpu.memref_slice %arg3[%add3A_55] : memref<204800xi32, #tpu.memory_space<hbm>> -> memref<800xi32, #tpu.memory_space<hbm>>
      %dma_wait3A_82 = tpu.memref_slice %arg3[%add3A_55] : memref<204800xi32, #tpu.memory_space<hbm>> -> memref<800xi32, #tpu.memory_space<hbm>>
      tpu.wait_dma2 semaphore(%run_scoped3A : memref<!tpu.dma_semaphore, #tpu.memory_space<semaphore_mem>>) src(%dma_wait3A_82 : memref<800xi32, #tpu.memory_space<hbm>>) dst(%arg5 : memref<800xi32, #tpu.memory_space<vmem>>)
      tpu.yield
    }) : () -> ()
    %dma_start3A_56 = arith.constant 0 : i32
    %dma_start3A_57 = arith.constant 0 : i32
    %dma_start3A_58 = tpu.memref_slice %arg2[%dma_start3A_56, %dma_start3A_57] : memref<500000x64xf32, #tpu.memory_space<hbm>> -> memref<500000x64xf32, #tpu.memory_space<hbm>>
    tpu.enqueue_indirect_dma source(%dma_start3A_58 : memref<500000x64xf32, #tpu.memory_space<hbm>>) target(%arg7 : memref<800x64xf32, #tpu.memory_space<vmem>>) offsets(%arg5 : memref<800xi32, #tpu.memory_space<vmem>>) semaphore(%arg9 : memref<!tpu.dma_semaphore, #tpu.memory_space<semaphore_mem>>)
    %dma_wait3A_59 = arith.constant 0 : i32
    %dma_wait3A_60 = arith.constant 0 : i32
    %dma_wait3A_61 = tpu.memref_slice %arg2[%dma_wait3A_59, %dma_wait3A_60] : memref<500000x64xf32, #tpu.memory_space<hbm>> -> memref<500000x64xf32, #tpu.memory_space<hbm>>
    tpu.wait_indirect_dma semaphore(%arg10 : memref<!tpu.dma_semaphore, #tpu.memory_space<semaphore_mem>>) src(%dma_wait3A_61 : memref<500000x64xf32, #tpu.memory_space<hbm>>) dst(%arg8 : memref<800x64xf32, #tpu.memory_space<vmem>>)
    %add3A_62 = arith.constant 4000 : i32
    %add3A_63 = arith.addi %mul3A_2, %add3A_62 : i32
    "tpu.region"() ({
      %run_scoped3A = tpu.sem_alloc : memref<!tpu.dma_semaphore, #tpu.memory_space<semaphore_mem>>
      %dma_start3A_79 = arith.constant 0 : i32
      %dma_start3A_80 = tpu.memref_slice %arg4[%add3A_63, %dma_start3A_79] : memref<204800x64xf32, #tpu.memory_space<hbm>> -> memref<800x64xf32, #tpu.memory_space<hbm>>
      %dma_start3A_81 = arith.constant 0 : i32
      %dma_start3A_82 = tpu.memref_slice %arg4[%add3A_63, %dma_start3A_81] : memref<204800x64xf32, #tpu.memory_space<hbm>> -> memref<800x64xf32, #tpu.memory_space<hbm>>
      tpu.enqueue_dma source(%arg8 : memref<800x64xf32, #tpu.memory_space<vmem>>) target(%dma_start3A_82 : memref<800x64xf32, #tpu.memory_space<hbm>>) target_semaphore(%run_scoped3A : memref<!tpu.dma_semaphore, #tpu.memory_space<semaphore_mem>>)
      %dma_wait3A_83 = arith.constant 0 : i32
      %dma_wait3A_84 = tpu.memref_slice %arg4[%add3A_63, %dma_wait3A_83] : memref<204800x64xf32, #tpu.memory_space<hbm>> -> memref<800x64xf32, #tpu.memory_space<hbm>>
      %dma_wait3A_85 = arith.constant 0 : i32
      %dma_wait3A_86 = tpu.memref_slice %arg4[%add3A_63, %dma_wait3A_85] : memref<204800x64xf32, #tpu.memory_space<hbm>> -> memref<800x64xf32, #tpu.memory_space<hbm>>
      tpu.wait_dma2 semaphore(%run_scoped3A : memref<!tpu.dma_semaphore, #tpu.memory_space<semaphore_mem>>) src(%arg8 : memref<800x64xf32, #tpu.memory_space<vmem>>) dst(%dma_wait3A_86 : memref<800x64xf32, #tpu.memory_space<hbm>>)
      tpu.yield
    }) : () -> ()
    %add3A_64 = arith.constant 5600 : i32
    %add3A_65 = arith.addi %mul3A_2, %add3A_64 : i32
    "tpu.region"() ({
      %run_scoped3A = tpu.sem_alloc : memref<!tpu.dma_semaphore, #tpu.memory_space<semaphore_mem>>
      %dma_start3A_79 = tpu.memref_slice %arg3[%add3A_65] : memref<204800xi32, #tpu.memory_space<hbm>> -> memref<800xi32, #tpu.memory_space<hbm>>
      %dma_start3A_80 = tpu.memref_slice %arg3[%add3A_65] : memref<204800xi32, #tpu.memory_space<hbm>> -> memref<800xi32, #tpu.memory_space<hbm>>
      tpu.enqueue_dma source(%dma_start3A_80 : memref<800xi32, #tpu.memory_space<hbm>>) target(%arg6 : memref<800xi32, #tpu.memory_space<vmem>>) target_semaphore(%run_scoped3A : memref<!tpu.dma_semaphore, #tpu.memory_space<semaphore_mem>>)
      %dma_wait3A_81 = tpu.memref_slice %arg3[%add3A_65] : memref<204800xi32, #tpu.memory_space<hbm>> -> memref<800xi32, #tpu.memory_space<hbm>>
      %dma_wait3A_82 = tpu.memref_slice %arg3[%add3A_65] : memref<204800xi32, #tpu.memory_space<hbm>> -> memref<800xi32, #tpu.memory_space<hbm>>
      tpu.wait_dma2 semaphore(%run_scoped3A : memref<!tpu.dma_semaphore, #tpu.memory_space<semaphore_mem>>) src(%dma_wait3A_82 : memref<800xi32, #tpu.memory_space<hbm>>) dst(%arg6 : memref<800xi32, #tpu.memory_space<vmem>>)
      tpu.yield
    }) : () -> ()
    %dma_start3A_66 = arith.constant 0 : i32
    %dma_start3A_67 = arith.constant 0 : i32
    %dma_start3A_68 = tpu.memref_slice %arg2[%dma_start3A_66, %dma_start3A_67] : memref<500000x64xf32, #tpu.memory_space<hbm>> -> memref<500000x64xf32, #tpu.memory_space<hbm>>
    tpu.enqueue_indirect_dma source(%dma_start3A_68 : memref<500000x64xf32, #tpu.memory_space<hbm>>) target(%arg8 : memref<800x64xf32, #tpu.memory_space<vmem>>) offsets(%arg6 : memref<800xi32, #tpu.memory_space<vmem>>) semaphore(%arg10 : memref<!tpu.dma_semaphore, #tpu.memory_space<semaphore_mem>>)
    %dma_wait3A_69 = arith.constant 0 : i32
    %dma_wait3A_70 = arith.constant 0 : i32
    %dma_wait3A_71 = tpu.memref_slice %arg2[%dma_wait3A_69, %dma_wait3A_70] : memref<500000x64xf32, #tpu.memory_space<hbm>> -> memref<500000x64xf32, #tpu.memory_space<hbm>>
    tpu.wait_indirect_dma semaphore(%arg9 : memref<!tpu.dma_semaphore, #tpu.memory_space<semaphore_mem>>) src(%dma_wait3A_71 : memref<500000x64xf32, #tpu.memory_space<hbm>>) dst(%arg7 : memref<800x64xf32, #tpu.memory_space<vmem>>)
    %add3A_72 = arith.constant 4800 : i32
    %add3A_73 = arith.addi %mul3A_2, %add3A_72 : i32
    "tpu.region"() ({
      %run_scoped3A = tpu.sem_alloc : memref<!tpu.dma_semaphore, #tpu.memory_space<semaphore_mem>>
      %dma_start3A_79 = arith.constant 0 : i32
      %dma_start3A_80 = tpu.memref_slice %arg4[%add3A_73, %dma_start3A_79] : memref<204800x64xf32, #tpu.memory_space<hbm>> -> memref<800x64xf32, #tpu.memory_space<hbm>>
      %dma_start3A_81 = arith.constant 0 : i32
      %dma_start3A_82 = tpu.memref_slice %arg4[%add3A_73, %dma_start3A_81] : memref<204800x64xf32, #tpu.memory_space<hbm>> -> memref<800x64xf32, #tpu.memory_space<hbm>>
      tpu.enqueue_dma source(%arg7 : memref<800x64xf32, #tpu.memory_space<vmem>>) target(%dma_start3A_82 : memref<800x64xf32, #tpu.memory_space<hbm>>) target_semaphore(%run_scoped3A : memref<!tpu.dma_semaphore, #tpu.memory_space<semaphore_mem>>)
      %dma_wait3A_83 = arith.constant 0 : i32
      %dma_wait3A_84 = tpu.memref_slice %arg4[%add3A_73, %dma_wait3A_83] : memref<204800x64xf32, #tpu.memory_space<hbm>> -> memref<800x64xf32, #tpu.memory_space<hbm>>
      %dma_wait3A_85 = arith.constant 0 : i32
      %dma_wait3A_86 = tpu.memref_slice %arg4[%add3A_73, %dma_wait3A_85] : memref<204800x64xf32, #tpu.memory_space<hbm>> -> memref<800x64xf32, #tpu.memory_space<hbm>>
      tpu.wait_dma2 semaphore(%run_scoped3A : memref<!tpu.dma_semaphore, #tpu.memory_space<semaphore_mem>>) src(%arg7 : memref<800x64xf32, #tpu.memory_space<vmem>>) dst(%dma_wait3A_86 : memref<800x64xf32, #tpu.memory_space<hbm>>)
      tpu.yield
    }) : () -> ()
    %dma_wait3A_74 = arith.constant 0 : i32
    %dma_wait3A_75 = arith.constant 0 : i32
    %dma_wait3A_76 = tpu.memref_slice %arg2[%dma_wait3A_74, %dma_wait3A_75] : memref<500000x64xf32, #tpu.memory_space<hbm>> -> memref<500000x64xf32, #tpu.memory_space<hbm>>
    tpu.wait_indirect_dma semaphore(%arg10 : memref<!tpu.dma_semaphore, #tpu.memory_space<semaphore_mem>>) src(%dma_wait3A_76 : memref<500000x64xf32, #tpu.memory_space<hbm>>) dst(%arg8 : memref<800x64xf32, #tpu.memory_space<vmem>>)
    %add3A_77 = arith.constant 5600 : i32
    %add3A_78 = arith.addi %mul3A_2, %add3A_77 : i32
    "tpu.region"() ({
      %run_scoped3A = tpu.sem_alloc : memref<!tpu.dma_semaphore, #tpu.memory_space<semaphore_mem>>
      %dma_start3A_79 = arith.constant 0 : i32
      %dma_start3A_80 = tpu.memref_slice %arg4[%add3A_78, %dma_start3A_79] : memref<204800x64xf32, #tpu.memory_space<hbm>> -> memref<800x64xf32, #tpu.memory_space<hbm>>
      %dma_start3A_81 = arith.constant 0 : i32
      %dma_start3A_82 = tpu.memref_slice %arg4[%add3A_78, %dma_start3A_81] : memref<204800x64xf32, #tpu.memory_space<hbm>> -> memref<800x64xf32, #tpu.memory_space<hbm>>
      tpu.enqueue_dma source(%arg8 : memref<800x64xf32, #tpu.memory_space<vmem>>) target(%dma_start3A_82 : memref<800x64xf32, #tpu.memory_space<hbm>>) target_semaphore(%run_scoped3A : memref<!tpu.dma_semaphore, #tpu.memory_space<semaphore_mem>>)
      %dma_wait3A_83 = arith.constant 0 : i32
      %dma_wait3A_84 = tpu.memref_slice %arg4[%add3A_78, %dma_wait3A_83] : memref<204800x64xf32, #tpu.memory_space<hbm>> -> memref<800x64xf32, #tpu.memory_space<hbm>>
      %dma_wait3A_85 = arith.constant 0 : i32
      %dma_wait3A_86 = tpu.memref_slice %arg4[%add3A_78, %dma_wait3A_85] : memref<204800x64xf32, #tpu.memory_space<hbm>> -> memref<800x64xf32, #tpu.memory_space<hbm>>
      tpu.wait_dma2 semaphore(%run_scoped3A : memref<!tpu.dma_semaphore, #tpu.memory_space<semaphore_mem>>) src(%arg8 : memref<800x64xf32, #tpu.memory_space<vmem>>) dst(%dma_wait3A_86 : memref<800x64xf32, #tpu.memory_space<hbm>>)
      tpu.yield
    }) : () -> ()
    return
  }
}

#map = affine_map<(d0, d1) -> (0, 0)>
#map1 = affine_map<(d0, d1) -> (0)>
module attributes {stable_mosaic.version = 14 : i64} {
  func.func @k(%arg0: i32, %arg1: i32, %arg2: memref<500000x64xf32, #tpu.memory_space<hbm>>, %arg3: memref<204800xi32, #tpu.memory_space<hbm>>, %arg4: memref<204800x64xf32, #tpu.memory_space<hbm>>, %arg5: memref<800xi32, #tpu.memory_space<vmem>>, %arg6: memref<800xi32, #tpu.memory_space<vmem>>, %arg7: memref<800x64xf32, #tpu.memory_space<vmem>>, %arg8: memref<800x64xf32, #tpu.memory_space<vmem>>, %arg9: memref<!tpu.dma_semaphore, #tpu.memory_space<semaphore_mem>>, %arg10: memref<!tpu.dma_semaphore, #tpu.memory_space<semaphore_mem>>) attributes {dimension_semantics = [#tpu.dimension_semantics<core_parallel>, #tpu.dimension_semantics<subcore_parallel>], iteration_bounds = array<i64: 2, 16>, scalar_prefetch = 0 : i64, scratch_operands = 6 : i64, tpu.core_type = #tpu.core_type<sc_vector_subcore>, window_params = [{transform_indices = #map}, {transform_indices = #map1}, {transform_indices = #map}]} {
    %mul3A = arith.constant 2 : i32
    %mul3A_0 = arith.muli %arg1, %mul3A : i32
    %add3A = arith.addi %mul3A_0, %arg0 : i32
    %mul3A_1 = arith.constant 6400 : i32
    %mul3A_2 = arith.muli %add3A, %mul3A_1 : i32
    "tpu.region"() ({
      %run_scoped3A = tpu.sem_alloc : memref<!tpu.dma_semaphore, #tpu.memory_space<semaphore_mem>>
      %dma_start3A_79 = tpu.memref_slice %arg3[%mul3A_2] : memref<204800xi32, #tpu.memory_space<hbm>> -> memref<800xi32, #tpu.memory_space<hbm>>
      %dma_start3A_80 = tpu.memref_slice %arg3[%mul3A_2] : memref<204800xi32, #tpu.memory_space<hbm>> -> memref<800xi32, #tpu.memory_space<hbm>>
      tpu.enqueue_dma source(%dma_start3A_80 : memref<800xi32, #tpu.memory_space<hbm>>) target(%arg5 : memref<800xi32, #tpu.memory_space<vmem>>) target_semaphore(%run_scoped3A : memref<!tpu.dma_semaphore, #tpu.memory_space<semaphore_mem>>)
      %dma_wait3A_81 = tpu.memref_slice %arg3[%mul3A_2] : memref<204800xi32, #tpu.memory_space<hbm>> -> memref<800xi32, #tpu.memory_space<hbm>>
      %dma_wait3A_82 = tpu.memref_slice %arg3[%mul3A_2] : memref<204800xi32, #tpu.memory_space<hbm>> -> memref<800xi32, #tpu.memory_space<hbm>>
      tpu.wait_dma2 semaphore(%run_scoped3A : memref<!tpu.dma_semaphore, #tpu.memory_space<semaphore_mem>>) src(%dma_wait3A_82 : memref<800xi32, #tpu.memory_space<hbm>>) dst(%arg5 : memref<800xi32, #tpu.memory_space<vmem>>)
      tpu.yield
    }) : () -> ()
    %dma_start3A = arith.constant 0 : i32
    %dma_start3A_3 = arith.constant 0 : i32
    %dma_start3A_4 = tpu.memref_slice %arg2[%dma_start3A, %dma_start3A_3] : memref<500000x64xf32, #tpu.memory_space<hbm>> -> memref<500000x64xf32, #tpu.memory_space<hbm>>
    tpu.enqueue_indirect_dma source(%dma_start3A_4 : memref<500000x64xf32, #tpu.memory_space<hbm>>) target(%arg7 : memref<800x64xf32, #tpu.memory_space<vmem>>) offsets(%arg5 : memref<800xi32, #tpu.memory_space<vmem>>) semaphore(%arg9 : memref<!tpu.dma_semaphore, #tpu.memory_space<semaphore_mem>>)
    %add3A_5 = arith.constant 800 : i32
    %add3A_6 = arith.addi %mul3A_2, %add3A_5 : i32
    "tpu.region"() ({
      %run_scoped3A = tpu.sem_alloc : memref<!tpu.dma_semaphore, #tpu.memory_space<semaphore_mem>>
      %dma_start3A_79 = tpu.memref_slice %arg3[%add3A_6] : memref<204800xi32, #tpu.memory_space<hbm>> -> memref<800xi32, #tpu.memory_space<hbm>>
      %dma_start3A_80 = tpu.memref_slice %arg3[%add3A_6] : memref<204800xi32, #tpu.memory_space<hbm>> -> memref<800xi32, #tpu.memory_space<hbm>>
      tpu.enqueue_dma source(%dma_start3A_80 : memref<800xi32, #tpu.memory_space<hbm>>) target(%arg6 : memref<800xi32, #tpu.memory_space<vmem>>) target_semaphore(%run_scoped3A : memref<!tpu.dma_semaphore, #tpu.memory_space<semaphore_mem>>)
      %dma_wait3A_81 = tpu.memref_slice %arg3[%add3A_6] : memref<204800xi32, #tpu.memory_space<hbm>> -> memref<800xi32, #tpu.memory_space<hbm>>
      %dma_wait3A_82 = tpu.memref_slice %arg3[%add3A_6] : memref<204800xi32, #tpu.memory_space<hbm>> -> memref<800xi32, #tpu.memory_space<hbm>>
      tpu.wait_dma2 semaphore(%run_scoped3A : memref<!tpu.dma_semaphore, #tpu.memory_space<semaphore_mem>>) src(%dma_wait3A_82 : memref<800xi32, #tpu.memory_space<hbm>>) dst(%arg6 : memref<800xi32, #tpu.memory_space<vmem>>)
      tpu.yield
    }) : () -> ()
    %dma_start3A_7 = arith.constant 0 : i32
    %dma_start3A_8 = arith.constant 0 : i32
    %dma_start3A_9 = tpu.memref_slice %arg2[%dma_start3A_7, %dma_start3A_8] : memref<500000x64xf32, #tpu.memory_space<hbm>> -> memref<500000x64xf32, #tpu.memory_space<hbm>>
    tpu.enqueue_indirect_dma source(%dma_start3A_9 : memref<500000x64xf32, #tpu.memory_space<hbm>>) target(%arg8 : memref<800x64xf32, #tpu.memory_space<vmem>>) offsets(%arg6 : memref<800xi32, #tpu.memory_space<vmem>>) semaphore(%arg10 : memref<!tpu.dma_semaphore, #tpu.memory_space<semaphore_mem>>)
    %dma_wait3A = arith.constant 0 : i32
    %dma_wait3A_10 = arith.constant 0 : i32
    %dma_wait3A_11 = tpu.memref_slice %arg2[%dma_wait3A, %dma_wait3A_10] : memref<500000x64xf32, #tpu.memory_space<hbm>> -> memref<500000x64xf32, #tpu.memory_space<hbm>>
    tpu.wait_indirect_dma semaphore(%arg9 : memref<!tpu.dma_semaphore, #tpu.memory_space<semaphore_mem>>) src(%dma_wait3A_11 : memref<500000x64xf32, #tpu.memory_space<hbm>>) dst(%arg7 : memref<800x64xf32, #tpu.memory_space<vmem>>)
    %add3A_12 = arith.constant 0 : i32
    %add3A_13 = arith.addi %mul3A_2, %add3A_12 : i32
    "tpu.region"() ({
      %run_scoped3A = tpu.sem_alloc : memref<!tpu.dma_semaphore, #tpu.memory_space<semaphore_mem>>
      %dma_start3A_79 = arith.constant 0 : i32
      %dma_start3A_80 = tpu.memref_slice %arg4[%add3A_13, %dma_start3A_79] : memref<204800x64xf32, #tpu.memory_space<hbm>> -> memref<800x64xf32, #tpu.memory_space<hbm>>
      %dma_start3A_81 = arith.constant 0 : i32
      %dma_start3A_82 = tpu.memref_slice %arg4[%add3A_13, %dma_start3A_81] : memref<204800x64xf32, #tpu.memory_space<hbm>> -> memref<800x64xf32, #tpu.memory_space<hbm>>
      tpu.enqueue_dma source(%arg7 : memref<800x64xf32, #tpu.memory_space<vmem>>) target(%dma_start3A_82 : memref<800x64xf32, #tpu.memory_space<hbm>>) target_semaphore(%run_scoped3A : memref<!tpu.dma_semaphore, #tpu.memory_space<semaphore_mem>>)
      %dma_wait3A_83 = arith.constant 0 : i32
      %dma_wait3A_84 = tpu.memref_slice %arg4[%add3A_13, %dma_wait3A_83] : memref<204800x64xf32, #tpu.memory_space<hbm>> -> memref<800x64xf32, #tpu.memory_space<hbm>>
      %dma_wait3A_85 = arith.constant 0 : i32
      %dma_wait3A_86 = tpu.memref_slice %arg4[%add3A_13, %dma_wait3A_85] : memref<204800x64xf32, #tpu.memory_space<hbm>> -> memref<800x64xf32, #tpu.memory_space<hbm>>
      tpu.wait_dma2 semaphore(%run_scoped3A : memref<!tpu.dma_semaphore, #tpu.memory_space<semaphore_mem>>) src(%arg7 : memref<800x64xf32, #tpu.memory_space<vmem>>) dst(%dma_wait3A_86 : memref<800x64xf32, #tpu.memory_space<hbm>>)
      tpu.yield
    }) : () -> ()
    %add3A_14 = arith.constant 1600 : i32
    %add3A_15 = arith.addi %mul3A_2, %add3A_14 : i32
    "tpu.region"() ({
      %run_scoped3A = tpu.sem_alloc : memref<!tpu.dma_semaphore, #tpu.memory_space<semaphore_mem>>
      %dma_start3A_79 = tpu.memref_slice %arg3[%add3A_15] : memref<204800xi32, #tpu.memory_space<hbm>> -> memref<800xi32, #tpu.memory_space<hbm>>
      %dma_start3A_80 = tpu.memref_slice %arg3[%add3A_15] : memref<204800xi32, #tpu.memory_space<hbm>> -> memref<800xi32, #tpu.memory_space<hbm>>
      tpu.enqueue_dma source(%dma_start3A_80 : memref<800xi32, #tpu.memory_space<hbm>>) target(%arg5 : memref<800xi32, #tpu.memory_space<vmem>>) target_semaphore(%run_scoped3A : memref<!tpu.dma_semaphore, #tpu.memory_space<semaphore_mem>>)
      %dma_wait3A_81 = tpu.memref_slice %arg3[%add3A_15] : memref<204800xi32, #tpu.memory_space<hbm>> -> memref<800xi32, #tpu.memory_space<hbm>>
      %dma_wait3A_82 = tpu.memref_slice %arg3[%add3A_15] : memref<204800xi32, #tpu.memory_space<hbm>> -> memref<800xi32, #tpu.memory_space<hbm>>
      tpu.wait_dma2 semaphore(%run_scoped3A : memref<!tpu.dma_semaphore, #tpu.memory_space<semaphore_mem>>) src(%dma_wait3A_82 : memref<800xi32, #tpu.memory_space<hbm>>) dst(%arg5 : memref<800xi32, #tpu.memory_space<vmem>>)
      tpu.yield
    }) : () -> ()
    %dma_start3A_16 = arith.constant 0 : i32
    %dma_start3A_17 = arith.constant 0 : i32
    %dma_start3A_18 = tpu.memref_slice %arg2[%dma_start3A_16, %dma_start3A_17] : memref<500000x64xf32, #tpu.memory_space<hbm>> -> memref<500000x64xf32, #tpu.memory_space<hbm>>
    tpu.enqueue_indirect_dma source(%dma_start3A_18 : memref<500000x64xf32, #tpu.memory_space<hbm>>) target(%arg7 : memref<800x64xf32, #tpu.memory_space<vmem>>) offsets(%arg5 : memref<800xi32, #tpu.memory_space<vmem>>) semaphore(%arg9 : memref<!tpu.dma_semaphore, #tpu.memory_space<semaphore_mem>>)
    %dma_wait3A_19 = arith.constant 0 : i32
    %dma_wait3A_20 = arith.constant 0 : i32
    %dma_wait3A_21 = tpu.memref_slice %arg2[%dma_wait3A_19, %dma_wait3A_20] : memref<500000x64xf32, #tpu.memory_space<hbm>> -> memref<500000x64xf32, #tpu.memory_space<hbm>>
    tpu.wait_indirect_dma semaphore(%arg10 : memref<!tpu.dma_semaphore, #tpu.memory_space<semaphore_mem>>) src(%dma_wait3A_21 : memref<500000x64xf32, #tpu.memory_space<hbm>>) dst(%arg8 : memref<800x64xf32, #tpu.memory_space<vmem>>)
    %add3A_22 = arith.constant 800 : i32
    %add3A_23 = arith.addi %mul3A_2, %add3A_22 : i32
    "tpu.region"() ({
      %run_scoped3A = tpu.sem_alloc : memref<!tpu.dma_semaphore, #tpu.memory_space<semaphore_mem>>
      %dma_start3A_79 = arith.constant 0 : i32
      %dma_start3A_80 = tpu.memref_slice %arg4[%add3A_23, %dma_start3A_79] : memref<204800x64xf32, #tpu.memory_space<hbm>> -> memref<800x64xf32, #tpu.memory_space<hbm>>
      %dma_start3A_81 = arith.constant 0 : i32
      %dma_start3A_82 = tpu.memref_slice %arg4[%add3A_23, %dma_start3A_81] : memref<204800x64xf32, #tpu.memory_space<hbm>> -> memref<800x64xf32, #tpu.memory_space<hbm>>
      tpu.enqueue_dma source(%arg8 : memref<800x64xf32, #tpu.memory_space<vmem>>) target(%dma_start3A_82 : memref<800x64xf32, #tpu.memory_space<hbm>>) target_semaphore(%run_scoped3A : memref<!tpu.dma_semaphore, #tpu.memory_space<semaphore_mem>>)
      %dma_wait3A_83 = arith.constant 0 : i32
      %dma_wait3A_84 = tpu.memref_slice %arg4[%add3A_23, %dma_wait3A_83] : memref<204800x64xf32, #tpu.memory_space<hbm>> -> memref<800x64xf32, #tpu.memory_space<hbm>>
      %dma_wait3A_85 = arith.constant 0 : i32
      %dma_wait3A_86 = tpu.memref_slice %arg4[%add3A_23, %dma_wait3A_85] : memref<204800x64xf32, #tpu.memory_space<hbm>> -> memref<800x64xf32, #tpu.memory_space<hbm>>
      tpu.wait_dma2 semaphore(%run_scoped3A : memref<!tpu.dma_semaphore, #tpu.memory_space<semaphore_mem>>) src(%arg8 : memref<800x64xf32, #tpu.memory_space<vmem>>) dst(%dma_wait3A_86 : memref<800x64xf32, #tpu.memory_space<hbm>>)
      tpu.yield
    }) : () -> ()
    %add3A_24 = arith.constant 2400 : i32
    %add3A_25 = arith.addi %mul3A_2, %add3A_24 : i32
    "tpu.region"() ({
      %run_scoped3A = tpu.sem_alloc : memref<!tpu.dma_semaphore, #tpu.memory_space<semaphore_mem>>
      %dma_start3A_79 = tpu.memref_slice %arg3[%add3A_25] : memref<204800xi32, #tpu.memory_space<hbm>> -> memref<800xi32, #tpu.memory_space<hbm>>
      %dma_start3A_80 = tpu.memref_slice %arg3[%add3A_25] : memref<204800xi32, #tpu.memory_space<hbm>> -> memref<800xi32, #tpu.memory_space<hbm>>
      tpu.enqueue_dma source(%dma_start3A_80 : memref<800xi32, #tpu.memory_space<hbm>>) target(%arg6 : memref<800xi32, #tpu.memory_space<vmem>>) target_semaphore(%run_scoped3A : memref<!tpu.dma_semaphore, #tpu.memory_space<semaphore_mem>>)
      %dma_wait3A_81 = tpu.memref_slice %arg3[%add3A_25] : memref<204800xi32, #tpu.memory_space<hbm>> -> memref<800xi32, #tpu.memory_space<hbm>>
      %dma_wait3A_82 = tpu.memref_slice %arg3[%add3A_25] : memref<204800xi32, #tpu.memory_space<hbm>> -> memref<800xi32, #tpu.memory_space<hbm>>
      tpu.wait_dma2 semaphore(%run_scoped3A : memref<!tpu.dma_semaphore, #tpu.memory_space<semaphore_mem>>) src(%dma_wait3A_82 : memref<800xi32, #tpu.memory_space<hbm>>) dst(%arg6 : memref<800xi32, #tpu.memory_space<vmem>>)
      tpu.yield
    }) : () -> ()
    %dma_start3A_26 = arith.constant 0 : i32
    %dma_start3A_27 = arith.constant 0 : i32
    %dma_start3A_28 = tpu.memref_slice %arg2[%dma_start3A_26, %dma_start3A_27] : memref<500000x64xf32, #tpu.memory_space<hbm>> -> memref<500000x64xf32, #tpu.memory_space<hbm>>
    tpu.enqueue_indirect_dma source(%dma_start3A_28 : memref<500000x64xf32, #tpu.memory_space<hbm>>) target(%arg8 : memref<800x64xf32, #tpu.memory_space<vmem>>) offsets(%arg6 : memref<800xi32, #tpu.memory_space<vmem>>) semaphore(%arg10 : memref<!tpu.dma_semaphore, #tpu.memory_space<semaphore_mem>>)
    %dma_wait3A_29 = arith.constant 0 : i32
    %dma_wait3A_30 = arith.constant 0 : i32
    %dma_wait3A_31 = tpu.memref_slice %arg2[%dma_wait3A_29, %dma_wait3A_30] : memref<500000x64xf32, #tpu.memory_space<hbm>> -> memref<500000x64xf32, #tpu.memory_space<hbm>>
    tpu.wait_indirect_dma semaphore(%arg9 : memref<!tpu.dma_semaphore, #tpu.memory_space<semaphore_mem>>) src(%dma_wait3A_31 : memref<500000x64xf32, #tpu.memory_space<hbm>>) dst(%arg7 : memref<800x64xf32, #tpu.memory_space<vmem>>)
    %add3A_32 = arith.constant 1600 : i32
    %add3A_33 = arith.addi %mul3A_2, %add3A_32 : i32
    "tpu.region"() ({
      %run_scoped3A = tpu.sem_alloc : memref<!tpu.dma_semaphore, #tpu.memory_space<semaphore_mem>>
      %dma_start3A_79 = arith.constant 0 : i32
      %dma_start3A_80 = tpu.memref_slice %arg4[%add3A_33, %dma_start3A_79] : memref<204800x64xf32, #tpu.memory_space<hbm>> -> memref<800x64xf32, #tpu.memory_space<hbm>>
      %dma_start3A_81 = arith.constant 0 : i32
      %dma_start3A_82 = tpu.memref_slice %arg4[%add3A_33, %dma_start3A_81] : memref<204800x64xf32, #tpu.memory_space<hbm>> -> memref<800x64xf32, #tpu.memory_space<hbm>>
      tpu.enqueue_dma source(%arg7 : memref<800x64xf32, #tpu.memory_space<vmem>>) target(%dma_start3A_82 : memref<800x64xf32, #tpu.memory_space<hbm>>) target_semaphore(%run_scoped3A : memref<!tpu.dma_semaphore, #tpu.memory_space<semaphore_mem>>)
      %dma_wait3A_83 = arith.constant 0 : i32
      %dma_wait3A_84 = tpu.memref_slice %arg4[%add3A_33, %dma_wait3A_83] : memref<204800x64xf32, #tpu.memory_space<hbm>> -> memref<800x64xf32, #tpu.memory_space<hbm>>
      %dma_wait3A_85 = arith.constant 0 : i32
      %dma_wait3A_86 = tpu.memref_slice %arg4[%add3A_33, %dma_wait3A_85] : memref<204800x64xf32, #tpu.memory_space<hbm>> -> memref<800x64xf32, #tpu.memory_space<hbm>>
      tpu.wait_dma2 semaphore(%run_scoped3A : memref<!tpu.dma_semaphore, #tpu.memory_space<semaphore_mem>>) src(%arg7 : memref<800x64xf32, #tpu.memory_space<vmem>>) dst(%dma_wait3A_86 : memref<800x64xf32, #tpu.memory_space<hbm>>)
      tpu.yield
    }) : () -> ()
    %add3A_34 = arith.constant 3200 : i32
    %add3A_35 = arith.addi %mul3A_2, %add3A_34 : i32
    "tpu.region"() ({
      %run_scoped3A = tpu.sem_alloc : memref<!tpu.dma_semaphore, #tpu.memory_space<semaphore_mem>>
      %dma_start3A_79 = tpu.memref_slice %arg3[%add3A_35] : memref<204800xi32, #tpu.memory_space<hbm>> -> memref<800xi32, #tpu.memory_space<hbm>>
      %dma_start3A_80 = tpu.memref_slice %arg3[%add3A_35] : memref<204800xi32, #tpu.memory_space<hbm>> -> memref<800xi32, #tpu.memory_space<hbm>>
      tpu.enqueue_dma source(%dma_start3A_80 : memref<800xi32, #tpu.memory_space<hbm>>) target(%arg5 : memref<800xi32, #tpu.memory_space<vmem>>) target_semaphore(%run_scoped3A : memref<!tpu.dma_semaphore, #tpu.memory_space<semaphore_mem>>)
      %dma_wait3A_81 = tpu.memref_slice %arg3[%add3A_35] : memref<204800xi32, #tpu.memory_space<hbm>> -> memref<800xi32, #tpu.memory_space<hbm>>
      %dma_wait3A_82 = tpu.memref_slice %arg3[%add3A_35] : memref<204800xi32, #tpu.memory_space<hbm>> -> memref<800xi32, #tpu.memory_space<hbm>>
      tpu.wait_dma2 semaphore(%run_scoped3A : memref<!tpu.dma_semaphore, #tpu.memory_space<semaphore_mem>>) src(%dma_wait3A_82 : memref<800xi32, #tpu.memory_space<hbm>>) dst(%arg5 : memref<800xi32, #tpu.memory_space<vmem>>)
      tpu.yield
    }) : () -> ()
    %dma_start3A_36 = arith.constant 0 : i32
    %dma_start3A_37 = arith.constant 0 : i32
    %dma_start3A_38 = tpu.memref_slice %arg2[%dma_start3A_36, %dma_start3A_37] : memref<500000x64xf32, #tpu.memory_space<hbm>> -> memref<500000x64xf32, #tpu.memory_space<hbm>>
    tpu.enqueue_indirect_dma source(%dma_start3A_38 : memref<500000x64xf32, #tpu.memory_space<hbm>>) target(%arg7 : memref<800x64xf32, #tpu.memory_space<vmem>>) offsets(%arg5 : memref<800xi32, #tpu.memory_space<vmem>>) semaphore(%arg9 : memref<!tpu.dma_semaphore, #tpu.memory_space<semaphore_mem>>)
    %dma_wait3A_39 = arith.constant 0 : i32
    %dma_wait3A_40 = arith.constant 0 : i32
    %dma_wait3A_41 = tpu.memref_slice %arg2[%dma_wait3A_39, %dma_wait3A_40] : memref<500000x64xf32, #tpu.memory_space<hbm>> -> memref<500000x64xf32, #tpu.memory_space<hbm>>
    tpu.wait_indirect_dma semaphore(%arg10 : memref<!tpu.dma_semaphore, #tpu.memory_space<semaphore_mem>>) src(%dma_wait3A_41 : memref<500000x64xf32, #tpu.memory_space<hbm>>) dst(%arg8 : memref<800x64xf32, #tpu.memory_space<vmem>>)
    %add3A_42 = arith.constant 2400 : i32
    %add3A_43 = arith.addi %mul3A_2, %add3A_42 : i32
    "tpu.region"() ({
      %run_scoped3A = tpu.sem_alloc : memref<!tpu.dma_semaphore, #tpu.memory_space<semaphore_mem>>
      %dma_start3A_79 = arith.constant 0 : i32
      %dma_start3A_80 = tpu.memref_slice %arg4[%add3A_43, %dma_start3A_79] : memref<204800x64xf32, #tpu.memory_space<hbm>> -> memref<800x64xf32, #tpu.memory_space<hbm>>
      %dma_start3A_81 = arith.constant 0 : i32
      %dma_start3A_82 = tpu.memref_slice %arg4[%add3A_43, %dma_start3A_81] : memref<204800x64xf32, #tpu.memory_space<hbm>> -> memref<800x64xf32, #tpu.memory_space<hbm>>
      tpu.enqueue_dma source(%arg8 : memref<800x64xf32, #tpu.memory_space<vmem>>) target(%dma_start3A_82 : memref<800x64xf32, #tpu.memory_space<hbm>>) target_semaphore(%run_scoped3A : memref<!tpu.dma_semaphore, #tpu.memory_space<semaphore_mem>>)
      %dma_wait3A_83 = arith.constant 0 : i32
      %dma_wait3A_84 = tpu.memref_slice %arg4[%add3A_43, %dma_wait3A_83] : memref<204800x64xf32, #tpu.memory_space<hbm>> -> memref<800x64xf32, #tpu.memory_space<hbm>>
      %dma_wait3A_85 = arith.constant 0 : i32
      %dma_wait3A_86 = tpu.memref_slice %arg4[%add3A_43, %dma_wait3A_85] : memref<204800x64xf32, #tpu.memory_space<hbm>> -> memref<800x64xf32, #tpu.memory_space<hbm>>
      tpu.wait_dma2 semaphore(%run_scoped3A : memref<!tpu.dma_semaphore, #tpu.memory_space<semaphore_mem>>) src(%arg8 : memref<800x64xf32, #tpu.memory_space<vmem>>) dst(%dma_wait3A_86 : memref<800x64xf32, #tpu.memory_space<hbm>>)
      tpu.yield
    }) : () -> ()
    %add3A_44 = arith.constant 4000 : i32
    %add3A_45 = arith.addi %mul3A_2, %add3A_44 : i32
    "tpu.region"() ({
      %run_scoped3A = tpu.sem_alloc : memref<!tpu.dma_semaphore, #tpu.memory_space<semaphore_mem>>
      %dma_start3A_79 = tpu.memref_slice %arg3[%add3A_45] : memref<204800xi32, #tpu.memory_space<hbm>> -> memref<800xi32, #tpu.memory_space<hbm>>
      %dma_start3A_80 = tpu.memref_slice %arg3[%add3A_45] : memref<204800xi32, #tpu.memory_space<hbm>> -> memref<800xi32, #tpu.memory_space<hbm>>
      tpu.enqueue_dma source(%dma_start3A_80 : memref<800xi32, #tpu.memory_space<hbm>>) target(%arg6 : memref<800xi32, #tpu.memory_space<vmem>>) target_semaphore(%run_scoped3A : memref<!tpu.dma_semaphore, #tpu.memory_space<semaphore_mem>>)
      %dma_wait3A_81 = tpu.memref_slice %arg3[%add3A_45] : memref<204800xi32, #tpu.memory_space<hbm>> -> memref<800xi32, #tpu.memory_space<hbm>>
      %dma_wait3A_82 = tpu.memref_slice %arg3[%add3A_45] : memref<204800xi32, #tpu.memory_space<hbm>> -> memref<800xi32, #tpu.memory_space<hbm>>
      tpu.wait_dma2 semaphore(%run_scoped3A : memref<!tpu.dma_semaphore, #tpu.memory_space<semaphore_mem>>) src(%dma_wait3A_82 : memref<800xi32, #tpu.memory_space<hbm>>) dst(%arg6 : memref<800xi32, #tpu.memory_space<vmem>>)
      tpu.yield
    }) : () -> ()
    %dma_start3A_46 = arith.constant 0 : i32
    %dma_start3A_47 = arith.constant 0 : i32
    %dma_start3A_48 = tpu.memref_slice %arg2[%dma_start3A_46, %dma_start3A_47] : memref<500000x64xf32, #tpu.memory_space<hbm>> -> memref<500000x64xf32, #tpu.memory_space<hbm>>
    tpu.enqueue_indirect_dma source(%dma_start3A_48 : memref<500000x64xf32, #tpu.memory_space<hbm>>) target(%arg8 : memref<800x64xf32, #tpu.memory_space<vmem>>) offsets(%arg6 : memref<800xi32, #tpu.memory_space<vmem>>) semaphore(%arg10 : memref<!tpu.dma_semaphore, #tpu.memory_space<semaphore_mem>>)
    %dma_wait3A_49 = arith.constant 0 : i32
    %dma_wait3A_50 = arith.constant 0 : i32
    %dma_wait3A_51 = tpu.memref_slice %arg2[%dma_wait3A_49, %dma_wait3A_50] : memref<500000x64xf32, #tpu.memory_space<hbm>> -> memref<500000x64xf32, #tpu.memory_space<hbm>>
    tpu.wait_indirect_dma semaphore(%arg9 : memref<!tpu.dma_semaphore, #tpu.memory_space<semaphore_mem>>) src(%dma_wait3A_51 : memref<500000x64xf32, #tpu.memory_space<hbm>>) dst(%arg7 : memref<800x64xf32, #tpu.memory_space<vmem>>)
    %add3A_52 = arith.constant 3200 : i32
    %add3A_53 = arith.addi %mul3A_2, %add3A_52 : i32
    "tpu.region"() ({
      %run_scoped3A = tpu.sem_alloc : memref<!tpu.dma_semaphore, #tpu.memory_space<semaphore_mem>>
      %dma_start3A_79 = arith.constant 0 : i32
      %dma_start3A_80 = tpu.memref_slice %arg4[%add3A_53, %dma_start3A_79] : memref<204800x64xf32, #tpu.memory_space<hbm>> -> memref<800x64xf32, #tpu.memory_space<hbm>>
      %dma_start3A_81 = arith.constant 0 : i32
      %dma_start3A_82 = tpu.memref_slice %arg4[%add3A_53, %dma_start3A_81] : memref<204800x64xf32, #tpu.memory_space<hbm>> -> memref<800x64xf32, #tpu.memory_space<hbm>>
      tpu.enqueue_dma source(%arg7 : memref<800x64xf32, #tpu.memory_space<vmem>>) target(%dma_start3A_82 : memref<800x64xf32, #tpu.memory_space<hbm>>) target_semaphore(%run_scoped3A : memref<!tpu.dma_semaphore, #tpu.memory_space<semaphore_mem>>)
      %dma_wait3A_83 = arith.constant 0 : i32
      %dma_wait3A_84 = tpu.memref_slice %arg4[%add3A_53, %dma_wait3A_83] : memref<204800x64xf32, #tpu.memory_space<hbm>> -> memref<800x64xf32, #tpu.memory_space<hbm>>
      %dma_wait3A_85 = arith.constant 0 : i32
      %dma_wait3A_86 = tpu.memref_slice %arg4[%add3A_53, %dma_wait3A_85] : memref<204800x64xf32, #tpu.memory_space<hbm>> -> memref<800x64xf32, #tpu.memory_space<hbm>>
      tpu.wait_dma2 semaphore(%run_scoped3A : memref<!tpu.dma_semaphore, #tpu.memory_space<semaphore_mem>>) src(%arg7 : memref<800x64xf32, #tpu.memory_space<vmem>>) dst(%dma_wait3A_86 : memref<800x64xf32, #tpu.memory_space<hbm>>)
      tpu.yield
    }) : () -> ()
    %add3A_54 = arith.constant 4800 : i32
    %add3A_55 = arith.addi %mul3A_2, %add3A_54 : i32
    "tpu.region"() ({
      %run_scoped3A = tpu.sem_alloc : memref<!tpu.dma_semaphore, #tpu.memory_space<semaphore_mem>>
      %dma_start3A_79 = tpu.memref_slice %arg3[%add3A_55] : memref<204800xi32, #tpu.memory_space<hbm>> -> memref<800xi32, #tpu.memory_space<hbm>>
      %dma_start3A_80 = tpu.memref_slice %arg3[%add3A_55] : memref<204800xi32, #tpu.memory_space<hbm>> -> memref<800xi32, #tpu.memory_space<hbm>>
      tpu.enqueue_dma source(%dma_start3A_80 : memref<800xi32, #tpu.memory_space<hbm>>) target(%arg5 : memref<800xi32, #tpu.memory_space<vmem>>) target_semaphore(%run_scoped3A : memref<!tpu.dma_semaphore, #tpu.memory_space<semaphore_mem>>)
      %dma_wait3A_81 = tpu.memref_slice %arg3[%add3A_55] : memref<204800xi32, #tpu.memory_space<hbm>> -> memref<800xi32, #tpu.memory_space<hbm>>
      %dma_wait3A_82 = tpu.memref_slice %arg3[%add3A_55] : memref<204800xi32, #tpu.memory_space<hbm>> -> memref<800xi32, #tpu.memory_space<hbm>>
      tpu.wait_dma2 semaphore(%run_scoped3A : memref<!tpu.dma_semaphore, #tpu.memory_space<semaphore_mem>>) src(%dma_wait3A_82 : memref<800xi32, #tpu.memory_space<hbm>>) dst(%arg5 : memref<800xi32, #tpu.memory_space<vmem>>)
      tpu.yield
    }) : () -> ()
    %dma_start3A_56 = arith.constant 0 : i32
    %dma_start3A_57 = arith.constant 0 : i32
    %dma_start3A_58 = tpu.memref_slice %arg2[%dma_start3A_56, %dma_start3A_57] : memref<500000x64xf32, #tpu.memory_space<hbm>> -> memref<500000x64xf32, #tpu.memory_space<hbm>>
    tpu.enqueue_indirect_dma source(%dma_start3A_58 : memref<500000x64xf32, #tpu.memory_space<hbm>>) target(%arg7 : memref<800x64xf32, #tpu.memory_space<vmem>>) offsets(%arg5 : memref<800xi32, #tpu.memory_space<vmem>>) semaphore(%arg9 : memref<!tpu.dma_semaphore, #tpu.memory_space<semaphore_mem>>)
    %dma_wait3A_59 = arith.constant 0 : i32
    %dma_wait3A_60 = arith.constant 0 : i32
    %dma_wait3A_61 = tpu.memref_slice %arg2[%dma_wait3A_59, %dma_wait3A_60] : memref<500000x64xf32, #tpu.memory_space<hbm>> -> memref<500000x64xf32, #tpu.memory_space<hbm>>
    tpu.wait_indirect_dma semaphore(%arg10 : memref<!tpu.dma_semaphore, #tpu.memory_space<semaphore_mem>>) src(%dma_wait3A_61 : memref<500000x64xf32, #tpu.memory_space<hbm>>) dst(%arg8 : memref<800x64xf32, #tpu.memory_space<vmem>>)
    %add3A_62 = arith.constant 4000 : i32
    %add3A_63 = arith.addi %mul3A_2, %add3A_62 : i32
    "tpu.region"() ({
      %run_scoped3A = tpu.sem_alloc : memref<!tpu.dma_semaphore, #tpu.memory_space<semaphore_mem>>
      %dma_start3A_79 = arith.constant 0 : i32
      %dma_start3A_80 = tpu.memref_slice %arg4[%add3A_63, %dma_start3A_79] : memref<204800x64xf32, #tpu.memory_space<hbm>> -> memref<800x64xf32, #tpu.memory_space<hbm>>
      %dma_start3A_81 = arith.constant 0 : i32
      %dma_start3A_82 = tpu.memref_slice %arg4[%add3A_63, %dma_start3A_81] : memref<204800x64xf32, #tpu.memory_space<hbm>> -> memref<800x64xf32, #tpu.memory_space<hbm>>
      tpu.enqueue_dma source(%arg8 : memref<800x64xf32, #tpu.memory_space<vmem>>) target(%dma_start3A_82 : memref<800x64xf32, #tpu.memory_space<hbm>>) target_semaphore(%run_scoped3A : memref<!tpu.dma_semaphore, #tpu.memory_space<semaphore_mem>>)
      %dma_wait3A_83 = arith.constant 0 : i32
      %dma_wait3A_84 = tpu.memref_slice %arg4[%add3A_63, %dma_wait3A_83] : memref<204800x64xf32, #tpu.memory_space<hbm>> -> memref<800x64xf32, #tpu.memory_space<hbm>>
      %dma_wait3A_85 = arith.constant 0 : i32
      %dma_wait3A_86 = tpu.memref_slice %arg4[%add3A_63, %dma_wait3A_85] : memref<204800x64xf32, #tpu.memory_space<hbm>> -> memref<800x64xf32, #tpu.memory_space<hbm>>
      tpu.wait_dma2 semaphore(%run_scoped3A : memref<!tpu.dma_semaphore, #tpu.memory_space<semaphore_mem>>) src(%arg8 : memref<800x64xf32, #tpu.memory_space<vmem>>) dst(%dma_wait3A_86 : memref<800x64xf32, #tpu.memory_space<hbm>>)
      tpu.yield
    }) : () -> ()
    %add3A_64 = arith.constant 5600 : i32
    %add3A_65 = arith.addi %mul3A_2, %add3A_64 : i32
    "tpu.region"() ({
      %run_scoped3A = tpu.sem_alloc : memref<!tpu.dma_semaphore, #tpu.memory_space<semaphore_mem>>
      %dma_start3A_79 = tpu.memref_slice %arg3[%add3A_65] : memref<204800xi32, #tpu.memory_space<hbm>> -> memref<800xi32, #tpu.memory_space<hbm>>
      %dma_start3A_80 = tpu.memref_slice %arg3[%add3A_65] : memref<204800xi32, #tpu.memory_space<hbm>> -> memref<800xi32, #tpu.memory_space<hbm>>
      tpu.enqueue_dma source(%dma_start3A_80 : memref<800xi32, #tpu.memory_space<hbm>>) target(%arg6 : memref<800xi32, #tpu.memory_space<vmem>>) target_semaphore(%run_scoped3A : memref<!tpu.dma_semaphore, #tpu.memory_space<semaphore_mem>>)
      %dma_wait3A_81 = tpu.memref_slice %arg3[%add3A_65] : memref<204800xi32, #tpu.memory_space<hbm>> -> memref<800xi32, #tpu.memory_space<hbm>>
      %dma_wait3A_82 = tpu.memref_slice %arg3[%add3A_65] : memref<204800xi32, #tpu.memory_space<hbm>> -> memref<800xi32, #tpu.memory_space<hbm>>
      tpu.wait_dma2 semaphore(%run_scoped3A : memref<!tpu.dma_semaphore, #tpu.memory_space<semaphore_mem>>) src(%dma_wait3A_82 : memref<800xi32, #tpu.memory_space<hbm>>) dst(%arg6 : memref<800xi32, #tpu.memory_space<vmem>>)
      tpu.yield
    }) : () -> ()
    %dma_start3A_66 = arith.constant 0 : i32
    %dma_start3A_67 = arith.constant 0 : i32
    %dma_start3A_68 = tpu.memref_slice %arg2[%dma_start3A_66, %dma_start3A_67] : memref<500000x64xf32, #tpu.memory_space<hbm>> -> memref<500000x64xf32, #tpu.memory_space<hbm>>
    tpu.enqueue_indirect_dma source(%dma_start3A_68 : memref<500000x64xf32, #tpu.memory_space<hbm>>) target(%arg8 : memref<800x64xf32, #tpu.memory_space<vmem>>) offsets(%arg6 : memref<800xi32, #tpu.memory_space<vmem>>) semaphore(%arg10 : memref<!tpu.dma_semaphore, #tpu.memory_space<semaphore_mem>>)
    %dma_wait3A_69 = arith.constant 0 : i32
    %dma_wait3A_70 = arith.constant 0 : i32
    %dma_wait3A_71 = tpu.memref_slice %arg2[%dma_wait3A_69, %dma_wait3A_70] : memref<500000x64xf32, #tpu.memory_space<hbm>> -> memref<500000x64xf32, #tpu.memory_space<hbm>>
    tpu.wait_indirect_dma semaphore(%arg9 : memref<!tpu.dma_semaphore, #tpu.memory_space<semaphore_mem>>) src(%dma_wait3A_71 : memref<500000x64xf32, #tpu.memory_space<hbm>>) dst(%arg7 : memref<800x64xf32, #tpu.memory_space<vmem>>)
    %add3A_72 = arith.constant 4800 : i32
    %add3A_73 = arith.addi %mul3A_2, %add3A_72 : i32
    "tpu.region"() ({
      %run_scoped3A = tpu.sem_alloc : memref<!tpu.dma_semaphore, #tpu.memory_space<semaphore_mem>>
      %dma_start3A_79 = arith.constant 0 : i32
      %dma_start3A_80 = tpu.memref_slice %arg4[%add3A_73, %dma_start3A_79] : memref<204800x64xf32, #tpu.memory_space<hbm>> -> memref<800x64xf32, #tpu.memory_space<hbm>>
      %dma_start3A_81 = arith.constant 0 : i32
      %dma_start3A_82 = tpu.memref_slice %arg4[%add3A_73, %dma_start3A_81] : memref<204800x64xf32, #tpu.memory_space<hbm>> -> memref<800x64xf32, #tpu.memory_space<hbm>>
      tpu.enqueue_dma source(%arg7 : memref<800x64xf32, #tpu.memory_space<vmem>>) target(%dma_start3A_82 : memref<800x64xf32, #tpu.memory_space<hbm>>) target_semaphore(%run_scoped3A : memref<!tpu.dma_semaphore, #tpu.memory_space<semaphore_mem>>)
      %dma_wait3A_83 = arith.constant 0 : i32
      %dma_wait3A_84 = tpu.memref_slice %arg4[%add3A_73, %dma_wait3A_83] : memref<204800x64xf32, #tpu.memory_space<hbm>> -> memref<800x64xf32, #tpu.memory_space<hbm>>
      %dma_wait3A_85 = arith.constant 0 : i32
      %dma_wait3A_86 = tpu.memref_slice %arg4[%add3A_73, %dma_wait3A_85] : memref<204800x64xf32, #tpu.memory_space<hbm>> -> memref<800x64xf32, #tpu.memory_space<hbm>>
      tpu.wait_dma2 semaphore(%run_scoped3A : memref<!tpu.dma_semaphore, #tpu.memory_space<semaphore_mem>>) src(%arg7 : memref<800x64xf32, #tpu.memory_space<vmem>>) dst(%dma_wait3A_86 : memref<800x64xf32, #tpu.memory_space<hbm>>)
      tpu.yield
    }) : () -> ()
    %dma_wait3A_74 = arith.constant 0 : i32
    %dma_wait3A_75 = arith.constant 0 : i32
    %dma_wait3A_76 = tpu.memref_slice %arg2[%dma_wait3A_74, %dma_wait3A_75] : memref<500000x64xf32, #tpu.memory_space<hbm>> -> memref<500000x64xf32, #tpu.memory_space<hbm>>
    tpu.wait_indirect_dma semaphore(%arg10 : memref<!tpu.dma_semaphore, #tpu.memory_space<semaphore_mem>>) src(%dma_wait3A_76 : memref<500000x64xf32, #tpu.memory_space<hbm>>) dst(%arg8 : memref<800x64xf32, #tpu.memory_space<vmem>>)
    %add3A_77 = arith.constant 5600 : i32
    %add3A_78 = arith.addi %mul3A_2, %add3A_77 : i32
    "tpu.region"() ({
      %run_scoped3A = tpu.sem_alloc : memref<!tpu.dma_semaphore, #tpu.memory_space<semaphore_mem>>
      %dma_start3A_79 = arith.constant 0 : i32
      %dma_start3A_80 = tpu.memref_slice %arg4[%add3A_78, %dma_start3A_79] : memref<204800x64xf32, #tpu.memory_space<hbm>> -> memref<800x64xf32, #tpu.memory_space<hbm>>
      %dma_start3A_81 = arith.constant 0 : i32
      %dma_start3A_82 = tpu.memref_slice %arg4[%add3A_78, %dma_start3A_81] : memref<204800x64xf32, #tpu.memory_space<hbm>> -> memref<800x64xf32, #tpu.memory_space<hbm>>
      tpu.enqueue_dma source(%arg8 : memref<800x64xf32, #tpu.memory_space<vmem>>) target(%dma_start3A_82 : memref<800x64xf32, #tpu.memory_space<hbm>>) target_semaphore(%run_scoped3A : memref<!tpu.dma_semaphore, #tpu.memory_space<semaphore_mem>>)
      %dma_wait3A_83 = arith.constant 0 : i32
      %dma_wait3A_84 = tpu.memref_slice %arg4[%add3A_78, %dma_wait3A_83] : memref<204800x64xf32, #tpu.memory_space<hbm>> -> memref<800x64xf32, #tpu.memory_space<hbm>>
      %dma_wait3A_85 = arith.constant 0 : i32
      %dma_wait3A_86 = tpu.memref_slice %arg4[%add3A_78, %dma_wait3A_85] : memref<204800x64xf32, #tpu.memory_space<hbm>> -> memref<800x64xf32, #tpu.memory_space<hbm>>
      tpu.wait_dma2 semaphore(%run_scoped3A : memref<!tpu.dma_semaphore, #tpu.memory_space<semaphore_mem>>) src(%arg8 : memref<800x64xf32, #tpu.memory_space<vmem>>) dst(%dma_wait3A_86 : memref<800x64xf32, #tpu.memory_space<hbm>>)
      tpu.yield
    }) : () -> ()
    return
  }
}

#map = affine_map<(d0, d1) -> (0, 0)>
#map1 = affine_map<(d0, d1) -> (0)>
module attributes {stable_mosaic.version = 14 : i64} {
  func.func @k(%arg0: i32, %arg1: i32, %arg2: memref<500000x64xf32, #tpu.memory_space<hbm>>, %arg3: memref<204800xi32, #tpu.memory_space<hbm>>, %arg4: memref<204800x64xf32, #tpu.memory_space<hbm>>, %arg5: memref<800xi32, #tpu.memory_space<vmem>>, %arg6: memref<800xi32, #tpu.memory_space<vmem>>, %arg7: memref<800x64xf32, #tpu.memory_space<vmem>>, %arg8: memref<800x64xf32, #tpu.memory_space<vmem>>, %arg9: memref<!tpu.dma_semaphore, #tpu.memory_space<semaphore_mem>>, %arg10: memref<!tpu.dma_semaphore, #tpu.memory_space<semaphore_mem>>) attributes {dimension_semantics = [#tpu.dimension_semantics<core_parallel>, #tpu.dimension_semantics<subcore_parallel>], iteration_bounds = array<i64: 2, 16>, scalar_prefetch = 0 : i64, scratch_operands = 6 : i64, tpu.core_type = #tpu.core_type<sc_vector_subcore>, window_params = [{transform_indices = #map}, {transform_indices = #map1}, {transform_indices = #map}]} {
    %mul3A = arith.constant 2 : i32
    %mul3A_0 = arith.muli %arg1, %mul3A : i32
    %add3A = arith.addi %mul3A_0, %arg0 : i32
    %mul3A_1 = arith.constant 6400 : i32
    %mul3A_2 = arith.muli %add3A, %mul3A_1 : i32
    "tpu.region"() ({
      %run_scoped3A = tpu.sem_alloc : memref<!tpu.dma_semaphore, #tpu.memory_space<semaphore_mem>>
      %dma_start3A_79 = tpu.memref_slice %arg3[%mul3A_2] : memref<204800xi32, #tpu.memory_space<hbm>> -> memref<800xi32, #tpu.memory_space<hbm>>
      %dma_start3A_80 = tpu.memref_slice %arg3[%mul3A_2] : memref<204800xi32, #tpu.memory_space<hbm>> -> memref<800xi32, #tpu.memory_space<hbm>>
      tpu.enqueue_dma source(%dma_start3A_80 : memref<800xi32, #tpu.memory_space<hbm>>) target(%arg5 : memref<800xi32, #tpu.memory_space<vmem>>) target_semaphore(%run_scoped3A : memref<!tpu.dma_semaphore, #tpu.memory_space<semaphore_mem>>)
      %dma_wait3A_81 = tpu.memref_slice %arg3[%mul3A_2] : memref<204800xi32, #tpu.memory_space<hbm>> -> memref<800xi32, #tpu.memory_space<hbm>>
      %dma_wait3A_82 = tpu.memref_slice %arg3[%mul3A_2] : memref<204800xi32, #tpu.memory_space<hbm>> -> memref<800xi32, #tpu.memory_space<hbm>>
      tpu.wait_dma2 semaphore(%run_scoped3A : memref<!tpu.dma_semaphore, #tpu.memory_space<semaphore_mem>>) src(%dma_wait3A_82 : memref<800xi32, #tpu.memory_space<hbm>>) dst(%arg5 : memref<800xi32, #tpu.memory_space<vmem>>)
      tpu.yield
    }) : () -> ()
    %dma_start3A = arith.constant 0 : i32
    %dma_start3A_3 = arith.constant 0 : i32
    %dma_start3A_4 = tpu.memref_slice %arg2[%dma_start3A, %dma_start3A_3] : memref<500000x64xf32, #tpu.memory_space<hbm>> -> memref<500000x64xf32, #tpu.memory_space<hbm>>
    tpu.enqueue_indirect_dma source(%dma_start3A_4 : memref<500000x64xf32, #tpu.memory_space<hbm>>) target(%arg7 : memref<800x64xf32, #tpu.memory_space<vmem>>) offsets(%arg5 : memref<800xi32, #tpu.memory_space<vmem>>) semaphore(%arg9 : memref<!tpu.dma_semaphore, #tpu.memory_space<semaphore_mem>>)
    %add3A_5 = arith.constant 800 : i32
    %add3A_6 = arith.addi %mul3A_2, %add3A_5 : i32
    "tpu.region"() ({
      %run_scoped3A = tpu.sem_alloc : memref<!tpu.dma_semaphore, #tpu.memory_space<semaphore_mem>>
      %dma_start3A_79 = tpu.memref_slice %arg3[%add3A_6] : memref<204800xi32, #tpu.memory_space<hbm>> -> memref<800xi32, #tpu.memory_space<hbm>>
      %dma_start3A_80 = tpu.memref_slice %arg3[%add3A_6] : memref<204800xi32, #tpu.memory_space<hbm>> -> memref<800xi32, #tpu.memory_space<hbm>>
      tpu.enqueue_dma source(%dma_start3A_80 : memref<800xi32, #tpu.memory_space<hbm>>) target(%arg6 : memref<800xi32, #tpu.memory_space<vmem>>) target_semaphore(%run_scoped3A : memref<!tpu.dma_semaphore, #tpu.memory_space<semaphore_mem>>)
      %dma_wait3A_81 = tpu.memref_slice %arg3[%add3A_6] : memref<204800xi32, #tpu.memory_space<hbm>> -> memref<800xi32, #tpu.memory_space<hbm>>
      %dma_wait3A_82 = tpu.memref_slice %arg3[%add3A_6] : memref<204800xi32, #tpu.memory_space<hbm>> -> memref<800xi32, #tpu.memory_space<hbm>>
      tpu.wait_dma2 semaphore(%run_scoped3A : memref<!tpu.dma_semaphore, #tpu.memory_space<semaphore_mem>>) src(%dma_wait3A_82 : memref<800xi32, #tpu.memory_space<hbm>>) dst(%arg6 : memref<800xi32, #tpu.memory_space<vmem>>)
      tpu.yield
    }) : () -> ()
    %dma_start3A_7 = arith.constant 0 : i32
    %dma_start3A_8 = arith.constant 0 : i32
    %dma_start3A_9 = tpu.memref_slice %arg2[%dma_start3A_7, %dma_start3A_8] : memref<500000x64xf32, #tpu.memory_space<hbm>> -> memref<500000x64xf32, #tpu.memory_space<hbm>>
    tpu.enqueue_indirect_dma source(%dma_start3A_9 : memref<500000x64xf32, #tpu.memory_space<hbm>>) target(%arg8 : memref<800x64xf32, #tpu.memory_space<vmem>>) offsets(%arg6 : memref<800xi32, #tpu.memory_space<vmem>>) semaphore(%arg10 : memref<!tpu.dma_semaphore, #tpu.memory_space<semaphore_mem>>)
    %dma_wait3A = arith.constant 0 : i32
    %dma_wait3A_10 = arith.constant 0 : i32
    %dma_wait3A_11 = tpu.memref_slice %arg2[%dma_wait3A, %dma_wait3A_10] : memref<500000x64xf32, #tpu.memory_space<hbm>> -> memref<500000x64xf32, #tpu.memory_space<hbm>>
    tpu.wait_indirect_dma semaphore(%arg9 : memref<!tpu.dma_semaphore, #tpu.memory_space<semaphore_mem>>) src(%dma_wait3A_11 : memref<500000x64xf32, #tpu.memory_space<hbm>>) dst(%arg7 : memref<800x64xf32, #tpu.memory_space<vmem>>)
    %add3A_12 = arith.constant 0 : i32
    %add3A_13 = arith.addi %mul3A_2, %add3A_12 : i32
    "tpu.region"() ({
      %run_scoped3A = tpu.sem_alloc : memref<!tpu.dma_semaphore, #tpu.memory_space<semaphore_mem>>
      %dma_start3A_79 = arith.constant 0 : i32
      %dma_start3A_80 = tpu.memref_slice %arg4[%add3A_13, %dma_start3A_79] : memref<204800x64xf32, #tpu.memory_space<hbm>> -> memref<800x64xf32, #tpu.memory_space<hbm>>
      %dma_start3A_81 = arith.constant 0 : i32
      %dma_start3A_82 = tpu.memref_slice %arg4[%add3A_13, %dma_start3A_81] : memref<204800x64xf32, #tpu.memory_space<hbm>> -> memref<800x64xf32, #tpu.memory_space<hbm>>
      tpu.enqueue_dma source(%arg7 : memref<800x64xf32, #tpu.memory_space<vmem>>) target(%dma_start3A_82 : memref<800x64xf32, #tpu.memory_space<hbm>>) target_semaphore(%run_scoped3A : memref<!tpu.dma_semaphore, #tpu.memory_space<semaphore_mem>>)
      %dma_wait3A_83 = arith.constant 0 : i32
      %dma_wait3A_84 = tpu.memref_slice %arg4[%add3A_13, %dma_wait3A_83] : memref<204800x64xf32, #tpu.memory_space<hbm>> -> memref<800x64xf32, #tpu.memory_space<hbm>>
      %dma_wait3A_85 = arith.constant 0 : i32
      %dma_wait3A_86 = tpu.memref_slice %arg4[%add3A_13, %dma_wait3A_85] : memref<204800x64xf32, #tpu.memory_space<hbm>> -> memref<800x64xf32, #tpu.memory_space<hbm>>
      tpu.wait_dma2 semaphore(%run_scoped3A : memref<!tpu.dma_semaphore, #tpu.memory_space<semaphore_mem>>) src(%arg7 : memref<800x64xf32, #tpu.memory_space<vmem>>) dst(%dma_wait3A_86 : memref<800x64xf32, #tpu.memory_space<hbm>>)
      tpu.yield
    }) : () -> ()
    %add3A_14 = arith.constant 1600 : i32
    %add3A_15 = arith.addi %mul3A_2, %add3A_14 : i32
    "tpu.region"() ({
      %run_scoped3A = tpu.sem_alloc : memref<!tpu.dma_semaphore, #tpu.memory_space<semaphore_mem>>
      %dma_start3A_79 = tpu.memref_slice %arg3[%add3A_15] : memref<204800xi32, #tpu.memory_space<hbm>> -> memref<800xi32, #tpu.memory_space<hbm>>
      %dma_start3A_80 = tpu.memref_slice %arg3[%add3A_15] : memref<204800xi32, #tpu.memory_space<hbm>> -> memref<800xi32, #tpu.memory_space<hbm>>
      tpu.enqueue_dma source(%dma_start3A_80 : memref<800xi32, #tpu.memory_space<hbm>>) target(%arg5 : memref<800xi32, #tpu.memory_space<vmem>>) target_semaphore(%run_scoped3A : memref<!tpu.dma_semaphore, #tpu.memory_space<semaphore_mem>>)
      %dma_wait3A_81 = tpu.memref_slice %arg3[%add3A_15] : memref<204800xi32, #tpu.memory_space<hbm>> -> memref<800xi32, #tpu.memory_space<hbm>>
      %dma_wait3A_82 = tpu.memref_slice %arg3[%add3A_15] : memref<204800xi32, #tpu.memory_space<hbm>> -> memref<800xi32, #tpu.memory_space<hbm>>
      tpu.wait_dma2 semaphore(%run_scoped3A : memref<!tpu.dma_semaphore, #tpu.memory_space<semaphore_mem>>) src(%dma_wait3A_82 : memref<800xi32, #tpu.memory_space<hbm>>) dst(%arg5 : memref<800xi32, #tpu.memory_space<vmem>>)
      tpu.yield
    }) : () -> ()
    %dma_start3A_16 = arith.constant 0 : i32
    %dma_start3A_17 = arith.constant 0 : i32
    %dma_start3A_18 = tpu.memref_slice %arg2[%dma_start3A_16, %dma_start3A_17] : memref<500000x64xf32, #tpu.memory_space<hbm>> -> memref<500000x64xf32, #tpu.memory_space<hbm>>
    tpu.enqueue_indirect_dma source(%dma_start3A_18 : memref<500000x64xf32, #tpu.memory_space<hbm>>) target(%arg7 : memref<800x64xf32, #tpu.memory_space<vmem>>) offsets(%arg5 : memref<800xi32, #tpu.memory_space<vmem>>) semaphore(%arg9 : memref<!tpu.dma_semaphore, #tpu.memory_space<semaphore_mem>>)
    %dma_wait3A_19 = arith.constant 0 : i32
    %dma_wait3A_20 = arith.constant 0 : i32
    %dma_wait3A_21 = tpu.memref_slice %arg2[%dma_wait3A_19, %dma_wait3A_20] : memref<500000x64xf32, #tpu.memory_space<hbm>> -> memref<500000x64xf32, #tpu.memory_space<hbm>>
    tpu.wait_indirect_dma semaphore(%arg10 : memref<!tpu.dma_semaphore, #tpu.memory_space<semaphore_mem>>) src(%dma_wait3A_21 : memref<500000x64xf32, #tpu.memory_space<hbm>>) dst(%arg8 : memref<800x64xf32, #tpu.memory_space<vmem>>)
    %add3A_22 = arith.constant 800 : i32
    %add3A_23 = arith.addi %mul3A_2, %add3A_22 : i32
    "tpu.region"() ({
      %run_scoped3A = tpu.sem_alloc : memref<!tpu.dma_semaphore, #tpu.memory_space<semaphore_mem>>
      %dma_start3A_79 = arith.constant 0 : i32
      %dma_start3A_80 = tpu.memref_slice %arg4[%add3A_23, %dma_start3A_79] : memref<204800x64xf32, #tpu.memory_space<hbm>> -> memref<800x64xf32, #tpu.memory_space<hbm>>
      %dma_start3A_81 = arith.constant 0 : i32
      %dma_start3A_82 = tpu.memref_slice %arg4[%add3A_23, %dma_start3A_81] : memref<204800x64xf32, #tpu.memory_space<hbm>> -> memref<800x64xf32, #tpu.memory_space<hbm>>
      tpu.enqueue_dma source(%arg8 : memref<800x64xf32, #tpu.memory_space<vmem>>) target(%dma_start3A_82 : memref<800x64xf32, #tpu.memory_space<hbm>>) target_semaphore(%run_scoped3A : memref<!tpu.dma_semaphore, #tpu.memory_space<semaphore_mem>>)
      %dma_wait3A_83 = arith.constant 0 : i32
      %dma_wait3A_84 = tpu.memref_slice %arg4[%add3A_23, %dma_wait3A_83] : memref<204800x64xf32, #tpu.memory_space<hbm>> -> memref<800x64xf32, #tpu.memory_space<hbm>>
      %dma_wait3A_85 = arith.constant 0 : i32
      %dma_wait3A_86 = tpu.memref_slice %arg4[%add3A_23, %dma_wait3A_85] : memref<204800x64xf32, #tpu.memory_space<hbm>> -> memref<800x64xf32, #tpu.memory_space<hbm>>
      tpu.wait_dma2 semaphore(%run_scoped3A : memref<!tpu.dma_semaphore, #tpu.memory_space<semaphore_mem>>) src(%arg8 : memref<800x64xf32, #tpu.memory_space<vmem>>) dst(%dma_wait3A_86 : memref<800x64xf32, #tpu.memory_space<hbm>>)
      tpu.yield
    }) : () -> ()
    %add3A_24 = arith.constant 2400 : i32
    %add3A_25 = arith.addi %mul3A_2, %add3A_24 : i32
    "tpu.region"() ({
      %run_scoped3A = tpu.sem_alloc : memref<!tpu.dma_semaphore, #tpu.memory_space<semaphore_mem>>
      %dma_start3A_79 = tpu.memref_slice %arg3[%add3A_25] : memref<204800xi32, #tpu.memory_space<hbm>> -> memref<800xi32, #tpu.memory_space<hbm>>
      %dma_start3A_80 = tpu.memref_slice %arg3[%add3A_25] : memref<204800xi32, #tpu.memory_space<hbm>> -> memref<800xi32, #tpu.memory_space<hbm>>
      tpu.enqueue_dma source(%dma_start3A_80 : memref<800xi32, #tpu.memory_space<hbm>>) target(%arg6 : memref<800xi32, #tpu.memory_space<vmem>>) target_semaphore(%run_scoped3A : memref<!tpu.dma_semaphore, #tpu.memory_space<semaphore_mem>>)
      %dma_wait3A_81 = tpu.memref_slice %arg3[%add3A_25] : memref<204800xi32, #tpu.memory_space<hbm>> -> memref<800xi32, #tpu.memory_space<hbm>>
      %dma_wait3A_82 = tpu.memref_slice %arg3[%add3A_25] : memref<204800xi32, #tpu.memory_space<hbm>> -> memref<800xi32, #tpu.memory_space<hbm>>
      tpu.wait_dma2 semaphore(%run_scoped3A : memref<!tpu.dma_semaphore, #tpu.memory_space<semaphore_mem>>) src(%dma_wait3A_82 : memref<800xi32, #tpu.memory_space<hbm>>) dst(%arg6 : memref<800xi32, #tpu.memory_space<vmem>>)
      tpu.yield
    }) : () -> ()
    %dma_start3A_26 = arith.constant 0 : i32
    %dma_start3A_27 = arith.constant 0 : i32
    %dma_start3A_28 = tpu.memref_slice %arg2[%dma_start3A_26, %dma_start3A_27] : memref<500000x64xf32, #tpu.memory_space<hbm>> -> memref<500000x64xf32, #tpu.memory_space<hbm>>
    tpu.enqueue_indirect_dma source(%dma_start3A_28 : memref<500000x64xf32, #tpu.memory_space<hbm>>) target(%arg8 : memref<800x64xf32, #tpu.memory_space<vmem>>) offsets(%arg6 : memref<800xi32, #tpu.memory_space<vmem>>) semaphore(%arg10 : memref<!tpu.dma_semaphore, #tpu.memory_space<semaphore_mem>>)
    %dma_wait3A_29 = arith.constant 0 : i32
    %dma_wait3A_30 = arith.constant 0 : i32
    %dma_wait3A_31 = tpu.memref_slice %arg2[%dma_wait3A_29, %dma_wait3A_30] : memref<500000x64xf32, #tpu.memory_space<hbm>> -> memref<500000x64xf32, #tpu.memory_space<hbm>>
    tpu.wait_indirect_dma semaphore(%arg9 : memref<!tpu.dma_semaphore, #tpu.memory_space<semaphore_mem>>) src(%dma_wait3A_31 : memref<500000x64xf32, #tpu.memory_space<hbm>>) dst(%arg7 : memref<800x64xf32, #tpu.memory_space<vmem>>)
    %add3A_32 = arith.constant 1600 : i32
    %add3A_33 = arith.addi %mul3A_2, %add3A_32 : i32
    "tpu.region"() ({
      %run_scoped3A = tpu.sem_alloc : memref<!tpu.dma_semaphore, #tpu.memory_space<semaphore_mem>>
      %dma_start3A_79 = arith.constant 0 : i32
      %dma_start3A_80 = tpu.memref_slice %arg4[%add3A_33, %dma_start3A_79] : memref<204800x64xf32, #tpu.memory_space<hbm>> -> memref<800x64xf32, #tpu.memory_space<hbm>>
      %dma_start3A_81 = arith.constant 0 : i32
      %dma_start3A_82 = tpu.memref_slice %arg4[%add3A_33, %dma_start3A_81] : memref<204800x64xf32, #tpu.memory_space<hbm>> -> memref<800x64xf32, #tpu.memory_space<hbm>>
      tpu.enqueue_dma source(%arg7 : memref<800x64xf32, #tpu.memory_space<vmem>>) target(%dma_start3A_82 : memref<800x64xf32, #tpu.memory_space<hbm>>) target_semaphore(%run_scoped3A : memref<!tpu.dma_semaphore, #tpu.memory_space<semaphore_mem>>)
      %dma_wait3A_83 = arith.constant 0 : i32
      %dma_wait3A_84 = tpu.memref_slice %arg4[%add3A_33, %dma_wait3A_83] : memref<204800x64xf32, #tpu.memory_space<hbm>> -> memref<800x64xf32, #tpu.memory_space<hbm>>
      %dma_wait3A_85 = arith.constant 0 : i32
      %dma_wait3A_86 = tpu.memref_slice %arg4[%add3A_33, %dma_wait3A_85] : memref<204800x64xf32, #tpu.memory_space<hbm>> -> memref<800x64xf32, #tpu.memory_space<hbm>>
      tpu.wait_dma2 semaphore(%run_scoped3A : memref<!tpu.dma_semaphore, #tpu.memory_space<semaphore_mem>>) src(%arg7 : memref<800x64xf32, #tpu.memory_space<vmem>>) dst(%dma_wait3A_86 : memref<800x64xf32, #tpu.memory_space<hbm>>)
      tpu.yield
    }) : () -> ()
    %add3A_34 = arith.constant 3200 : i32
    %add3A_35 = arith.addi %mul3A_2, %add3A_34 : i32
    "tpu.region"() ({
      %run_scoped3A = tpu.sem_alloc : memref<!tpu.dma_semaphore, #tpu.memory_space<semaphore_mem>>
      %dma_start3A_79 = tpu.memref_slice %arg3[%add3A_35] : memref<204800xi32, #tpu.memory_space<hbm>> -> memref<800xi32, #tpu.memory_space<hbm>>
      %dma_start3A_80 = tpu.memref_slice %arg3[%add3A_35] : memref<204800xi32, #tpu.memory_space<hbm>> -> memref<800xi32, #tpu.memory_space<hbm>>
      tpu.enqueue_dma source(%dma_start3A_80 : memref<800xi32, #tpu.memory_space<hbm>>) target(%arg5 : memref<800xi32, #tpu.memory_space<vmem>>) target_semaphore(%run_scoped3A : memref<!tpu.dma_semaphore, #tpu.memory_space<semaphore_mem>>)
      %dma_wait3A_81 = tpu.memref_slice %arg3[%add3A_35] : memref<204800xi32, #tpu.memory_space<hbm>> -> memref<800xi32, #tpu.memory_space<hbm>>
      %dma_wait3A_82 = tpu.memref_slice %arg3[%add3A_35] : memref<204800xi32, #tpu.memory_space<hbm>> -> memref<800xi32, #tpu.memory_space<hbm>>
      tpu.wait_dma2 semaphore(%run_scoped3A : memref<!tpu.dma_semaphore, #tpu.memory_space<semaphore_mem>>) src(%dma_wait3A_82 : memref<800xi32, #tpu.memory_space<hbm>>) dst(%arg5 : memref<800xi32, #tpu.memory_space<vmem>>)
      tpu.yield
    }) : () -> ()
    %dma_start3A_36 = arith.constant 0 : i32
    %dma_start3A_37 = arith.constant 0 : i32
    %dma_start3A_38 = tpu.memref_slice %arg2[%dma_start3A_36, %dma_start3A_37] : memref<500000x64xf32, #tpu.memory_space<hbm>> -> memref<500000x64xf32, #tpu.memory_space<hbm>>
    tpu.enqueue_indirect_dma source(%dma_start3A_38 : memref<500000x64xf32, #tpu.memory_space<hbm>>) target(%arg7 : memref<800x64xf32, #tpu.memory_space<vmem>>) offsets(%arg5 : memref<800xi32, #tpu.memory_space<vmem>>) semaphore(%arg9 : memref<!tpu.dma_semaphore, #tpu.memory_space<semaphore_mem>>)
    %dma_wait3A_39 = arith.constant 0 : i32
    %dma_wait3A_40 = arith.constant 0 : i32
    %dma_wait3A_41 = tpu.memref_slice %arg2[%dma_wait3A_39, %dma_wait3A_40] : memref<500000x64xf32, #tpu.memory_space<hbm>> -> memref<500000x64xf32, #tpu.memory_space<hbm>>
    tpu.wait_indirect_dma semaphore(%arg10 : memref<!tpu.dma_semaphore, #tpu.memory_space<semaphore_mem>>) src(%dma_wait3A_41 : memref<500000x64xf32, #tpu.memory_space<hbm>>) dst(%arg8 : memref<800x64xf32, #tpu.memory_space<vmem>>)
    %add3A_42 = arith.constant 2400 : i32
    %add3A_43 = arith.addi %mul3A_2, %add3A_42 : i32
    "tpu.region"() ({
      %run_scoped3A = tpu.sem_alloc : memref<!tpu.dma_semaphore, #tpu.memory_space<semaphore_mem>>
      %dma_start3A_79 = arith.constant 0 : i32
      %dma_start3A_80 = tpu.memref_slice %arg4[%add3A_43, %dma_start3A_79] : memref<204800x64xf32, #tpu.memory_space<hbm>> -> memref<800x64xf32, #tpu.memory_space<hbm>>
      %dma_start3A_81 = arith.constant 0 : i32
      %dma_start3A_82 = tpu.memref_slice %arg4[%add3A_43, %dma_start3A_81] : memref<204800x64xf32, #tpu.memory_space<hbm>> -> memref<800x64xf32, #tpu.memory_space<hbm>>
      tpu.enqueue_dma source(%arg8 : memref<800x64xf32, #tpu.memory_space<vmem>>) target(%dma_start3A_82 : memref<800x64xf32, #tpu.memory_space<hbm>>) target_semaphore(%run_scoped3A : memref<!tpu.dma_semaphore, #tpu.memory_space<semaphore_mem>>)
      %dma_wait3A_83 = arith.constant 0 : i32
      %dma_wait3A_84 = tpu.memref_slice %arg4[%add3A_43, %dma_wait3A_83] : memref<204800x64xf32, #tpu.memory_space<hbm>> -> memref<800x64xf32, #tpu.memory_space<hbm>>
      %dma_wait3A_85 = arith.constant 0 : i32
      %dma_wait3A_86 = tpu.memref_slice %arg4[%add3A_43, %dma_wait3A_85] : memref<204800x64xf32, #tpu.memory_space<hbm>> -> memref<800x64xf32, #tpu.memory_space<hbm>>
      tpu.wait_dma2 semaphore(%run_scoped3A : memref<!tpu.dma_semaphore, #tpu.memory_space<semaphore_mem>>) src(%arg8 : memref<800x64xf32, #tpu.memory_space<vmem>>) dst(%dma_wait3A_86 : memref<800x64xf32, #tpu.memory_space<hbm>>)
      tpu.yield
    }) : () -> ()
    %add3A_44 = arith.constant 4000 : i32
    %add3A_45 = arith.addi %mul3A_2, %add3A_44 : i32
    "tpu.region"() ({
      %run_scoped3A = tpu.sem_alloc : memref<!tpu.dma_semaphore, #tpu.memory_space<semaphore_mem>>
      %dma_start3A_79 = tpu.memref_slice %arg3[%add3A_45] : memref<204800xi32, #tpu.memory_space<hbm>> -> memref<800xi32, #tpu.memory_space<hbm>>
      %dma_start3A_80 = tpu.memref_slice %arg3[%add3A_45] : memref<204800xi32, #tpu.memory_space<hbm>> -> memref<800xi32, #tpu.memory_space<hbm>>
      tpu.enqueue_dma source(%dma_start3A_80 : memref<800xi32, #tpu.memory_space<hbm>>) target(%arg6 : memref<800xi32, #tpu.memory_space<vmem>>) target_semaphore(%run_scoped3A : memref<!tpu.dma_semaphore, #tpu.memory_space<semaphore_mem>>)
      %dma_wait3A_81 = tpu.memref_slice %arg3[%add3A_45] : memref<204800xi32, #tpu.memory_space<hbm>> -> memref<800xi32, #tpu.memory_space<hbm>>
      %dma_wait3A_82 = tpu.memref_slice %arg3[%add3A_45] : memref<204800xi32, #tpu.memory_space<hbm>> -> memref<800xi32, #tpu.memory_space<hbm>>
      tpu.wait_dma2 semaphore(%run_scoped3A : memref<!tpu.dma_semaphore, #tpu.memory_space<semaphore_mem>>) src(%dma_wait3A_82 : memref<800xi32, #tpu.memory_space<hbm>>) dst(%arg6 : memref<800xi32, #tpu.memory_space<vmem>>)
      tpu.yield
    }) : () -> ()
    %dma_start3A_46 = arith.constant 0 : i32
    %dma_start3A_47 = arith.constant 0 : i32
    %dma_start3A_48 = tpu.memref_slice %arg2[%dma_start3A_46, %dma_start3A_47] : memref<500000x64xf32, #tpu.memory_space<hbm>> -> memref<500000x64xf32, #tpu.memory_space<hbm>>
    tpu.enqueue_indirect_dma source(%dma_start3A_48 : memref<500000x64xf32, #tpu.memory_space<hbm>>) target(%arg8 : memref<800x64xf32, #tpu.memory_space<vmem>>) offsets(%arg6 : memref<800xi32, #tpu.memory_space<vmem>>) semaphore(%arg10 : memref<!tpu.dma_semaphore, #tpu.memory_space<semaphore_mem>>)
    %dma_wait3A_49 = arith.constant 0 : i32
    %dma_wait3A_50 = arith.constant 0 : i32
    %dma_wait3A_51 = tpu.memref_slice %arg2[%dma_wait3A_49, %dma_wait3A_50] : memref<500000x64xf32, #tpu.memory_space<hbm>> -> memref<500000x64xf32, #tpu.memory_space<hbm>>
    tpu.wait_indirect_dma semaphore(%arg9 : memref<!tpu.dma_semaphore, #tpu.memory_space<semaphore_mem>>) src(%dma_wait3A_51 : memref<500000x64xf32, #tpu.memory_space<hbm>>) dst(%arg7 : memref<800x64xf32, #tpu.memory_space<vmem>>)
    %add3A_52 = arith.constant 3200 : i32
    %add3A_53 = arith.addi %mul3A_2, %add3A_52 : i32
    "tpu.region"() ({
      %run_scoped3A = tpu.sem_alloc : memref<!tpu.dma_semaphore, #tpu.memory_space<semaphore_mem>>
      %dma_start3A_79 = arith.constant 0 : i32
      %dma_start3A_80 = tpu.memref_slice %arg4[%add3A_53, %dma_start3A_79] : memref<204800x64xf32, #tpu.memory_space<hbm>> -> memref<800x64xf32, #tpu.memory_space<hbm>>
      %dma_start3A_81 = arith.constant 0 : i32
      %dma_start3A_82 = tpu.memref_slice %arg4[%add3A_53, %dma_start3A_81] : memref<204800x64xf32, #tpu.memory_space<hbm>> -> memref<800x64xf32, #tpu.memory_space<hbm>>
      tpu.enqueue_dma source(%arg7 : memref<800x64xf32, #tpu.memory_space<vmem>>) target(%dma_start3A_82 : memref<800x64xf32, #tpu.memory_space<hbm>>) target_semaphore(%run_scoped3A : memref<!tpu.dma_semaphore, #tpu.memory_space<semaphore_mem>>)
      %dma_wait3A_83 = arith.constant 0 : i32
      %dma_wait3A_84 = tpu.memref_slice %arg4[%add3A_53, %dma_wait3A_83] : memref<204800x64xf32, #tpu.memory_space<hbm>> -> memref<800x64xf32, #tpu.memory_space<hbm>>
      %dma_wait3A_85 = arith.constant 0 : i32
      %dma_wait3A_86 = tpu.memref_slice %arg4[%add3A_53, %dma_wait3A_85] : memref<204800x64xf32, #tpu.memory_space<hbm>> -> memref<800x64xf32, #tpu.memory_space<hbm>>
      tpu.wait_dma2 semaphore(%run_scoped3A : memref<!tpu.dma_semaphore, #tpu.memory_space<semaphore_mem>>) src(%arg7 : memref<800x64xf32, #tpu.memory_space<vmem>>) dst(%dma_wait3A_86 : memref<800x64xf32, #tpu.memory_space<hbm>>)
      tpu.yield
    }) : () -> ()
    %add3A_54 = arith.constant 4800 : i32
    %add3A_55 = arith.addi %mul3A_2, %add3A_54 : i32
    "tpu.region"() ({
      %run_scoped3A = tpu.sem_alloc : memref<!tpu.dma_semaphore, #tpu.memory_space<semaphore_mem>>
      %dma_start3A_79 = tpu.memref_slice %arg3[%add3A_55] : memref<204800xi32, #tpu.memory_space<hbm>> -> memref<800xi32, #tpu.memory_space<hbm>>
      %dma_start3A_80 = tpu.memref_slice %arg3[%add3A_55] : memref<204800xi32, #tpu.memory_space<hbm>> -> memref<800xi32, #tpu.memory_space<hbm>>
      tpu.enqueue_dma source(%dma_start3A_80 : memref<800xi32, #tpu.memory_space<hbm>>) target(%arg5 : memref<800xi32, #tpu.memory_space<vmem>>) target_semaphore(%run_scoped3A : memref<!tpu.dma_semaphore, #tpu.memory_space<semaphore_mem>>)
      %dma_wait3A_81 = tpu.memref_slice %arg3[%add3A_55] : memref<204800xi32, #tpu.memory_space<hbm>> -> memref<800xi32, #tpu.memory_space<hbm>>
      %dma_wait3A_82 = tpu.memref_slice %arg3[%add3A_55] : memref<204800xi32, #tpu.memory_space<hbm>> -> memref<800xi32, #tpu.memory_space<hbm>>
      tpu.wait_dma2 semaphore(%run_scoped3A : memref<!tpu.dma_semaphore, #tpu.memory_space<semaphore_mem>>) src(%dma_wait3A_82 : memref<800xi32, #tpu.memory_space<hbm>>) dst(%arg5 : memref<800xi32, #tpu.memory_space<vmem>>)
      tpu.yield
    }) : () -> ()
    %dma_start3A_56 = arith.constant 0 : i32
    %dma_start3A_57 = arith.constant 0 : i32
    %dma_start3A_58 = tpu.memref_slice %arg2[%dma_start3A_56, %dma_start3A_57] : memref<500000x64xf32, #tpu.memory_space<hbm>> -> memref<500000x64xf32, #tpu.memory_space<hbm>>
    tpu.enqueue_indirect_dma source(%dma_start3A_58 : memref<500000x64xf32, #tpu.memory_space<hbm>>) target(%arg7 : memref<800x64xf32, #tpu.memory_space<vmem>>) offsets(%arg5 : memref<800xi32, #tpu.memory_space<vmem>>) semaphore(%arg9 : memref<!tpu.dma_semaphore, #tpu.memory_space<semaphore_mem>>)
    %dma_wait3A_59 = arith.constant 0 : i32
    %dma_wait3A_60 = arith.constant 0 : i32
    %dma_wait3A_61 = tpu.memref_slice %arg2[%dma_wait3A_59, %dma_wait3A_60] : memref<500000x64xf32, #tpu.memory_space<hbm>> -> memref<500000x64xf32, #tpu.memory_space<hbm>>
    tpu.wait_indirect_dma semaphore(%arg10 : memref<!tpu.dma_semaphore, #tpu.memory_space<semaphore_mem>>) src(%dma_wait3A_61 : memref<500000x64xf32, #tpu.memory_space<hbm>>) dst(%arg8 : memref<800x64xf32, #tpu.memory_space<vmem>>)
    %add3A_62 = arith.constant 4000 : i32
    %add3A_63 = arith.addi %mul3A_2, %add3A_62 : i32
    "tpu.region"() ({
      %run_scoped3A = tpu.sem_alloc : memref<!tpu.dma_semaphore, #tpu.memory_space<semaphore_mem>>
      %dma_start3A_79 = arith.constant 0 : i32
      %dma_start3A_80 = tpu.memref_slice %arg4[%add3A_63, %dma_start3A_79] : memref<204800x64xf32, #tpu.memory_space<hbm>> -> memref<800x64xf32, #tpu.memory_space<hbm>>
      %dma_start3A_81 = arith.constant 0 : i32
      %dma_start3A_82 = tpu.memref_slice %arg4[%add3A_63, %dma_start3A_81] : memref<204800x64xf32, #tpu.memory_space<hbm>> -> memref<800x64xf32, #tpu.memory_space<hbm>>
      tpu.enqueue_dma source(%arg8 : memref<800x64xf32, #tpu.memory_space<vmem>>) target(%dma_start3A_82 : memref<800x64xf32, #tpu.memory_space<hbm>>) target_semaphore(%run_scoped3A : memref<!tpu.dma_semaphore, #tpu.memory_space<semaphore_mem>>)
      %dma_wait3A_83 = arith.constant 0 : i32
      %dma_wait3A_84 = tpu.memref_slice %arg4[%add3A_63, %dma_wait3A_83] : memref<204800x64xf32, #tpu.memory_space<hbm>> -> memref<800x64xf32, #tpu.memory_space<hbm>>
      %dma_wait3A_85 = arith.constant 0 : i32
      %dma_wait3A_86 = tpu.memref_slice %arg4[%add3A_63, %dma_wait3A_85] : memref<204800x64xf32, #tpu.memory_space<hbm>> -> memref<800x64xf32, #tpu.memory_space<hbm>>
      tpu.wait_dma2 semaphore(%run_scoped3A : memref<!tpu.dma_semaphore, #tpu.memory_space<semaphore_mem>>) src(%arg8 : memref<800x64xf32, #tpu.memory_space<vmem>>) dst(%dma_wait3A_86 : memref<800x64xf32, #tpu.memory_space<hbm>>)
      tpu.yield
    }) : () -> ()
    %add3A_64 = arith.constant 5600 : i32
    %add3A_65 = arith.addi %mul3A_2, %add3A_64 : i32
    "tpu.region"() ({
      %run_scoped3A = tpu.sem_alloc : memref<!tpu.dma_semaphore, #tpu.memory_space<semaphore_mem>>
      %dma_start3A_79 = tpu.memref_slice %arg3[%add3A_65] : memref<204800xi32, #tpu.memory_space<hbm>> -> memref<800xi32, #tpu.memory_space<hbm>>
      %dma_start3A_80 = tpu.memref_slice %arg3[%add3A_65] : memref<204800xi32, #tpu.memory_space<hbm>> -> memref<800xi32, #tpu.memory_space<hbm>>
      tpu.enqueue_dma source(%dma_start3A_80 : memref<800xi32, #tpu.memory_space<hbm>>) target(%arg6 : memref<800xi32, #tpu.memory_space<vmem>>) target_semaphore(%run_scoped3A : memref<!tpu.dma_semaphore, #tpu.memory_space<semaphore_mem>>)
      %dma_wait3A_81 = tpu.memref_slice %arg3[%add3A_65] : memref<204800xi32, #tpu.memory_space<hbm>> -> memref<800xi32, #tpu.memory_space<hbm>>
      %dma_wait3A_82 = tpu.memref_slice %arg3[%add3A_65] : memref<204800xi32, #tpu.memory_space<hbm>> -> memref<800xi32, #tpu.memory_space<hbm>>
      tpu.wait_dma2 semaphore(%run_scoped3A : memref<!tpu.dma_semaphore, #tpu.memory_space<semaphore_mem>>) src(%dma_wait3A_82 : memref<800xi32, #tpu.memory_space<hbm>>) dst(%arg6 : memref<800xi32, #tpu.memory_space<vmem>>)
      tpu.yield
    }) : () -> ()
    %dma_start3A_66 = arith.constant 0 : i32
    %dma_start3A_67 = arith.constant 0 : i32
    %dma_start3A_68 = tpu.memref_slice %arg2[%dma_start3A_66, %dma_start3A_67] : memref<500000x64xf32, #tpu.memory_space<hbm>> -> memref<500000x64xf32, #tpu.memory_space<hbm>>
    tpu.enqueue_indirect_dma source(%dma_start3A_68 : memref<500000x64xf32, #tpu.memory_space<hbm>>) target(%arg8 : memref<800x64xf32, #tpu.memory_space<vmem>>) offsets(%arg6 : memref<800xi32, #tpu.memory_space<vmem>>) semaphore(%arg10 : memref<!tpu.dma_semaphore, #tpu.memory_space<semaphore_mem>>)
    %dma_wait3A_69 = arith.constant 0 : i32
    %dma_wait3A_70 = arith.constant 0 : i32
    %dma_wait3A_71 = tpu.memref_slice %arg2[%dma_wait3A_69, %dma_wait3A_70] : memref<500000x64xf32, #tpu.memory_space<hbm>> -> memref<500000x64xf32, #tpu.memory_space<hbm>>
    tpu.wait_indirect_dma semaphore(%arg9 : memref<!tpu.dma_semaphore, #tpu.memory_space<semaphore_mem>>) src(%dma_wait3A_71 : memref<500000x64xf32, #tpu.memory_space<hbm>>) dst(%arg7 : memref<800x64xf32, #tpu.memory_space<vmem>>)
    %add3A_72 = arith.constant 4800 : i32
    %add3A_73 = arith.addi %mul3A_2, %add3A_72 : i32
    "tpu.region"() ({
      %run_scoped3A = tpu.sem_alloc : memref<!tpu.dma_semaphore, #tpu.memory_space<semaphore_mem>>
      %dma_start3A_79 = arith.constant 0 : i32
      %dma_start3A_80 = tpu.memref_slice %arg4[%add3A_73, %dma_start3A_79] : memref<204800x64xf32, #tpu.memory_space<hbm>> -> memref<800x64xf32, #tpu.memory_space<hbm>>
      %dma_start3A_81 = arith.constant 0 : i32
      %dma_start3A_82 = tpu.memref_slice %arg4[%add3A_73, %dma_start3A_81] : memref<204800x64xf32, #tpu.memory_space<hbm>> -> memref<800x64xf32, #tpu.memory_space<hbm>>
      tpu.enqueue_dma source(%arg7 : memref<800x64xf32, #tpu.memory_space<vmem>>) target(%dma_start3A_82 : memref<800x64xf32, #tpu.memory_space<hbm>>) target_semaphore(%run_scoped3A : memref<!tpu.dma_semaphore, #tpu.memory_space<semaphore_mem>>)
      %dma_wait3A_83 = arith.constant 0 : i32
      %dma_wait3A_84 = tpu.memref_slice %arg4[%add3A_73, %dma_wait3A_83] : memref<204800x64xf32, #tpu.memory_space<hbm>> -> memref<800x64xf32, #tpu.memory_space<hbm>>
      %dma_wait3A_85 = arith.constant 0 : i32
      %dma_wait3A_86 = tpu.memref_slice %arg4[%add3A_73, %dma_wait3A_85] : memref<204800x64xf32, #tpu.memory_space<hbm>> -> memref<800x64xf32, #tpu.memory_space<hbm>>
      tpu.wait_dma2 semaphore(%run_scoped3A : memref<!tpu.dma_semaphore, #tpu.memory_space<semaphore_mem>>) src(%arg7 : memref<800x64xf32, #tpu.memory_space<vmem>>) dst(%dma_wait3A_86 : memref<800x64xf32, #tpu.memory_space<hbm>>)
      tpu.yield
    }) : () -> ()
    %dma_wait3A_74 = arith.constant 0 : i32
    %dma_wait3A_75 = arith.constant 0 : i32
    %dma_wait3A_76 = tpu.memref_slice %arg2[%dma_wait3A_74, %dma_wait3A_75] : memref<500000x64xf32, #tpu.memory_space<hbm>> -> memref<500000x64xf32, #tpu.memory_space<hbm>>
    tpu.wait_indirect_dma semaphore(%arg10 : memref<!tpu.dma_semaphore, #tpu.memory_space<semaphore_mem>>) src(%dma_wait3A_76 : memref<500000x64xf32, #tpu.memory_space<hbm>>) dst(%arg8 : memref<800x64xf32, #tpu.memory_space<vmem>>)
    %add3A_77 = arith.constant 5600 : i32
    %add3A_78 = arith.addi %mul3A_2, %add3A_77 : i32
    "tpu.region"() ({
      %run_scoped3A = tpu.sem_alloc : memref<!tpu.dma_semaphore, #tpu.memory_space<semaphore_mem>>
      %dma_start3A_79 = arith.constant 0 : i32
      %dma_start3A_80 = tpu.memref_slice %arg4[%add3A_78, %dma_start3A_79] : memref<204800x64xf32, #tpu.memory_space<hbm>> -> memref<800x64xf32, #tpu.memory_space<hbm>>
      %dma_start3A_81 = arith.constant 0 : i32
      %dma_start3A_82 = tpu.memref_slice %arg4[%add3A_78, %dma_start3A_81] : memref<204800x64xf32, #tpu.memory_space<hbm>> -> memref<800x64xf32, #tpu.memory_space<hbm>>
      tpu.enqueue_dma source(%arg8 : memref<800x64xf32, #tpu.memory_space<vmem>>) target(%dma_start3A_82 : memref<800x64xf32, #tpu.memory_space<hbm>>) target_semaphore(%run_scoped3A : memref<!tpu.dma_semaphore, #tpu.memory_space<semaphore_mem>>)
      %dma_wait3A_83 = arith.constant 0 : i32
      %dma_wait3A_84 = tpu.memref_slice %arg4[%add3A_78, %dma_wait3A_83] : memref<204800x64xf32, #tpu.memory_space<hbm>> -> memref<800x64xf32, #tpu.memory_space<hbm>>
      %dma_wait3A_85 = arith.constant 0 : i32
      %dma_wait3A_86 = tpu.memref_slice %arg4[%add3A_78, %dma_wait3A_85] : memref<204800x64xf32, #tpu.memory_space<hbm>> -> memref<800x64xf32, #tpu.memory_space<hbm>>
      tpu.wait_dma2 semaphore(%run_scoped3A : memref<!tpu.dma_semaphore, #tpu.memory_space<semaphore_mem>>) src(%arg8 : memref<800x64xf32, #tpu.memory_space<vmem>>) dst(%dma_wait3A_86 : memref<800x64xf32, #tpu.memory_space<hbm>>)
      tpu.yield
    }) : () -> ()
    return
  }
}

#map = affine_map<(d0, d1) -> (0, 0)>
#map1 = affine_map<(d0, d1) -> (0)>
module attributes {stable_mosaic.version = 14 : i64} {
  func.func @k(%arg0: i32, %arg1: i32, %arg2: memref<500000x64xf32, #tpu.memory_space<hbm>>, %arg3: memref<204800xi32, #tpu.memory_space<hbm>>, %arg4: memref<204800x64xf32, #tpu.memory_space<hbm>>, %arg5: memref<800xi32, #tpu.memory_space<vmem>>, %arg6: memref<800xi32, #tpu.memory_space<vmem>>, %arg7: memref<800x64xf32, #tpu.memory_space<vmem>>, %arg8: memref<800x64xf32, #tpu.memory_space<vmem>>, %arg9: memref<!tpu.dma_semaphore, #tpu.memory_space<semaphore_mem>>, %arg10: memref<!tpu.dma_semaphore, #tpu.memory_space<semaphore_mem>>) attributes {dimension_semantics = [#tpu.dimension_semantics<core_parallel>, #tpu.dimension_semantics<subcore_parallel>], iteration_bounds = array<i64: 2, 16>, scalar_prefetch = 0 : i64, scratch_operands = 6 : i64, tpu.core_type = #tpu.core_type<sc_vector_subcore>, window_params = [{transform_indices = #map}, {transform_indices = #map1}, {transform_indices = #map}]} {
    %mul3A = arith.constant 2 : i32
    %mul3A_0 = arith.muli %arg1, %mul3A : i32
    %add3A = arith.addi %mul3A_0, %arg0 : i32
    %mul3A_1 = arith.constant 6400 : i32
    %mul3A_2 = arith.muli %add3A, %mul3A_1 : i32
    "tpu.region"() ({
      %run_scoped3A = tpu.sem_alloc : memref<!tpu.dma_semaphore, #tpu.memory_space<semaphore_mem>>
      %dma_start3A_79 = tpu.memref_slice %arg3[%mul3A_2] : memref<204800xi32, #tpu.memory_space<hbm>> -> memref<800xi32, #tpu.memory_space<hbm>>
      %dma_start3A_80 = tpu.memref_slice %arg3[%mul3A_2] : memref<204800xi32, #tpu.memory_space<hbm>> -> memref<800xi32, #tpu.memory_space<hbm>>
      tpu.enqueue_dma source(%dma_start3A_80 : memref<800xi32, #tpu.memory_space<hbm>>) target(%arg5 : memref<800xi32, #tpu.memory_space<vmem>>) target_semaphore(%run_scoped3A : memref<!tpu.dma_semaphore, #tpu.memory_space<semaphore_mem>>)
      %dma_wait3A_81 = tpu.memref_slice %arg3[%mul3A_2] : memref<204800xi32, #tpu.memory_space<hbm>> -> memref<800xi32, #tpu.memory_space<hbm>>
      %dma_wait3A_82 = tpu.memref_slice %arg3[%mul3A_2] : memref<204800xi32, #tpu.memory_space<hbm>> -> memref<800xi32, #tpu.memory_space<hbm>>
      tpu.wait_dma2 semaphore(%run_scoped3A : memref<!tpu.dma_semaphore, #tpu.memory_space<semaphore_mem>>) src(%dma_wait3A_82 : memref<800xi32, #tpu.memory_space<hbm>>) dst(%arg5 : memref<800xi32, #tpu.memory_space<vmem>>)
      tpu.yield
    }) : () -> ()
    %dma_start3A = arith.constant 0 : i32
    %dma_start3A_3 = arith.constant 0 : i32
    %dma_start3A_4 = tpu.memref_slice %arg2[%dma_start3A, %dma_start3A_3] : memref<500000x64xf32, #tpu.memory_space<hbm>> -> memref<500000x64xf32, #tpu.memory_space<hbm>>
    tpu.enqueue_indirect_dma source(%dma_start3A_4 : memref<500000x64xf32, #tpu.memory_space<hbm>>) target(%arg7 : memref<800x64xf32, #tpu.memory_space<vmem>>) offsets(%arg5 : memref<800xi32, #tpu.memory_space<vmem>>) semaphore(%arg9 : memref<!tpu.dma_semaphore, #tpu.memory_space<semaphore_mem>>)
    %add3A_5 = arith.constant 800 : i32
    %add3A_6 = arith.addi %mul3A_2, %add3A_5 : i32
    "tpu.region"() ({
      %run_scoped3A = tpu.sem_alloc : memref<!tpu.dma_semaphore, #tpu.memory_space<semaphore_mem>>
      %dma_start3A_79 = tpu.memref_slice %arg3[%add3A_6] : memref<204800xi32, #tpu.memory_space<hbm>> -> memref<800xi32, #tpu.memory_space<hbm>>
      %dma_start3A_80 = tpu.memref_slice %arg3[%add3A_6] : memref<204800xi32, #tpu.memory_space<hbm>> -> memref<800xi32, #tpu.memory_space<hbm>>
      tpu.enqueue_dma source(%dma_start3A_80 : memref<800xi32, #tpu.memory_space<hbm>>) target(%arg6 : memref<800xi32, #tpu.memory_space<vmem>>) target_semaphore(%run_scoped3A : memref<!tpu.dma_semaphore, #tpu.memory_space<semaphore_mem>>)
      %dma_wait3A_81 = tpu.memref_slice %arg3[%add3A_6] : memref<204800xi32, #tpu.memory_space<hbm>> -> memref<800xi32, #tpu.memory_space<hbm>>
      %dma_wait3A_82 = tpu.memref_slice %arg3[%add3A_6] : memref<204800xi32, #tpu.memory_space<hbm>> -> memref<800xi32, #tpu.memory_space<hbm>>
      tpu.wait_dma2 semaphore(%run_scoped3A : memref<!tpu.dma_semaphore, #tpu.memory_space<semaphore_mem>>) src(%dma_wait3A_82 : memref<800xi32, #tpu.memory_space<hbm>>) dst(%arg6 : memref<800xi32, #tpu.memory_space<vmem>>)
      tpu.yield
    }) : () -> ()
    %dma_start3A_7 = arith.constant 0 : i32
    %dma_start3A_8 = arith.constant 0 : i32
    %dma_start3A_9 = tpu.memref_slice %arg2[%dma_start3A_7, %dma_start3A_8] : memref<500000x64xf32, #tpu.memory_space<hbm>> -> memref<500000x64xf32, #tpu.memory_space<hbm>>
    tpu.enqueue_indirect_dma source(%dma_start3A_9 : memref<500000x64xf32, #tpu.memory_space<hbm>>) target(%arg8 : memref<800x64xf32, #tpu.memory_space<vmem>>) offsets(%arg6 : memref<800xi32, #tpu.memory_space<vmem>>) semaphore(%arg10 : memref<!tpu.dma_semaphore, #tpu.memory_space<semaphore_mem>>)
    %dma_wait3A = arith.constant 0 : i32
    %dma_wait3A_10 = arith.constant 0 : i32
    %dma_wait3A_11 = tpu.memref_slice %arg2[%dma_wait3A, %dma_wait3A_10] : memref<500000x64xf32, #tpu.memory_space<hbm>> -> memref<500000x64xf32, #tpu.memory_space<hbm>>
    tpu.wait_indirect_dma semaphore(%arg9 : memref<!tpu.dma_semaphore, #tpu.memory_space<semaphore_mem>>) src(%dma_wait3A_11 : memref<500000x64xf32, #tpu.memory_space<hbm>>) dst(%arg7 : memref<800x64xf32, #tpu.memory_space<vmem>>)
    %add3A_12 = arith.constant 0 : i32
    %add3A_13 = arith.addi %mul3A_2, %add3A_12 : i32
    "tpu.region"() ({
      %run_scoped3A = tpu.sem_alloc : memref<!tpu.dma_semaphore, #tpu.memory_space<semaphore_mem>>
      %dma_start3A_79 = arith.constant 0 : i32
      %dma_start3A_80 = tpu.memref_slice %arg4[%add3A_13, %dma_start3A_79] : memref<204800x64xf32, #tpu.memory_space<hbm>> -> memref<800x64xf32, #tpu.memory_space<hbm>>
      %dma_start3A_81 = arith.constant 0 : i32
      %dma_start3A_82 = tpu.memref_slice %arg4[%add3A_13, %dma_start3A_81] : memref<204800x64xf32, #tpu.memory_space<hbm>> -> memref<800x64xf32, #tpu.memory_space<hbm>>
      tpu.enqueue_dma source(%arg7 : memref<800x64xf32, #tpu.memory_space<vmem>>) target(%dma_start3A_82 : memref<800x64xf32, #tpu.memory_space<hbm>>) target_semaphore(%run_scoped3A : memref<!tpu.dma_semaphore, #tpu.memory_space<semaphore_mem>>)
      %dma_wait3A_83 = arith.constant 0 : i32
      %dma_wait3A_84 = tpu.memref_slice %arg4[%add3A_13, %dma_wait3A_83] : memref<204800x64xf32, #tpu.memory_space<hbm>> -> memref<800x64xf32, #tpu.memory_space<hbm>>
      %dma_wait3A_85 = arith.constant 0 : i32
      %dma_wait3A_86 = tpu.memref_slice %arg4[%add3A_13, %dma_wait3A_85] : memref<204800x64xf32, #tpu.memory_space<hbm>> -> memref<800x64xf32, #tpu.memory_space<hbm>>
      tpu.wait_dma2 semaphore(%run_scoped3A : memref<!tpu.dma_semaphore, #tpu.memory_space<semaphore_mem>>) src(%arg7 : memref<800x64xf32, #tpu.memory_space<vmem>>) dst(%dma_wait3A_86 : memref<800x64xf32, #tpu.memory_space<hbm>>)
      tpu.yield
    }) : () -> ()
    %add3A_14 = arith.constant 1600 : i32
    %add3A_15 = arith.addi %mul3A_2, %add3A_14 : i32
    "tpu.region"() ({
      %run_scoped3A = tpu.sem_alloc : memref<!tpu.dma_semaphore, #tpu.memory_space<semaphore_mem>>
      %dma_start3A_79 = tpu.memref_slice %arg3[%add3A_15] : memref<204800xi32, #tpu.memory_space<hbm>> -> memref<800xi32, #tpu.memory_space<hbm>>
      %dma_start3A_80 = tpu.memref_slice %arg3[%add3A_15] : memref<204800xi32, #tpu.memory_space<hbm>> -> memref<800xi32, #tpu.memory_space<hbm>>
      tpu.enqueue_dma source(%dma_start3A_80 : memref<800xi32, #tpu.memory_space<hbm>>) target(%arg5 : memref<800xi32, #tpu.memory_space<vmem>>) target_semaphore(%run_scoped3A : memref<!tpu.dma_semaphore, #tpu.memory_space<semaphore_mem>>)
      %dma_wait3A_81 = tpu.memref_slice %arg3[%add3A_15] : memref<204800xi32, #tpu.memory_space<hbm>> -> memref<800xi32, #tpu.memory_space<hbm>>
      %dma_wait3A_82 = tpu.memref_slice %arg3[%add3A_15] : memref<204800xi32, #tpu.memory_space<hbm>> -> memref<800xi32, #tpu.memory_space<hbm>>
      tpu.wait_dma2 semaphore(%run_scoped3A : memref<!tpu.dma_semaphore, #tpu.memory_space<semaphore_mem>>) src(%dma_wait3A_82 : memref<800xi32, #tpu.memory_space<hbm>>) dst(%arg5 : memref<800xi32, #tpu.memory_space<vmem>>)
      tpu.yield
    }) : () -> ()
    %dma_start3A_16 = arith.constant 0 : i32
    %dma_start3A_17 = arith.constant 0 : i32
    %dma_start3A_18 = tpu.memref_slice %arg2[%dma_start3A_16, %dma_start3A_17] : memref<500000x64xf32, #tpu.memory_space<hbm>> -> memref<500000x64xf32, #tpu.memory_space<hbm>>
    tpu.enqueue_indirect_dma source(%dma_start3A_18 : memref<500000x64xf32, #tpu.memory_space<hbm>>) target(%arg7 : memref<800x64xf32, #tpu.memory_space<vmem>>) offsets(%arg5 : memref<800xi32, #tpu.memory_space<vmem>>) semaphore(%arg9 : memref<!tpu.dma_semaphore, #tpu.memory_space<semaphore_mem>>)
    %dma_wait3A_19 = arith.constant 0 : i32
    %dma_wait3A_20 = arith.constant 0 : i32
    %dma_wait3A_21 = tpu.memref_slice %arg2[%dma_wait3A_19, %dma_wait3A_20] : memref<500000x64xf32, #tpu.memory_space<hbm>> -> memref<500000x64xf32, #tpu.memory_space<hbm>>
    tpu.wait_indirect_dma semaphore(%arg10 : memref<!tpu.dma_semaphore, #tpu.memory_space<semaphore_mem>>) src(%dma_wait3A_21 : memref<500000x64xf32, #tpu.memory_space<hbm>>) dst(%arg8 : memref<800x64xf32, #tpu.memory_space<vmem>>)
    %add3A_22 = arith.constant 800 : i32
    %add3A_23 = arith.addi %mul3A_2, %add3A_22 : i32
    "tpu.region"() ({
      %run_scoped3A = tpu.sem_alloc : memref<!tpu.dma_semaphore, #tpu.memory_space<semaphore_mem>>
      %dma_start3A_79 = arith.constant 0 : i32
      %dma_start3A_80 = tpu.memref_slice %arg4[%add3A_23, %dma_start3A_79] : memref<204800x64xf32, #tpu.memory_space<hbm>> -> memref<800x64xf32, #tpu.memory_space<hbm>>
      %dma_start3A_81 = arith.constant 0 : i32
      %dma_start3A_82 = tpu.memref_slice %arg4[%add3A_23, %dma_start3A_81] : memref<204800x64xf32, #tpu.memory_space<hbm>> -> memref<800x64xf32, #tpu.memory_space<hbm>>
      tpu.enqueue_dma source(%arg8 : memref<800x64xf32, #tpu.memory_space<vmem>>) target(%dma_start3A_82 : memref<800x64xf32, #tpu.memory_space<hbm>>) target_semaphore(%run_scoped3A : memref<!tpu.dma_semaphore, #tpu.memory_space<semaphore_mem>>)
      %dma_wait3A_83 = arith.constant 0 : i32
      %dma_wait3A_84 = tpu.memref_slice %arg4[%add3A_23, %dma_wait3A_83] : memref<204800x64xf32, #tpu.memory_space<hbm>> -> memref<800x64xf32, #tpu.memory_space<hbm>>
      %dma_wait3A_85 = arith.constant 0 : i32
      %dma_wait3A_86 = tpu.memref_slice %arg4[%add3A_23, %dma_wait3A_85] : memref<204800x64xf32, #tpu.memory_space<hbm>> -> memref<800x64xf32, #tpu.memory_space<hbm>>
      tpu.wait_dma2 semaphore(%run_scoped3A : memref<!tpu.dma_semaphore, #tpu.memory_space<semaphore_mem>>) src(%arg8 : memref<800x64xf32, #tpu.memory_space<vmem>>) dst(%dma_wait3A_86 : memref<800x64xf32, #tpu.memory_space<hbm>>)
      tpu.yield
    }) : () -> ()
    %add3A_24 = arith.constant 2400 : i32
    %add3A_25 = arith.addi %mul3A_2, %add3A_24 : i32
    "tpu.region"() ({
      %run_scoped3A = tpu.sem_alloc : memref<!tpu.dma_semaphore, #tpu.memory_space<semaphore_mem>>
      %dma_start3A_79 = tpu.memref_slice %arg3[%add3A_25] : memref<204800xi32, #tpu.memory_space<hbm>> -> memref<800xi32, #tpu.memory_space<hbm>>
      %dma_start3A_80 = tpu.memref_slice %arg3[%add3A_25] : memref<204800xi32, #tpu.memory_space<hbm>> -> memref<800xi32, #tpu.memory_space<hbm>>
      tpu.enqueue_dma source(%dma_start3A_80 : memref<800xi32, #tpu.memory_space<hbm>>) target(%arg6 : memref<800xi32, #tpu.memory_space<vmem>>) target_semaphore(%run_scoped3A : memref<!tpu.dma_semaphore, #tpu.memory_space<semaphore_mem>>)
      %dma_wait3A_81 = tpu.memref_slice %arg3[%add3A_25] : memref<204800xi32, #tpu.memory_space<hbm>> -> memref<800xi32, #tpu.memory_space<hbm>>
      %dma_wait3A_82 = tpu.memref_slice %arg3[%add3A_25] : memref<204800xi32, #tpu.memory_space<hbm>> -> memref<800xi32, #tpu.memory_space<hbm>>
      tpu.wait_dma2 semaphore(%run_scoped3A : memref<!tpu.dma_semaphore, #tpu.memory_space<semaphore_mem>>) src(%dma_wait3A_82 : memref<800xi32, #tpu.memory_space<hbm>>) dst(%arg6 : memref<800xi32, #tpu.memory_space<vmem>>)
      tpu.yield
    }) : () -> ()
    %dma_start3A_26 = arith.constant 0 : i32
    %dma_start3A_27 = arith.constant 0 : i32
    %dma_start3A_28 = tpu.memref_slice %arg2[%dma_start3A_26, %dma_start3A_27] : memref<500000x64xf32, #tpu.memory_space<hbm>> -> memref<500000x64xf32, #tpu.memory_space<hbm>>
    tpu.enqueue_indirect_dma source(%dma_start3A_28 : memref<500000x64xf32, #tpu.memory_space<hbm>>) target(%arg8 : memref<800x64xf32, #tpu.memory_space<vmem>>) offsets(%arg6 : memref<800xi32, #tpu.memory_space<vmem>>) semaphore(%arg10 : memref<!tpu.dma_semaphore, #tpu.memory_space<semaphore_mem>>)
    %dma_wait3A_29 = arith.constant 0 : i32
    %dma_wait3A_30 = arith.constant 0 : i32
    %dma_wait3A_31 = tpu.memref_slice %arg2[%dma_wait3A_29, %dma_wait3A_30] : memref<500000x64xf32, #tpu.memory_space<hbm>> -> memref<500000x64xf32, #tpu.memory_space<hbm>>
    tpu.wait_indirect_dma semaphore(%arg9 : memref<!tpu.dma_semaphore, #tpu.memory_space<semaphore_mem>>) src(%dma_wait3A_31 : memref<500000x64xf32, #tpu.memory_space<hbm>>) dst(%arg7 : memref<800x64xf32, #tpu.memory_space<vmem>>)
    %add3A_32 = arith.constant 1600 : i32
    %add3A_33 = arith.addi %mul3A_2, %add3A_32 : i32
    "tpu.region"() ({
      %run_scoped3A = tpu.sem_alloc : memref<!tpu.dma_semaphore, #tpu.memory_space<semaphore_mem>>
      %dma_start3A_79 = arith.constant 0 : i32
      %dma_start3A_80 = tpu.memref_slice %arg4[%add3A_33, %dma_start3A_79] : memref<204800x64xf32, #tpu.memory_space<hbm>> -> memref<800x64xf32, #tpu.memory_space<hbm>>
      %dma_start3A_81 = arith.constant 0 : i32
      %dma_start3A_82 = tpu.memref_slice %arg4[%add3A_33, %dma_start3A_81] : memref<204800x64xf32, #tpu.memory_space<hbm>> -> memref<800x64xf32, #tpu.memory_space<hbm>>
      tpu.enqueue_dma source(%arg7 : memref<800x64xf32, #tpu.memory_space<vmem>>) target(%dma_start3A_82 : memref<800x64xf32, #tpu.memory_space<hbm>>) target_semaphore(%run_scoped3A : memref<!tpu.dma_semaphore, #tpu.memory_space<semaphore_mem>>)
      %dma_wait3A_83 = arith.constant 0 : i32
      %dma_wait3A_84 = tpu.memref_slice %arg4[%add3A_33, %dma_wait3A_83] : memref<204800x64xf32, #tpu.memory_space<hbm>> -> memref<800x64xf32, #tpu.memory_space<hbm>>
      %dma_wait3A_85 = arith.constant 0 : i32
      %dma_wait3A_86 = tpu.memref_slice %arg4[%add3A_33, %dma_wait3A_85] : memref<204800x64xf32, #tpu.memory_space<hbm>> -> memref<800x64xf32, #tpu.memory_space<hbm>>
      tpu.wait_dma2 semaphore(%run_scoped3A : memref<!tpu.dma_semaphore, #tpu.memory_space<semaphore_mem>>) src(%arg7 : memref<800x64xf32, #tpu.memory_space<vmem>>) dst(%dma_wait3A_86 : memref<800x64xf32, #tpu.memory_space<hbm>>)
      tpu.yield
    }) : () -> ()
    %add3A_34 = arith.constant 3200 : i32
    %add3A_35 = arith.addi %mul3A_2, %add3A_34 : i32
    "tpu.region"() ({
      %run_scoped3A = tpu.sem_alloc : memref<!tpu.dma_semaphore, #tpu.memory_space<semaphore_mem>>
      %dma_start3A_79 = tpu.memref_slice %arg3[%add3A_35] : memref<204800xi32, #tpu.memory_space<hbm>> -> memref<800xi32, #tpu.memory_space<hbm>>
      %dma_start3A_80 = tpu.memref_slice %arg3[%add3A_35] : memref<204800xi32, #tpu.memory_space<hbm>> -> memref<800xi32, #tpu.memory_space<hbm>>
      tpu.enqueue_dma source(%dma_start3A_80 : memref<800xi32, #tpu.memory_space<hbm>>) target(%arg5 : memref<800xi32, #tpu.memory_space<vmem>>) target_semaphore(%run_scoped3A : memref<!tpu.dma_semaphore, #tpu.memory_space<semaphore_mem>>)
      %dma_wait3A_81 = tpu.memref_slice %arg3[%add3A_35] : memref<204800xi32, #tpu.memory_space<hbm>> -> memref<800xi32, #tpu.memory_space<hbm>>
      %dma_wait3A_82 = tpu.memref_slice %arg3[%add3A_35] : memref<204800xi32, #tpu.memory_space<hbm>> -> memref<800xi32, #tpu.memory_space<hbm>>
      tpu.wait_dma2 semaphore(%run_scoped3A : memref<!tpu.dma_semaphore, #tpu.memory_space<semaphore_mem>>) src(%dma_wait3A_82 : memref<800xi32, #tpu.memory_space<hbm>>) dst(%arg5 : memref<800xi32, #tpu.memory_space<vmem>>)
      tpu.yield
    }) : () -> ()
    %dma_start3A_36 = arith.constant 0 : i32
    %dma_start3A_37 = arith.constant 0 : i32
    %dma_start3A_38 = tpu.memref_slice %arg2[%dma_start3A_36, %dma_start3A_37] : memref<500000x64xf32, #tpu.memory_space<hbm>> -> memref<500000x64xf32, #tpu.memory_space<hbm>>
    tpu.enqueue_indirect_dma source(%dma_start3A_38 : memref<500000x64xf32, #tpu.memory_space<hbm>>) target(%arg7 : memref<800x64xf32, #tpu.memory_space<vmem>>) offsets(%arg5 : memref<800xi32, #tpu.memory_space<vmem>>) semaphore(%arg9 : memref<!tpu.dma_semaphore, #tpu.memory_space<semaphore_mem>>)
    %dma_wait3A_39 = arith.constant 0 : i32
    %dma_wait3A_40 = arith.constant 0 : i32
    %dma_wait3A_41 = tpu.memref_slice %arg2[%dma_wait3A_39, %dma_wait3A_40] : memref<500000x64xf32, #tpu.memory_space<hbm>> -> memref<500000x64xf32, #tpu.memory_space<hbm>>
    tpu.wait_indirect_dma semaphore(%arg10 : memref<!tpu.dma_semaphore, #tpu.memory_space<semaphore_mem>>) src(%dma_wait3A_41 : memref<500000x64xf32, #tpu.memory_space<hbm>>) dst(%arg8 : memref<800x64xf32, #tpu.memory_space<vmem>>)
    %add3A_42 = arith.constant 2400 : i32
    %add3A_43 = arith.addi %mul3A_2, %add3A_42 : i32
    "tpu.region"() ({
      %run_scoped3A = tpu.sem_alloc : memref<!tpu.dma_semaphore, #tpu.memory_space<semaphore_mem>>
      %dma_start3A_79 = arith.constant 0 : i32
      %dma_start3A_80 = tpu.memref_slice %arg4[%add3A_43, %dma_start3A_79] : memref<204800x64xf32, #tpu.memory_space<hbm>> -> memref<800x64xf32, #tpu.memory_space<hbm>>
      %dma_start3A_81 = arith.constant 0 : i32
      %dma_start3A_82 = tpu.memref_slice %arg4[%add3A_43, %dma_start3A_81] : memref<204800x64xf32, #tpu.memory_space<hbm>> -> memref<800x64xf32, #tpu.memory_space<hbm>>
      tpu.enqueue_dma source(%arg8 : memref<800x64xf32, #tpu.memory_space<vmem>>) target(%dma_start3A_82 : memref<800x64xf32, #tpu.memory_space<hbm>>) target_semaphore(%run_scoped3A : memref<!tpu.dma_semaphore, #tpu.memory_space<semaphore_mem>>)
      %dma_wait3A_83 = arith.constant 0 : i32
      %dma_wait3A_84 = tpu.memref_slice %arg4[%add3A_43, %dma_wait3A_83] : memref<204800x64xf32, #tpu.memory_space<hbm>> -> memref<800x64xf32, #tpu.memory_space<hbm>>
      %dma_wait3A_85 = arith.constant 0 : i32
      %dma_wait3A_86 = tpu.memref_slice %arg4[%add3A_43, %dma_wait3A_85] : memref<204800x64xf32, #tpu.memory_space<hbm>> -> memref<800x64xf32, #tpu.memory_space<hbm>>
      tpu.wait_dma2 semaphore(%run_scoped3A : memref<!tpu.dma_semaphore, #tpu.memory_space<semaphore_mem>>) src(%arg8 : memref<800x64xf32, #tpu.memory_space<vmem>>) dst(%dma_wait3A_86 : memref<800x64xf32, #tpu.memory_space<hbm>>)
      tpu.yield
    }) : () -> ()
    %add3A_44 = arith.constant 4000 : i32
    %add3A_45 = arith.addi %mul3A_2, %add3A_44 : i32
    "tpu.region"() ({
      %run_scoped3A = tpu.sem_alloc : memref<!tpu.dma_semaphore, #tpu.memory_space<semaphore_mem>>
      %dma_start3A_79 = tpu.memref_slice %arg3[%add3A_45] : memref<204800xi32, #tpu.memory_space<hbm>> -> memref<800xi32, #tpu.memory_space<hbm>>
      %dma_start3A_80 = tpu.memref_slice %arg3[%add3A_45] : memref<204800xi32, #tpu.memory_space<hbm>> -> memref<800xi32, #tpu.memory_space<hbm>>
      tpu.enqueue_dma source(%dma_start3A_80 : memref<800xi32, #tpu.memory_space<hbm>>) target(%arg6 : memref<800xi32, #tpu.memory_space<vmem>>) target_semaphore(%run_scoped3A : memref<!tpu.dma_semaphore, #tpu.memory_space<semaphore_mem>>)
      %dma_wait3A_81 = tpu.memref_slice %arg3[%add3A_45] : memref<204800xi32, #tpu.memory_space<hbm>> -> memref<800xi32, #tpu.memory_space<hbm>>
      %dma_wait3A_82 = tpu.memref_slice %arg3[%add3A_45] : memref<204800xi32, #tpu.memory_space<hbm>> -> memref<800xi32, #tpu.memory_space<hbm>>
      tpu.wait_dma2 semaphore(%run_scoped3A : memref<!tpu.dma_semaphore, #tpu.memory_space<semaphore_mem>>) src(%dma_wait3A_82 : memref<800xi32, #tpu.memory_space<hbm>>) dst(%arg6 : memref<800xi32, #tpu.memory_space<vmem>>)
      tpu.yield
    }) : () -> ()
    %dma_start3A_46 = arith.constant 0 : i32
    %dma_start3A_47 = arith.constant 0 : i32
    %dma_start3A_48 = tpu.memref_slice %arg2[%dma_start3A_46, %dma_start3A_47] : memref<500000x64xf32, #tpu.memory_space<hbm>> -> memref<500000x64xf32, #tpu.memory_space<hbm>>
    tpu.enqueue_indirect_dma source(%dma_start3A_48 : memref<500000x64xf32, #tpu.memory_space<hbm>>) target(%arg8 : memref<800x64xf32, #tpu.memory_space<vmem>>) offsets(%arg6 : memref<800xi32, #tpu.memory_space<vmem>>) semaphore(%arg10 : memref<!tpu.dma_semaphore, #tpu.memory_space<semaphore_mem>>)
    %dma_wait3A_49 = arith.constant 0 : i32
    %dma_wait3A_50 = arith.constant 0 : i32
    %dma_wait3A_51 = tpu.memref_slice %arg2[%dma_wait3A_49, %dma_wait3A_50] : memref<500000x64xf32, #tpu.memory_space<hbm>> -> memref<500000x64xf32, #tpu.memory_space<hbm>>
    tpu.wait_indirect_dma semaphore(%arg9 : memref<!tpu.dma_semaphore, #tpu.memory_space<semaphore_mem>>) src(%dma_wait3A_51 : memref<500000x64xf32, #tpu.memory_space<hbm>>) dst(%arg7 : memref<800x64xf32, #tpu.memory_space<vmem>>)
    %add3A_52 = arith.constant 3200 : i32
    %add3A_53 = arith.addi %mul3A_2, %add3A_52 : i32
    "tpu.region"() ({
      %run_scoped3A = tpu.sem_alloc : memref<!tpu.dma_semaphore, #tpu.memory_space<semaphore_mem>>
      %dma_start3A_79 = arith.constant 0 : i32
      %dma_start3A_80 = tpu.memref_slice %arg4[%add3A_53, %dma_start3A_79] : memref<204800x64xf32, #tpu.memory_space<hbm>> -> memref<800x64xf32, #tpu.memory_space<hbm>>
      %dma_start3A_81 = arith.constant 0 : i32
      %dma_start3A_82 = tpu.memref_slice %arg4[%add3A_53, %dma_start3A_81] : memref<204800x64xf32, #tpu.memory_space<hbm>> -> memref<800x64xf32, #tpu.memory_space<hbm>>
      tpu.enqueue_dma source(%arg7 : memref<800x64xf32, #tpu.memory_space<vmem>>) target(%dma_start3A_82 : memref<800x64xf32, #tpu.memory_space<hbm>>) target_semaphore(%run_scoped3A : memref<!tpu.dma_semaphore, #tpu.memory_space<semaphore_mem>>)
      %dma_wait3A_83 = arith.constant 0 : i32
      %dma_wait3A_84 = tpu.memref_slice %arg4[%add3A_53, %dma_wait3A_83] : memref<204800x64xf32, #tpu.memory_space<hbm>> -> memref<800x64xf32, #tpu.memory_space<hbm>>
      %dma_wait3A_85 = arith.constant 0 : i32
      %dma_wait3A_86 = tpu.memref_slice %arg4[%add3A_53, %dma_wait3A_85] : memref<204800x64xf32, #tpu.memory_space<hbm>> -> memref<800x64xf32, #tpu.memory_space<hbm>>
      tpu.wait_dma2 semaphore(%run_scoped3A : memref<!tpu.dma_semaphore, #tpu.memory_space<semaphore_mem>>) src(%arg7 : memref<800x64xf32, #tpu.memory_space<vmem>>) dst(%dma_wait3A_86 : memref<800x64xf32, #tpu.memory_space<hbm>>)
      tpu.yield
    }) : () -> ()
    %add3A_54 = arith.constant 4800 : i32
    %add3A_55 = arith.addi %mul3A_2, %add3A_54 : i32
    "tpu.region"() ({
      %run_scoped3A = tpu.sem_alloc : memref<!tpu.dma_semaphore, #tpu.memory_space<semaphore_mem>>
      %dma_start3A_79 = tpu.memref_slice %arg3[%add3A_55] : memref<204800xi32, #tpu.memory_space<hbm>> -> memref<800xi32, #tpu.memory_space<hbm>>
      %dma_start3A_80 = tpu.memref_slice %arg3[%add3A_55] : memref<204800xi32, #tpu.memory_space<hbm>> -> memref<800xi32, #tpu.memory_space<hbm>>
      tpu.enqueue_dma source(%dma_start3A_80 : memref<800xi32, #tpu.memory_space<hbm>>) target(%arg5 : memref<800xi32, #tpu.memory_space<vmem>>) target_semaphore(%run_scoped3A : memref<!tpu.dma_semaphore, #tpu.memory_space<semaphore_mem>>)
      %dma_wait3A_81 = tpu.memref_slice %arg3[%add3A_55] : memref<204800xi32, #tpu.memory_space<hbm>> -> memref<800xi32, #tpu.memory_space<hbm>>
      %dma_wait3A_82 = tpu.memref_slice %arg3[%add3A_55] : memref<204800xi32, #tpu.memory_space<hbm>> -> memref<800xi32, #tpu.memory_space<hbm>>
      tpu.wait_dma2 semaphore(%run_scoped3A : memref<!tpu.dma_semaphore, #tpu.memory_space<semaphore_mem>>) src(%dma_wait3A_82 : memref<800xi32, #tpu.memory_space<hbm>>) dst(%arg5 : memref<800xi32, #tpu.memory_space<vmem>>)
      tpu.yield
    }) : () -> ()
    %dma_start3A_56 = arith.constant 0 : i32
    %dma_start3A_57 = arith.constant 0 : i32
    %dma_start3A_58 = tpu.memref_slice %arg2[%dma_start3A_56, %dma_start3A_57] : memref<500000x64xf32, #tpu.memory_space<hbm>> -> memref<500000x64xf32, #tpu.memory_space<hbm>>
    tpu.enqueue_indirect_dma source(%dma_start3A_58 : memref<500000x64xf32, #tpu.memory_space<hbm>>) target(%arg7 : memref<800x64xf32, #tpu.memory_space<vmem>>) offsets(%arg5 : memref<800xi32, #tpu.memory_space<vmem>>) semaphore(%arg9 : memref<!tpu.dma_semaphore, #tpu.memory_space<semaphore_mem>>)
    %dma_wait3A_59 = arith.constant 0 : i32
    %dma_wait3A_60 = arith.constant 0 : i32
    %dma_wait3A_61 = tpu.memref_slice %arg2[%dma_wait3A_59, %dma_wait3A_60] : memref<500000x64xf32, #tpu.memory_space<hbm>> -> memref<500000x64xf32, #tpu.memory_space<hbm>>
    tpu.wait_indirect_dma semaphore(%arg10 : memref<!tpu.dma_semaphore, #tpu.memory_space<semaphore_mem>>) src(%dma_wait3A_61 : memref<500000x64xf32, #tpu.memory_space<hbm>>) dst(%arg8 : memref<800x64xf32, #tpu.memory_space<vmem>>)
    %add3A_62 = arith.constant 4000 : i32
    %add3A_63 = arith.addi %mul3A_2, %add3A_62 : i32
    "tpu.region"() ({
      %run_scoped3A = tpu.sem_alloc : memref<!tpu.dma_semaphore, #tpu.memory_space<semaphore_mem>>
      %dma_start3A_79 = arith.constant 0 : i32
      %dma_start3A_80 = tpu.memref_slice %arg4[%add3A_63, %dma_start3A_79] : memref<204800x64xf32, #tpu.memory_space<hbm>> -> memref<800x64xf32, #tpu.memory_space<hbm>>
      %dma_start3A_81 = arith.constant 0 : i32
      %dma_start3A_82 = tpu.memref_slice %arg4[%add3A_63, %dma_start3A_81] : memref<204800x64xf32, #tpu.memory_space<hbm>> -> memref<800x64xf32, #tpu.memory_space<hbm>>
      tpu.enqueue_dma source(%arg8 : memref<800x64xf32, #tpu.memory_space<vmem>>) target(%dma_start3A_82 : memref<800x64xf32, #tpu.memory_space<hbm>>) target_semaphore(%run_scoped3A : memref<!tpu.dma_semaphore, #tpu.memory_space<semaphore_mem>>)
      %dma_wait3A_83 = arith.constant 0 : i32
      %dma_wait3A_84 = tpu.memref_slice %arg4[%add3A_63, %dma_wait3A_83] : memref<204800x64xf32, #tpu.memory_space<hbm>> -> memref<800x64xf32, #tpu.memory_space<hbm>>
      %dma_wait3A_85 = arith.constant 0 : i32
      %dma_wait3A_86 = tpu.memref_slice %arg4[%add3A_63, %dma_wait3A_85] : memref<204800x64xf32, #tpu.memory_space<hbm>> -> memref<800x64xf32, #tpu.memory_space<hbm>>
      tpu.wait_dma2 semaphore(%run_scoped3A : memref<!tpu.dma_semaphore, #tpu.memory_space<semaphore_mem>>) src(%arg8 : memref<800x64xf32, #tpu.memory_space<vmem>>) dst(%dma_wait3A_86 : memref<800x64xf32, #tpu.memory_space<hbm>>)
      tpu.yield
    }) : () -> ()
    %add3A_64 = arith.constant 5600 : i32
    %add3A_65 = arith.addi %mul3A_2, %add3A_64 : i32
    "tpu.region"() ({
      %run_scoped3A = tpu.sem_alloc : memref<!tpu.dma_semaphore, #tpu.memory_space<semaphore_mem>>
      %dma_start3A_79 = tpu.memref_slice %arg3[%add3A_65] : memref<204800xi32, #tpu.memory_space<hbm>> -> memref<800xi32, #tpu.memory_space<hbm>>
      %dma_start3A_80 = tpu.memref_slice %arg3[%add3A_65] : memref<204800xi32, #tpu.memory_space<hbm>> -> memref<800xi32, #tpu.memory_space<hbm>>
      tpu.enqueue_dma source(%dma_start3A_80 : memref<800xi32, #tpu.memory_space<hbm>>) target(%arg6 : memref<800xi32, #tpu.memory_space<vmem>>) target_semaphore(%run_scoped3A : memref<!tpu.dma_semaphore, #tpu.memory_space<semaphore_mem>>)
      %dma_wait3A_81 = tpu.memref_slice %arg3[%add3A_65] : memref<204800xi32, #tpu.memory_space<hbm>> -> memref<800xi32, #tpu.memory_space<hbm>>
      %dma_wait3A_82 = tpu.memref_slice %arg3[%add3A_65] : memref<204800xi32, #tpu.memory_space<hbm>> -> memref<800xi32, #tpu.memory_space<hbm>>
      tpu.wait_dma2 semaphore(%run_scoped3A : memref<!tpu.dma_semaphore, #tpu.memory_space<semaphore_mem>>) src(%dma_wait3A_82 : memref<800xi32, #tpu.memory_space<hbm>>) dst(%arg6 : memref<800xi32, #tpu.memory_space<vmem>>)
      tpu.yield
    }) : () -> ()
    %dma_start3A_66 = arith.constant 0 : i32
    %dma_start3A_67 = arith.constant 0 : i32
    %dma_start3A_68 = tpu.memref_slice %arg2[%dma_start3A_66, %dma_start3A_67] : memref<500000x64xf32, #tpu.memory_space<hbm>> -> memref<500000x64xf32, #tpu.memory_space<hbm>>
    tpu.enqueue_indirect_dma source(%dma_start3A_68 : memref<500000x64xf32, #tpu.memory_space<hbm>>) target(%arg8 : memref<800x64xf32, #tpu.memory_space<vmem>>) offsets(%arg6 : memref<800xi32, #tpu.memory_space<vmem>>) semaphore(%arg10 : memref<!tpu.dma_semaphore, #tpu.memory_space<semaphore_mem>>)
    %dma_wait3A_69 = arith.constant 0 : i32
    %dma_wait3A_70 = arith.constant 0 : i32
    %dma_wait3A_71 = tpu.memref_slice %arg2[%dma_wait3A_69, %dma_wait3A_70] : memref<500000x64xf32, #tpu.memory_space<hbm>> -> memref<500000x64xf32, #tpu.memory_space<hbm>>
    tpu.wait_indirect_dma semaphore(%arg9 : memref<!tpu.dma_semaphore, #tpu.memory_space<semaphore_mem>>) src(%dma_wait3A_71 : memref<500000x64xf32, #tpu.memory_space<hbm>>) dst(%arg7 : memref<800x64xf32, #tpu.memory_space<vmem>>)
    %add3A_72 = arith.constant 4800 : i32
    %add3A_73 = arith.addi %mul3A_2, %add3A_72 : i32
    "tpu.region"() ({
      %run_scoped3A = tpu.sem_alloc : memref<!tpu.dma_semaphore, #tpu.memory_space<semaphore_mem>>
      %dma_start3A_79 = arith.constant 0 : i32
      %dma_start3A_80 = tpu.memref_slice %arg4[%add3A_73, %dma_start3A_79] : memref<204800x64xf32, #tpu.memory_space<hbm>> -> memref<800x64xf32, #tpu.memory_space<hbm>>
      %dma_start3A_81 = arith.constant 0 : i32
      %dma_start3A_82 = tpu.memref_slice %arg4[%add3A_73, %dma_start3A_81] : memref<204800x64xf32, #tpu.memory_space<hbm>> -> memref<800x64xf32, #tpu.memory_space<hbm>>
      tpu.enqueue_dma source(%arg7 : memref<800x64xf32, #tpu.memory_space<vmem>>) target(%dma_start3A_82 : memref<800x64xf32, #tpu.memory_space<hbm>>) target_semaphore(%run_scoped3A : memref<!tpu.dma_semaphore, #tpu.memory_space<semaphore_mem>>)
      %dma_wait3A_83 = arith.constant 0 : i32
      %dma_wait3A_84 = tpu.memref_slice %arg4[%add3A_73, %dma_wait3A_83] : memref<204800x64xf32, #tpu.memory_space<hbm>> -> memref<800x64xf32, #tpu.memory_space<hbm>>
      %dma_wait3A_85 = arith.constant 0 : i32
      %dma_wait3A_86 = tpu.memref_slice %arg4[%add3A_73, %dma_wait3A_85] : memref<204800x64xf32, #tpu.memory_space<hbm>> -> memref<800x64xf32, #tpu.memory_space<hbm>>
      tpu.wait_dma2 semaphore(%run_scoped3A : memref<!tpu.dma_semaphore, #tpu.memory_space<semaphore_mem>>) src(%arg7 : memref<800x64xf32, #tpu.memory_space<vmem>>) dst(%dma_wait3A_86 : memref<800x64xf32, #tpu.memory_space<hbm>>)
      tpu.yield
    }) : () -> ()
    %dma_wait3A_74 = arith.constant 0 : i32
    %dma_wait3A_75 = arith.constant 0 : i32
    %dma_wait3A_76 = tpu.memref_slice %arg2[%dma_wait3A_74, %dma_wait3A_75] : memref<500000x64xf32, #tpu.memory_space<hbm>> -> memref<500000x64xf32, #tpu.memory_space<hbm>>
    tpu.wait_indirect_dma semaphore(%arg10 : memref<!tpu.dma_semaphore, #tpu.memory_space<semaphore_mem>>) src(%dma_wait3A_76 : memref<500000x64xf32, #tpu.memory_space<hbm>>) dst(%arg8 : memref<800x64xf32, #tpu.memory_space<vmem>>)
    %add3A_77 = arith.constant 5600 : i32
    %add3A_78 = arith.addi %mul3A_2, %add3A_77 : i32
    "tpu.region"() ({
      %run_scoped3A = tpu.sem_alloc : memref<!tpu.dma_semaphore, #tpu.memory_space<semaphore_mem>>
      %dma_start3A_79 = arith.constant 0 : i32
      %dma_start3A_80 = tpu.memref_slice %arg4[%add3A_78, %dma_start3A_79] : memref<204800x64xf32, #tpu.memory_space<hbm>> -> memref<800x64xf32, #tpu.memory_space<hbm>>
      %dma_start3A_81 = arith.constant 0 : i32
      %dma_start3A_82 = tpu.memref_slice %arg4[%add3A_78, %dma_start3A_81] : memref<204800x64xf32, #tpu.memory_space<hbm>> -> memref<800x64xf32, #tpu.memory_space<hbm>>
      tpu.enqueue_dma source(%arg8 : memref<800x64xf32, #tpu.memory_space<vmem>>) target(%dma_start3A_82 : memref<800x64xf32, #tpu.memory_space<hbm>>) target_semaphore(%run_scoped3A : memref<!tpu.dma_semaphore, #tpu.memory_space<semaphore_mem>>)
      %dma_wait3A_83 = arith.constant 0 : i32
      %dma_wait3A_84 = tpu.memref_slice %arg4[%add3A_78, %dma_wait3A_83] : memref<204800x64xf32, #tpu.memory_space<hbm>> -> memref<800x64xf32, #tpu.memory_space<hbm>>
      %dma_wait3A_85 = arith.constant 0 : i32
      %dma_wait3A_86 = tpu.memref_slice %arg4[%add3A_78, %dma_wait3A_85] : memref<204800x64xf32, #tpu.memory_space<hbm>> -> memref<800x64xf32, #tpu.memory_space<hbm>>
      tpu.wait_dma2 semaphore(%run_scoped3A : memref<!tpu.dma_semaphore, #tpu.memory_space<semaphore_mem>>) src(%arg8 : memref<800x64xf32, #tpu.memory_space<vmem>>) dst(%dma_wait3A_86 : memref<800x64xf32, #tpu.memory_space<hbm>>)
      tpu.yield
    }) : () -> ()
    return
  }
}

module attributes {stable_mosaic.version = 14 : i64} {
  func.func @_pad_body(%arg0: i32, %arg1: memref<2000x50xi32, #tpu.memory_space<vmem>>, %arg2: memref<2000x50xi32, #tpu.memory_space<vmem>>, %arg3: memref<2000x128xi32, #tpu.memory_space<vmem>>) attributes {dimension_semantics = [#tpu.dimension_semantics<arbitrary>], iteration_bounds = array<i64: 50>, scalar_prefetch = 0 : i64, scratch_operands = 0 : i64, tpu.core_type = #tpu.core_type<tc>, window_params = [{transform_indices = @transform_0, window_bounds = array<i64: 2000, 50>}, {transform_indices = @transform_1, window_bounds = array<i64: 2000, 50>}, {transform_indices = @transform_2, window_bounds = array<i64: 2000, 128>}]} {
    %broadcast_in_dim3A = arith.constant 0 : i32
    %broadcast_in_dim3A_0 = vector.broadcast %broadcast_in_dim3A : i32 to vector<2000x28xi32>
    %get3A = arith.constant 0 : index
    %get3A_1 = arith.constant 0 : index
    %get3A_2 = vector.load %arg1[%get3A, %get3A_1] : memref<2000x50xi32, #tpu.memory_space<vmem>>, vector<2000x50xi32>
    %slice3A = vector.extract_strided_slice %broadcast_in_dim3A_0 {offsets = [0, 0], sizes = [2000, 14], strides = [1, 1]} : vector<2000x28xi32> to vector<2000x14xi32>
    %get3A_3 = arith.constant 0 : index
    %get3A_4 = arith.constant 0 : index
    %get3A_5 = vector.load %arg2[%get3A_3, %get3A_4] : memref<2000x50xi32, #tpu.memory_space<vmem>>, vector<2000x50xi32>
    %slice3A_6 = vector.extract_strided_slice %broadcast_in_dim3A_0 {offsets = [0, 0], sizes = [2000, 14], strides = [1, 1]} : vector<2000x28xi32> to vector<2000x14xi32>
    %concatenate3A = tpu.concatenate %get3A_2, %slice3A, %get3A_5, %slice3A_6 in 1 : vector<2000x50xi32>, vector<2000x14xi32>, vector<2000x50xi32>, vector<2000x14xi32> -> vector<2000x128xi32>
    %swap3A = arith.constant 0 : index
    %swap3A_7 = arith.constant 0 : index
    %swap3A_8 = vector.load %arg3[%swap3A, %swap3A_7] : memref<2000x128xi32, #tpu.memory_space<vmem>>, vector<2000x128xi32>
    tpu.vector_store %arg3[%swap3A, %swap3A_7], %concatenate3A {strides = array<i32>} : memref<2000x128xi32, #tpu.memory_space<vmem>>, vector<2000x128xi32>,
    return
  }
  func.func @transform_0(%arg0: i32) -> (i32, i32) {
    %c0_i32 = arith.constant 0 : i32
    %c0_i32_0 = arith.constant 0 : i32
    return %arg0, %c0_i32 : i32, i32
  }
  func.func @transform_1(%arg0: i32) -> (i32, i32) {
    %c0_i32 = arith.constant 0 : i32
    %c0_i32_0 = arith.constant 0 : i32
    return %arg0, %c0_i32 : i32, i32
  }
  func.func @transform_2(%arg0: i32) -> (i32, i32) {
    %c0_i32 = arith.constant 0 : i32
    %c0_i32_0 = arith.constant 0 : i32
    return %arg0, %c0_i32 : i32, i32
  }
}

module attributes {stable_mosaic.version = 14 : i64} {
  func.func @_mktable_body(%arg0: i32, %arg1: i32, %arg2: memref<2000x128xf32, #tpu.memory_space<vmem>>, %arg3: memref<128x128xf32, #tpu.memory_space<vmem>>, %arg4: memref<1x1x64xf32, #tpu.memory_space<vmem>>, %arg5: memref<64x64xf32, #tpu.memory_space<vmem>>, %arg6: memref<64xf32, #tpu.memory_space<vmem>>, %arg7: memref<2000x128xf32, #tpu.memory_space<vmem>>) attributes {dimension_semantics = [#tpu.dimension_semantics<arbitrary>, #tpu.dimension_semantics<arbitrary>], iteration_bounds = array<i64: 25, 5>, scalar_prefetch = 0 : i64, scratch_operands = 0 : i64, tpu.core_type = #tpu.core_type<tc>, window_params = [{transform_indices = @transform_0, window_bounds = array<i64: 2000, 128>}, {pipeline_mode = #tpu.pipeline_mode<synchronous>, transform_indices = @transform_1, window_bounds = array<i64: 128, 128>}, {transform_indices = @transform_2, window_bounds = array<i64: 1, 1, 64>}, {pipeline_mode = #tpu.pipeline_mode<synchronous>, transform_indices = @transform_3, window_bounds = array<i64: 64, 64>}, {pipeline_mode = #tpu.pipeline_mode<synchronous>, transform_indices = @transform_4, window_bounds = array<i64: 64>}, {transform_indices = @transform_5, window_bounds = array<i64: 2000, 128>}]} {
    %get3A = arith.constant 0 : index
    %get3A_0 = arith.constant 0 : index
    %get3A_1 = arith.constant 0 : index
    %get3A_2 = vector.load %arg4[%get3A, %get3A_0, %get3A_1] : memref<1x1x64xf32, #tpu.memory_space<vmem>>, vector<1x1x64xf32>
    %get3A_3 = vector.shape_cast %get3A_2 : vector<1x1x64xf32> to vector<1x64xf32>
    %get3A_4 = arith.constant 0 : index
    %get3A_5 = arith.constant 0 : index
    %get3A_6 = vector.load %arg5[%get3A_4, %get3A_5] : memref<64x64xf32, #tpu.memory_space<vmem>>, vector<64x64xf32>
    %dot_general3A = arith.constant dense<0.000000e+00> : vector<1x64xf32>
    %dot_general3A_7 = tpu.matmul %get3A_3, %get3A_6, %dot_general3A {dimension_numbers = #tpu.dot_dimension_numbers<[1], [0], [0], [1], [0, 0, 1, 1], [], []>, transpose_lhs_hint = false} : vector<1x64xf32>, vector<64x64xf32>, vector<1x64xf32> -> vector<1x64xf32>
    %get3A_8 = arith.constant 0 : index
    %get3A_9 = vector.load %arg6[%get3A_8] : memref<64xf32, #tpu.memory_space<vmem>>, vector<64xf32>
    %broadcast_in_dim3A = vector.shape_cast %get3A_9 : vector<64xf32> to vector<1x64xf32>
    %add3A = arith.addf %dot_general3A_7, %broadcast_in_dim3A : vector<1x64xf32>
    %concatenate3A = tpu.concatenate %add3A, %add3A in 1 : vector<1x64xf32>, vector<1x64xf32> -> vector<1x128xf32>
    %get3A_10 = arith.constant 0 : index
    %get3A_11 = arith.constant 0 : index
    %get3A_12 = vector.load %arg2[%get3A_10, %get3A_11] : memref<2000x128xf32, #tpu.memory_space<vmem>>, vector<2000x128xf32>
    %get3A_13 = arith.constant 0 : index
    %get3A_14 = arith.constant 0 : index
    %get3A_15 = vector.load %arg3[%get3A_13, %get3A_14] : memref<128x128xf32, #tpu.memory_space<vmem>>, vector<128x128xf32>
    %dot_general3A_16 = arith.constant dense<0.000000e+00> : vector<2000x128xf32>
    %dot_general3A_17 = tpu.matmul %get3A_12, %get3A_15, %dot_general3A_16 {dimension_numbers = #tpu.dot_dimension_numbers<[1], [0], [0], [1], [0, 0, 1, 1], [], []>, transpose_lhs_hint = false} : vector<2000x128xf32>, vector<128x128xf32>, vector<2000x128xf32> -> vector<2000x128xf32>
    %add3A_18 = vector.broadcast %concatenate3A : vector<1x128xf32> to vector<2000x128xf32>
    %add3A_19 = arith.addf %dot_general3A_17, %add3A_18 : vector<2000x128xf32>
    %swap3A = arith.constant 0 : index
    %swap3A_20 = arith.constant 0 : index
    %swap3A_21 = vector.load %arg7[%swap3A, %swap3A_20] : memref<2000x128xf32, #tpu.memory_space<vmem>>, vector<2000x128xf32>
    tpu.vector_store %arg7[%swap3A, %swap3A_20], %add3A_19 {strides = array<i32>} : memref<2000x128xf32, #tpu.memory_space<vmem>>, vector<2000x128xf32>,
    return
  }
  func.func @transform_0(%arg0: i32, %arg1: i32) -> (i32, i32) {
    %c0_i32 = arith.constant 0 : i32
    %c0_i32_0 = arith.constant 0 : i32
    return %arg0, %c0_i32 : i32, i32
  }
  func.func @transform_1(%arg0: i32, %arg1: i32) -> (i32, i32) {
    %c0_i32 = arith.constant 0 : i32
    %c0_i32_0 = arith.constant 0 : i32
    %c0_i32_1 = arith.constant 0 : i32
    return %c0_i32, %c0_i32_0 : i32, i32
  }
  func.func @transform_2(%arg0: i32, %arg1: i32) -> (i32, i32, i32) {
    %c0_i32 = arith.constant 0 : i32
    %c0_i32_0 = arith.constant 0 : i32
    %c0_i32_1 = arith.constant 0 : i32
    return %arg1, %c0_i32, %c0_i32_0 : i32, i32, i32
  }
  func.func @transform_3(%arg0: i32, %arg1: i32) -> (i32, i32) {
    %c0_i32 = arith.constant 0 : i32
    %c0_i32_0 = arith.constant 0 : i32
    %c0_i32_1 = arith.constant 0 : i32
    return %c0_i32, %c0_i32_0 : i32, i32
  }
  func.func @transform_4(%arg0: i32, %arg1: i32) -> i32 {
    %c0_i32 = arith.constant 0 : i32
    %c0_i32_0 = arith.constant 0 : i32
    return %c0_i32 : i32
  }
  func.func @transform_5(%arg0: i32, %arg1: i32) -> (i32, i32) {
    %mul3A = arith.constant 25 : i32
    %mul3A_0 = arith.muli %arg1, %mul3A : i32
    %add3A = arith.addi %mul3A_0, %arg0 : i32
    %c0_i32 = arith.constant 0 : i32
    %c0_i32_1 = arith.constant 0 : i32
    return %add3A, %c0_i32 : i32, i32
  }
}

module attributes {stable_mosaic.version = 14 : i64} {
  func.func @_main_body(%arg0: i32, %arg1: memref<6400x128xf32, #tpu.memory_space<vmem>>, %arg2: memref<128x128xf32, #tpu.memory_space<vmem>>, %arg3: memref<128x128xbf16, #tpu.memory_space<vmem>>, %arg4: memref<128xf32, #tpu.memory_space<vmem>>, %arg5: memref<128x128xbf16, #tpu.memory_space<vmem>>, %arg6: memref<128x128xf32, #tpu.memory_space<vmem>>, %arg7: memref<128xf32, #tpu.memory_space<vmem>>, %arg8: memref<128x128xbf16, #tpu.memory_space<vmem>>, %arg9: memref<128xf32, #tpu.memory_space<vmem>>, %arg10: memref<128x128xbf16, #tpu.memory_space<vmem>>, %arg11: memref<128x128xf32, #tpu.memory_space<vmem>>, %arg12: memref<128x128xf32, #tpu.memory_space<vmem>>, %arg13: memref<128xf32, #tpu.memory_space<vmem>>, %arg14: memref<128x128xf32, #tpu.memory_space<vmem>>) attributes {dimension_semantics = [#tpu.dimension_semantics<arbitrary>], iteration_bounds = array<i64: 16>, scalar_prefetch = 0 : i64, scratch_operands = 0 : i64, tpu.core_type = #tpu.core_type<tc>, window_params = [{transform_indices = @transform_0, window_bounds = array<i64: 6400, 128>}, {transform_indices = @transform_1, window_bounds = array<i64: 128, 128>}, {pipeline_mode = #tpu.pipeline_mode<synchronous>, transform_indices = @transform_2, window_bounds = array<i64: 128, 128>}, {pipeline_mode = #tpu.pipeline_mode<synchronous>, transform_indices = @transform_3, window_bounds = array<i64: 128>}, {pipeline_mode = #tpu.pipeline_mode<synchronous>, transform_indices = @transform_4, window_bounds = array<i64: 128, 128>}, {pipeline_mode = #tpu.pipeline_mode<synchronous>, transform_indices = @transform_5, window_bounds = array<i64: 128, 128>}, {pipeline_mode = #tpu.pipeline_mode<synchronous>, transform_indices = @transform_6, window_bounds = array<i64: 128>}, {pipeline_mode = #tpu.pipeline_mode<synchronous>, transform_indices = @transform_7, window_bounds = array<i64: 128, 128>}, {pipeline_mode = #tpu.pipeline_mode<synchronous>, transform_indices = @transform_8, window_bounds = array<i64: 128>}, {pipeline_mode = #tpu.pipeline_mode<synchronous>, transform_indices = @transform_9, window_bounds = array<i64: 128, 128>}, {pipeline_mode = #tpu.pipeline_mode<synchronous>, transform_indices = @transform_10, window_bounds = array<i64: 128, 128>}, {pipeline_mode = #tpu.pipeline_mode<synchronous>, transform_indices = @transform_11, window_bounds = array<i64: 128, 128>}, {pipeline_mode = #tpu.pipeline_mode<synchronous>, transform_indices = @transform_12, window_bounds = array<i64: 128>}, {transform_indices = @transform_13, window_bounds = array<i64: 128, 128>}]} {
    %get3A = arith.constant 0 : index
    %get3A_0 = arith.constant 0 : index
    %get3A_1 = vector.load %arg1[%get3A, %get3A_0] : memref<6400x128xf32, #tpu.memory_space<vmem>>, vector<6400x128xf32>
    %max3A = arith.constant 0.000000e+00 : f32
    %max3A_2 = vector.broadcast %max3A : f32 to vector<6400x128xf32>
    %max3A_3 = arith.maximumf %get3A_1, %max3A_2 : vector<6400x128xf32>
    %convert_element_type3A = arith.truncf %max3A_3 : vector<6400x128xf32> to vector<6400x128xbf16>
    %get3A_4 = arith.constant 0 : index
    %get3A_5 = arith.constant 0 : index
    %get3A_6 = vector.load %arg3[%get3A_4, %get3A_5] : memref<128x128xbf16, #tpu.memory_space<vmem>>, vector<128x128xbf16>
    %dot_general3A = arith.constant dense<0.000000e+00> : vector<6400x128xf32>
    %dot_general3A_7 = tpu.matmul %convert_element_type3A, %get3A_6, %dot_general3A {dimension_numbers = #tpu.dot_dimension_numbers<[1], [0], [0], [1], [0, 0, 1, 1], [], []>, transpose_lhs_hint = false} : vector<6400x128xbf16>, vector<128x128xbf16>, vector<6400x128xf32> -> vector<6400x128xf32>
    %get3A_8 = arith.constant 0 : index
    %get3A_9 = vector.load %arg4[%get3A_8] : memref<128xf32, #tpu.memory_space<vmem>>, vector<128xf32>
    %broadcast_in_dim3A = vector.shape_cast %get3A_9 : vector<128xf32> to vector<1x128xf32>
    %add3A = vector.broadcast %broadcast_in_dim3A : vector<1x128xf32> to vector<6400x128xf32>
    %add3A_10 = arith.addf %dot_general3A_7, %add3A : vector<6400x128xf32>
    %max3A_11 = arith.constant 0.000000e+00 : f32
    %max3A_12 = vector.broadcast %max3A_11 : f32 to vector<6400x128xf32>
    %max3A_13 = arith.maximumf %add3A_10, %max3A_12 : vector<6400x128xf32>
    %get3A_14 = arith.constant 0 : index
    %get3A_15 = arith.constant 0 : index
    %get3A_16 = vector.load %arg2[%get3A_14, %get3A_15] : memref<128x128xf32, #tpu.memory_space<vmem>>, vector<128x128xf32>
    %get3A_17 = arith.constant 0 : index
    %get3A_18 = arith.constant 0 : index
    %get3A_19 = vector.load %arg6[%get3A_17, %get3A_18] : memref<128x128xf32, #tpu.memory_space<vmem>>, vector<128x128xf32>
    %dot_general3A_20 = arith.constant dense<0.000000e+00> : vector<128x128xf32>
    %dot_general3A_21 = tpu.matmul %get3A_16, %get3A_19, %dot_general3A_20 {dimension_numbers = #tpu.dot_dimension_numbers<[1], [0], [0], [1], [0, 0, 1, 1], [], []>, transpose_lhs_hint = false} : vector<128x128xf32>, vector<128x128xf32>, vector<128x128xf32> -> vector<128x128xf32>
    %broadcast_in_dim3A_22 = vector.shape_cast %dot_general3A_21 : vector<128x128xf32> to vector<1x128x128xf32>
    %broadcast_in_dim3A_23 = vector.shape_cast %broadcast_in_dim3A_22 : vector<1x128x128xf32> to vector<1x128x128xf32>
    %broadcast_in_dim3A_24 = vector.broadcast %broadcast_in_dim3A_23 : vector<1x128x128xf32> to vector<50x128x128xf32>
    %reshape3A = vector.shape_cast %broadcast_in_dim3A_24 : vector<50x128x128xf32> to vector<6400x128xf32>
    %convert_element_type3A_25 = arith.truncf %max3A_13 : vector<6400x128xf32> to vector<6400x128xbf16>
    %get3A_26 = arith.constant 0 : index
    %get3A_27 = arith.constant 0 : index
    %get3A_28 = vector.load %arg5[%get3A_26, %get3A_27] : memref<128x128xbf16, #tpu.memory_space<vmem>>, vector<128x128xbf16>
    %dot_general3A_29 = arith.constant dense<0.000000e+00> : vector<6400x128xf32>
    %dot_general3A_30 = tpu.matmul %convert_element_type3A_25, %get3A_28, %dot_general3A_29 {dimension_numbers = #tpu.dot_dimension_numbers<[1], [0], [0], [1], [0, 0, 1, 1], [], []>, transpose_lhs_hint = false} : vector<6400x128xbf16>, vector<128x128xbf16>, vector<6400x128xf32> -> vector<6400x128xf32>
    %add3A_31 = arith.addf %dot_general3A_30, %reshape3A : vector<6400x128xf32>
    %get3A_32 = arith.constant 0 : index
    %get3A_33 = vector.load %arg7[%get3A_32] : memref<128xf32, #tpu.memory_space<vmem>>, vector<128xf32>
    %broadcast_in_dim3A_34 = vector.shape_cast %get3A_33 : vector<128xf32> to vector<1x128xf32>
    %add3A_35 = vector.broadcast %broadcast_in_dim3A_34 : vector<1x128xf32> to vector<6400x128xf32>
    %add3A_36 = arith.addf %add3A_31, %add3A_35 : vector<6400x128xf32>
    %max3A_37 = arith.constant 0.000000e+00 : f32
    %max3A_38 = vector.broadcast %max3A_37 : f32 to vector<6400x128xf32>
    %max3A_39 = arith.maximumf %add3A_36, %max3A_38 : vector<6400x128xf32>
    %convert_element_type3A_40 = arith.truncf %max3A_39 : vector<6400x128xf32> to vector<6400x128xbf16>
    %get3A_41 = arith.constant 0 : index
    %get3A_42 = arith.constant 0 : index
    %get3A_43 = vector.load %arg8[%get3A_41, %get3A_42] : memref<128x128xbf16, #tpu.memory_space<vmem>>, vector<128x128xbf16>
    %dot_general3A_44 = arith.constant dense<0.000000e+00> : vector<6400x128xf32>
    %dot_general3A_45 = tpu.matmul %convert_element_type3A_40, %get3A_43, %dot_general3A_44 {dimension_numbers = #tpu.dot_dimension_numbers<[1], [0], [0], [1], [0, 0, 1, 1], [], []>, transpose_lhs_hint = false} : vector<6400x128xbf16>, vector<128x128xbf16>, vector<6400x128xf32> -> vector<6400x128xf32>
    %get3A_46 = arith.constant 0 : index
    %get3A_47 = vector.load %arg9[%get3A_46] : memref<128xf32, #tpu.memory_space<vmem>>, vector<128xf32>
    %broadcast_in_dim3A_48 = vector.shape_cast %get3A_47 : vector<128xf32> to vector<1x128xf32>
    %add3A_49 = vector.broadcast %broadcast_in_dim3A_48 : vector<1x128xf32> to vector<6400x128xf32>
    %add3A_50 = arith.addf %dot_general3A_45, %add3A_49 : vector<6400x128xf32>
    %max3A_51 = arith.constant 0.000000e+00 : f32
    %max3A_52 = vector.broadcast %max3A_51 : f32 to vector<6400x128xf32>
    %max3A_53 = arith.maximumf %add3A_50, %max3A_52 : vector<6400x128xf32>
    %convert_element_type3A_54 = arith.truncf %max3A_53 : vector<6400x128xf32> to vector<6400x128xbf16>
    %get3A_55 = arith.constant 0 : index
    %get3A_56 = arith.constant 0 : index
    %get3A_57 = vector.load %arg10[%get3A_55, %get3A_56] : memref<128x128xbf16, #tpu.memory_space<vmem>>, vector<128x128xbf16>
    %dot_general3A_58 = arith.constant dense<0.000000e+00> : vector<6400x128xf32>
    %dot_general3A_59 = tpu.matmul %convert_element_type3A_54, %get3A_57, %dot_general3A_58 {dimension_numbers = #tpu.dot_dimension_numbers<[1], [0], [0], [1], [0, 0, 1, 1], [], []>, transpose_lhs_hint = false} : vector<6400x128xbf16>, vector<128x128xbf16>, vector<6400x128xf32> -> vector<6400x128xf32>
    %reshape3A_60 = vector.shape_cast %dot_general3A_59 : vector<6400x128xf32> to vector<50x128x128xf32>
    %reduce_max3A = arith.constant dense<0xFF800000> : vector<128x128xf32>
    %reduce_max3A_61 = vector.multi_reduction <maximumf>, %reshape3A_60, %reduce_max3A [0] : vector<50x128x128xf32> to vector<128x128xf32>
    %broadcast_in_dim3A_62 = vector.shape_cast %reduce_max3A_61 : vector<128x128xf32> to vector<1x128x128xf32>
    %sub3A = vector.broadcast %broadcast_in_dim3A_62 : vector<1x128x128xf32> to vector<50x128x128xf32>
    %sub3A_63 = arith.subf %reshape3A_60, %sub3A : vector<50x128x128xf32>
    %exp3A = math.exp %sub3A_63 : vector<50x128x128xf32>
    %reduce_sum3A = arith.constant dense<0.000000e+00> : vector<128x128xf32>
    %reduce_sum3A_64 = vector.multi_reduction <add>, %exp3A, %reduce_sum3A [0] : vector<50x128x128xf32> to vector<128x128xf32>
    %broadcast_in_dim3A_65 = vector.shape_cast %reduce_sum3A_64 : vector<128x128xf32> to vector<1x128x128xf32>
    %div3A = vector.broadcast %broadcast_in_dim3A_65 : vector<1x128x128xf32> to vector<50x128x128xf32>
    %div3A_66 = arith.divf %exp3A, %div3A : vector<50x128x128xf32>
    %reshape3A_67 = vector.shape_cast %max3A_13 : vector<6400x128xf32> to vector<50x128x128xf32>
    %mul3A = arith.mulf %reshape3A_67, %div3A_66 : vector<50x128x128xf32>
    %reduce_sum3A_68 = arith.constant dense<0.000000e+00> : vector<128x128xf32>
    %reduce_sum3A_69 = vector.multi_reduction <add>, %mul3A, %reduce_sum3A_68 [0] : vector<50x128x128xf32> to vector<128x128xf32>
    %get3A_70 = arith.constant 0 : index
    %get3A_71 = arith.constant 0 : index
    %get3A_72 = vector.load %arg11[%get3A_70, %get3A_71] : memref<128x128xf32, #tpu.memory_space<vmem>>, vector<128x128xf32>
    %dot_general3A_73 = arith.constant dense<0.000000e+00> : vector<128x128xf32>
    %dot_general3A_74 = tpu.matmul %get3A_16, %get3A_72, %dot_general3A_73 {dimension_numbers = #tpu.dot_dimension_numbers<[1], [0], [0], [1], [0, 0, 1, 1], [], []>, transpose_lhs_hint = false} : vector<128x128xf32>, vector<128x128xf32>, vector<128x128xf32> -> vector<128x128xf32>
    %get3A_75 = arith.constant 0 : index
    %get3A_76 = arith.constant 0 : index
    %get3A_77 = vector.load %arg12[%get3A_75, %get3A_76] : memref<128x128xf32, #tpu.memory_space<vmem>>, vector<128x128xf32>
    %dot_general3A_78 = arith.constant dense<0.000000e+00> : vector<128x128xf32>
    %dot_general3A_79 = tpu.matmul %reduce_sum3A_69, %get3A_77, %dot_general3A_78 {dimension_numbers = #tpu.dot_dimension_numbers<[1], [0], [0], [1], [0, 0, 1, 1], [], []>, transpose_lhs_hint = false} : vector<128x128xf32>, vector<128x128xf32>, vector<128x128xf32> -> vector<128x128xf32>
    %add3A_80 = arith.addf %dot_general3A_74, %dot_general3A_79 : vector<128x128xf32>
    %get3A_81 = arith.constant 0 : index
    %get3A_82 = vector.load %arg13[%get3A_81] : memref<128xf32, #tpu.memory_space<vmem>>, vector<128xf32>
    %broadcast_in_dim3A_83 = vector.shape_cast %get3A_82 : vector<128xf32> to vector<1x128xf32>
    %add3A_84 = vector.broadcast %broadcast_in_dim3A_83 : vector<1x128xf32> to vector<128x128xf32>
    %add3A_85 = arith.addf %add3A_80, %add3A_84 : vector<128x128xf32>
    %max3A_86 = arith.constant 0.000000e+00 : f32
    %max3A_87 = vector.broadcast %max3A_86 : f32 to vector<128x128xf32>
    %max3A_88 = arith.maximumf %add3A_85, %max3A_87 : vector<128x128xf32>
    %swap3A = arith.constant 0 : index
    %swap3A_89 = arith.constant 0 : index
    %swap3A_90 = vector.load %arg14[%swap3A, %swap3A_89] : memref<128x128xf32, #tpu.memory_space<vmem>>, vector<128x128xf32>
    tpu.vector_store %arg14[%swap3A, %swap3A_89], %max3A_88 {strides = array<i32>} : memref<128x128xf32, #tpu.memory_space<vmem>>, vector<128x128xf32>,
    return
  }
  func.func @transform_0(%arg0: i32) -> (i32, i32) {
    %c0_i32 = arith.constant 0 : i32
    %c0_i32_0 = arith.constant 0 : i32
    return %arg0, %c0_i32 : i32, i32
  }
  func.func @transform_1(%arg0: i32) -> (i32, i32) {
    %c0_i32 = arith.constant 0 : i32
    %c0_i32_0 = arith.constant 0 : i32
    return %arg0, %c0_i32 : i32, i32
  }
  func.func @transform_2(%arg0: i32) -> (i32, i32) {
    %c0_i32 = arith.constant 0 : i32
    %c0_i32_0 = arith.constant 0 : i32
    %c0_i32_1 = arith.constant 0 : i32
    return %c0_i32, %c0_i32_0 : i32, i32
  }
  func.func @transform_3(%arg0: i32) -> i32 {
    %c0_i32 = arith.constant 0 : i32
    %c0_i32_0 = arith.constant 0 : i32
    return %c0_i32 : i32
  }
  func.func @transform_4(%arg0: i32) -> (i32, i32) {
    %c0_i32 = arith.constant 0 : i32
    %c0_i32_0 = arith.constant 0 : i32
    %c0_i32_1 = arith.constant 0 : i32
    return %c0_i32, %c0_i32_0 : i32, i32
  }
  func.func @transform_5(%arg0: i32) -> (i32, i32) {
    %c0_i32 = arith.constant 0 : i32
    %c0_i32_0 = arith.constant 0 : i32
    %c0_i32_1 = arith.constant 0 : i32
    return %c0_i32, %c0_i32_0 : i32, i32
  }
  func.func @transform_6(%arg0: i32) -> i32 {
    %c0_i32 = arith.constant 0 : i32
    %c0_i32_0 = arith.constant 0 : i32
    return %c0_i32 : i32
  }
  func.func @transform_7(%arg0: i32) -> (i32, i32) {
    %c0_i32 = arith.constant 0 : i32
    %c0_i32_0 = arith.constant 0 : i32
    %c0_i32_1 = arith.constant 0 : i32
    return %c0_i32, %c0_i32_0 : i32, i32
  }
  func.func @transform_8(%arg0: i32) -> i32 {
    %c0_i32 = arith.constant 0 : i32
    %c0_i32_0 = arith.constant 0 : i32
    return %c0_i32 : i32
  }
  func.func @transform_9(%arg0: i32) -> (i32, i32) {
    %c0_i32 = arith.constant 0 : i32
    %c0_i32_0 = arith.constant 0 : i32
    %c0_i32_1 = arith.constant 0 : i32
    return %c0_i32, %c0_i32_0 : i32, i32
  }
  func.func @transform_10(%arg0: i32) -> (i32, i32) {
    %c0_i32 = arith.constant 0 : i32
    %c0_i32_0 = arith.constant 0 : i32
    %c0_i32_1 = arith.constant 0 : i32
    return %c0_i32, %c0_i32_0 : i32, i32
  }
  func.func @transform_11(%arg0: i32) -> (i32, i32) {
    %c0_i32 = arith.constant 0 : i32
    %c0_i32_0 = arith.constant 0 : i32
    %c0_i32_1 = arith.constant 0 : i32
    return %c0_i32, %c0_i32_0 : i32, i32
  }
  func.func @transform_12(%arg0: i32) -> i32 {
    %c0_i32 = arith.constant 0 : i32
    %c0_i32_0 = arith.constant 0 : i32
    return %c0_i32 : i32
  }
  func.func @transform_13(%arg0: i32) -> (i32, i32) {
    %c0_i32 = arith.constant 0 : i32
    %c0_i32_0 = arith.constant 0 : i32
    return %arg0, %c0_i32 : i32, i32
  }
}

</mosaic_0001>

<sc_bundles>
// kernel: kernel.13.cloned.1.call-start
scs
__scs_entry_jumppad:
0x0: {  	(pc) =	sbr.rel $0x88, $3  }
0x1: {  	(tag) =	ssettag $0x0;
	lr =	simm.s32 $0x1  }
0x2: {  	[smem:$0x3F90] =	sst lr;
	_ =	strace $0xD0000000  }
0x3: {  	_ = 	snop  }
0x4: {  	_ = 	snop  }
0x5: {  	_ = 	snop  }
0x6: {  	_ = 	snop  }
0x7: {  	_ = 	snop  }
__scs_overlays_trampoline_lowered:
0x8: {  	[smem:$0x3F9F] =	sst s0  }
0x9: {  	[smem:$0x3FA0] =	sst s1  }
0xa: {  	[smem:$0x3FA1] =	sst s2  }
0xb: {  	[smem:$0x3FA2] =	sst s3  }
0xc: {  	[smem:$0x3FA3] =	sst s4  }
0xd: {  	[smem:$0x3FA4] =	sst s5  }
0xe: {  	[smem:$0x3FA5] =	sst s6  }
0xf: {  	[smem:$0x3FA6] =	sst s7  }
0x10: {  	[smem:$0x3FA7] =	sst s8  }
0x11: {  	[smem:$0x3FA8] =	sst s9;
	s0 =	simm.s32 @!p0 $0x0  }
0x12: {  	s1 =	sld [smem:$0x3F8E];
	s0 =	simm.s32 @p0 $0x1  }
0x13: {  	[smem:$0x3FA9] =	sst s0;
	s0 =	simm.s32 @!p1 $0x0  }
0x14: {  	s2 =	sld [smem:$0x3F8D];
	s0 =	simm.s32 @p1 $0x1  }
0x15: {  	[smem:$0x3FAA] =	sst s0;
	s0 =	simm.s32 @!p2 $0x0  }
0x16: {  	s3 =	sld [smem:$0x3FDB];
	s0 =	simm.s32 @p2 $0x1  }
0x17: {  	s4 =	simm.s32 $0x1BF5;
	[smem:$0x3FAC] =	sst s0  }
0x18: {  	s0 =	sld [smem:$0x3F8F];
	_ =	swait.ge [sflag:s4], $0x0  }
0x19: {  	s7 =	sld [smem:$0x3F90]  }
0x1a: {  	s8 =	sadd.s32 $0xFFFFE003, lr  }
0x1b: {  	s9 =	sadd.s32 $0xFFFFFEF7, lr;
	s5 =	simm.s32 $0xFFFFFFFF;
	p2 =	slt.u32 s8, $0xFFFFF086  }
0x1c: {  	p1 =	slt.u32 s9, $0xF7A;
	s5 =	simm.s32 @!p2 $0x0  }
0x1d: {  	s5 =	simm.s32 @p1 $0x1;
	p0 =	seq.s32 s7, s2  }
0x1e: {  	s7 =	smul.u32 @!p0 $0xF7A, s2;
	p2 =	seq.s32 @!p0 s5, $0x0  }
0x1f: {  	s9 =	smul.u32 $0xF7A, s1;
	s8 =	simm.s32 @!p0 $0x1BF5;
	p2 =	por !p2, p0  }
0x20: {  	[sflag:s8] =	ssyncset.s32 @!p0 $0xFFFFF086;
	s6 =	sadd.s32 @!p0 s3, s7;
	s7 =	simm.s32 @!p0 $0x108  }
0x21: {  	s3 =	sadd.s32 s3, s9;
	s6 =	sadd.s32 @!p0 $0x88, s6;
	s7 =	simm.s32 @p2 $0x1082  }
0x22: {  	[simem:s7], [sflag:s8] =	dma.local @!p0 [hbm:s6], $0xF7A  }
0x23: {  	s9 =	sor.u32 $0xD0000000, s2;
	s6 =	simm.s32 $0x108;
	_ =	swait.ge @!p0 [sflag:s8], $0x0  }
0x24: {  	s3 =	sadd.s32 $0x88, s3;
	s6 =	simm.s32 @!p1 $0x1082;
	[sflag:s4] =	ssyncset.s32 $0xFFFFF086  }
0x25: {  	[simem:s6], [sflag:s4] =	dma.local [hbm:s3], $0xF7A  }
0x26: {  	[smem:$0x3F90] =	sst s1;
	(tag) =	ssettag s2;
	_ =	strace s9  }
0x27: {  	s1 =	sld [smem:$0x3FA0]  }
0x28: {  	s2 =	sld [smem:$0x3FA1]  }
0x29: {  	s4 =	sld [smem:$0x3FA3]  }
0x2a: {  	p0 =	seq.s32 s5, $0x0;
	s5 =	sld [smem:$0x3FA4]  }
0x2b: {  	s6 =	sld [smem:$0x3FA5]  }
0x2c: {  	s7 =	sld [smem:$0x3FA6]  }
0x2d: {  	s3 =	simm.s32 $0x108;
	s8 =	sld [smem:$0x3FA7]  }
0x2e: {  	s3 =	simm.s32 @!p0 $0x1082;
	s9 =	sld [smem:$0x3FA8]  }
0x2f: {  	lr =	sadd.s32 s0, s3;
	s0 =	sld [smem:$0x3F9F]  }
0x30: {  	s3 =	sld [smem:$0x3FA2]  }
0x31: {  	[smem:$0x3FAB] =	sst s10  }
0x32: {  	s10 =	sld [smem:$0x3FA9];
	_ =	sdelay $0x3  }
0x33: {  	p0 =	seq.s32 s10, $0x1;
	s10 =	sld [smem:$0x3FAB];
	_ =	sdelay $0x3  }
0x34: {  	[smem:$0x3FAB] =	sst s10  }
0x35: {  	s10 =	sld [smem:$0x3FAA];
	_ =	sdelay $0x3  }
0x36: {  	p1 =	seq.s32 s10, $0x1;
	s10 =	sld [smem:$0x3FAB];
	_ =	sdelay $0x3  }
0x37: {  	[smem:$0x3FAB] =	sst s10  }
0x38: {  	s10 =	sld [smem:$0x3FAC]  }
0x39: {  	_ = 	snop;
	(pc) =	sbr.ind lr, $3  }
0x3a: {  	_ = 	snop  }
0x3b: {  	_ = 	snop  }
0x3c: {  	p2 =	seq.s32 s10, $0x1;
	s10 =	sld [smem:$0x3FAB]  }
0x3d: {  	_ =	shalt  }
0x3e: {  	_ =	shalt  }
0x3f: {  	_ =	shalt  }
0x40: {  	_ =	shalt  }
0x41: {  	_ =	shalt  }
0x42: {  	_ =	shalt  }
0x43: {  	_ =	shalt  }
0x44: {  	_ =	shalt  }
0x45: {  	_ =	shalt  }
0x46: {  	_ =	shalt  }
0x47: {  	_ =	shalt  }
0x48: {  	_ =	shalt  }
0x49: {  	_ =	shalt  }
0x4a: {  	_ =	shalt  }
0x4b: {  	_ =	shalt  }
0x4c: {  	_ =	shalt  }
0x4d: {  	_ =	shalt  }
0x4e: {  	_ =	shalt  }
0x4f: {  	_ =	shalt  }
0x50: {  	_ =	shalt  }
0x51: {  	_ =	shalt  }
0x52: {  	_ =	shalt  }
0x53: {  	_ =	shalt  }
0x54: {  	_ =	shalt  }
0x55: {  	_ =	shalt  }
0x56: {  	_ =	shalt  }
0x57: {  	_ =	shalt  }
0x58: {  	_ =	shalt  }
0x59: {  	_ =	shalt  }
0x5a: {  	_ =	shalt  }
0x5b: {  	_ =	shalt  }
0x5c: {  	_ =	shalt  }
0x5d: {  	_ =	shalt  }
0x5e: {  	_ =	shalt  }
0x5f: {  	_ =	shalt  }
0x60: {  	_ =	shalt  }
0x61: {  	_ =	shalt  }
0x62: {  	_ =	shalt  }
0x63: {  	_ =	shalt  }
0x64: {  	_ =	shalt  }
0x65: {  	_ =	shalt  }
0x66: {  	_ =	shalt  }
0x67: {  	_ =	shalt  }
0x68: {  	_ =	shalt  }
0x69: {  	_ =	shalt  }
0x6a: {  	_ =	shalt  }
0x6b: {  	_ =	shalt  }
0x6c: {  	_ =	shalt  }
0x6d: {  	_ =	shalt  }
0x6e: {  	_ =	shalt  }
0x6f: {  	_ =	shalt  }
0x70: {  	_ =	shalt  }
0x71: {  	_ =	shalt  }
0x72: {  	_ =	shalt  }
0x73: {  	_ =	shalt  }
0x74: {  	_ =	shalt  }
0x75: {  	_ =	shalt  }
0x76: {  	_ =	shalt  }
0x77: {  	_ =	shalt  }
0x78: {  	_ =	shalt  }
0x79: {  	_ =	shalt  }
0x7a: {  	_ =	shalt  }
0x7b: {  	_ =	shalt  }
0x7c: {  	_ =	shalt  }
0x7d: {  	_ =	shalt  }
0x7e: {  	_ =	shalt  }
0x7f: {  	_ =	shalt  }
0x80: {  	_ =	shalt  }
0x81: {  	_ =	shalt  }
0x82: {  	_ =	shalt  }
0x83: {  	_ =	shalt  }
0x84: {  	_ =	shalt  }
0x85: {  	_ =	shalt  }
0x86: {  	_ =	shalt  }
0x87: {  	_ =	shalt  }
.Lfunc_end0:
.L_simem_size_0:
called_computation_lowered:
.L_overlay_start_0:
0x88: {  	s2 =	sld [smem:$0x3FD9]  }
0x89: {  	s3 =	sld [smem:$0x3FFE];
	_ =	sdelay $0x1  }
0x8a: {  	s1 =	srdreg.scid  }
0x8b: {  	s0 =	sand.u32 $0x1, s1  }
0x8c: {  	s17 =	sshll.u32 s0, $0xA;
	s2 =	sadd.s32 s3, s2  }
0x8d: {  	s2 =	sadd.s32 s2, s17  }
0x8e: {  	[smem:$0x3FB7] =	sst s2  }
0x8f: {  	_ = 	snop  }
0x90: {  	s2 =	sld [smem:$0x3FC9]  }
0x91: {  	s18 =	sld [smem:$0x3FD0];
	(tm) =	ssettm $0x1  }
0x92: {  	s4 =	sld [smem:$0x3FFB];
	_ =	sdelay $0x3  }
0x93: {  	_ =	strace s4  }
0x94: {  	s4 =	sld [smem:$0x3FFC];
	_ =	sdelay $0x3  }
0x95: {  	_ =	strace s4  }
0x96: {  	s4 =	sld [smem:$0x3FFD];
	_ =	sdelay $0x3  }
0x97: {  	_ =	strace s4  }
0x98: {  	_ =	strace $0x8FFFFFFF  }
0x99: {  	s19 =	sld [smem:$0x3FDB];
	_ =	sdelay $0x1  }
0x9a: {  	s5 =	simm.s32 $_scs_section_size  }
0x9b: {  	s6 =	simm.s32 $_size__tile_overlayer_lowered;
	s7 =	simm.s32 $_tile_overlayer_lowered  }
0x9c: {  	s22 =	simm.s32 $0x1BFF;
	s21 =	sshll.u32 s7, $0x1;
	s4 =	sadd.s32 s5, s19  }
0x9d: {  	s8 =	simm.s32 $0x0;
	s20 =	sshll.u32 s6, $0x1;
	s6 =	sadd.s32 s21, s4  }
0x9e: {  	[timem:s8], [sflag:s22] =	dma.local [hbm:s6], s20  }
0x9f: {  	_ =	swait.ge [sflag:s22], s20  }
0xa0: {  	s5 =	ssub.s32 $0x0, s20;
	[sflag:s22] =	ssyncset.done $0x0  }
0xa1: {  	[sflag:s22] =	ssyncadd.s32 s5;
	_ =	sdelay $0x1  }
0xa2: {  	s23 =	simm.s32 $0x1B8B  }
0xa3: {  	_ =	swait.ge [sflag:s23], $0x1  }
0xa4: {  	[sflag:s23] =	ssyncset.done $0x0  }
0xa5: {  	s25 =	simm.s32 $0x1B8E;
	s24 =	sld [smem:$0x3FFE];
	[sflag:s23] =	ssyncadd.s32 $0xFFFFFFFF  }
0xa6: {  	s26 =	simm.s32 $execute0_lowered;
	[smem:$0x3FD2] =	sst s25  }
0xa7: {  	s6 =	sshll.u32 s26, $0x1;
	_ =	strace $0x80000046;
	[dreg:$0x1] =	wrdreg $0xFFFFFFFF  }
0xa8: {  	s28 =	simm.s32 $_size_execute0_lowered;
	s4 =	sadd.s32 s4, s6;
	[dreg:$0x0] =	wrdreg $0x0  }
0xa9: {  	s6 =	sshll.u32 s28, $0x1;
	[dreg:$0x2] =	wrdreg s4  }
0xaa: {  	[dreg:$0x3] =	wrdreg s6  }
0xab: {  	[dreg:$0x4] =	wrdreg $0xC0  }
0xac: {  	_ =	task [dreg:s8], $0x5FFFF  }
0xad: {  	[dreg:$0x1] =	wrdreg $0xFFFFFFFF  }
0xae: {  	[dreg:$0x0] =	wrdreg $0x60  }
0xaf: {  	[dreg:$0x2] =	wrdreg s2  }
0xb0: {  	[dreg:$0x3] =	wrdreg s24  }
0xb1: {  	[dreg:$0x4] =	wrdreg s18  }
0xb2: {  	[dreg:$0x5] =	wrdreg $0x9  }
0xb3: {  	_ =	task.clear_ibuf [dreg:s8], $0x6FFFF;
	_ =	strace $0x90000046  }
0xb4: {  	s29 =	simm.s32 $0x9;
	_ =	strace $0x80000048  }
0xb5: {  	_ =	swait.ge [sflag:s29], $0x1  }
0xb6: {  	[sflag:s29] =	ssyncadd.s32 $0xFFFFFFFF  }
0xb7: {  	_ =	strace $0x90000048  }
0xb8: {  	_ =	sfence  }
0xb9: {  	s30 =	sld [smem:$0x0];
	_ =	sdelay $0x2  }
0xba: {  	s31 =	sshll.u32 s1, $0xD;
	s1 =	sshrl.u32 s1, $0x2  }
0xbb: {  	s3 =	sand.u32 $0x4000, s31;
	s1 =	sadd.s32 s1, s30  }
0xbc: {  	s0 =	sor.u32 s3, s0;
	s1 =	sshll.u32 s1, $0x11  }
0xbd: {  	s0 =	sor.u32 s1, s0  }
0xbe: {  	s0 =	sadd.s32 $0x8F2B, s0  }
0xbf: {  	[sflag:s0] =	ssyncadd.remote.s32 $0x1  }
0xc0: {  	_ =	sfence.sel $0xFFFF  }
0xc1: {  	[dreg:$0x0] =	wrdreg $0xFFFFFFFF;
	(pc) =	sbr.abs _section_cstart, $3  }
0xc2: {  	[dreg:$0x1] =	wrdreg $0xFFFFFFFF  }
0xc3: {  	_ =	task.clear_ibuf [dreg:s8], $0x2FFFF;
	_ =	strace $0x9FFFFFFF  }
0xc4: {  	(tm) =	ssettm $0x7FFFFFFF  }
0xc5: {  	_ =	shalt  }
tec
execute0_lowered:
.L_overlay_start_1:
0x0: {  	(tag) =	ssettag $0x1  }
0x1: {  	s3 =	rddreg [dreg:$0x0];
	s1 =	srdreg.scid  }
0x2: {  	s10 =	rddreg [dreg:$0x1];
	s0 =	stileid.u32;
	s11 =	sand.u32 $0x1, s1  }
0x3: {  	s12 =	rddreg [dreg:$0x2];
	s4 =	sshll.u32 s0, $0xA;
	s5 =	sshll.u32 s11, $0x9  }
0x4: {  	s2 =	simm.s32 $0x0;
	s1 =	rddreg [dreg:$0x3];
	s13 =	sor.u32 s5, s4  }
0x5: {  	[smem:$0x7FF] =	sst s2;
	s4 =	sshrl.u32 s13, $0x3  }
0x6: {  	_ =	strace $0x80000047;
	s4 =	sadd.s32 s3, s4;
	s3 =	simm.s32 $0x2  }
0x7: {  	[tilespmem:s2], [sflag:$0x2] =	stream.linear.gather [hbm4b:s4+s2], $0x200, $0x38;
	[tilespmem:$0x18200] =	vst v63  }
0x8: {  	_ =	swait.ge [sflag:s3], $0x200  }
0x9: {  	[sflag:s3] =	ssyncset.done $0x0  }
0xa: {  	s6 =	simm.s32 $0x200;
	s5 =	sadd.s32 $0x315200, s10;
	[sflag:s3] =	ssyncadd.s32 $0xFFFFFE00  }
0xb: {  	[tilespmem:s6], [sflag:$0x1] =	stream.indirect.gather [hbm4b:s5+s6], $0x80, s2, s6, $0xb8;
	[tilespmem:$0x18200] =	vst v63  }
0xc: {  	s8 =	simm.s32 $0x10200;
	s9 =	simm.s32 $0x1;
	s7 =	sadd.s32 $0x49BC00, s10  }
0xd: {  	[tilespmem:s8], [sflag:$0x1] =	stream.indirect.gather [hbm4b:s7+s6], $0x40, s2, s6, $0xb8;
	[tilespmem:$0x18200] =	vst v63  }
0xe: {  	_ =	swait.ge [sflag:s9], $0x10000  }
0xf: {  	[sflag:s9] =	ssyncset.done $0x0  }
0x10: {  	s11 =	ssub.s32 $0x2, s11;
	[sflag:s9] =	ssyncadd.s32 $0xFFFF0000  }
0x11: {  	s29 =	sshrl.u32 s11, $0x1;
	s14 =	sshll.u32 s13, $0x4;
	_ =	swait.ge [sflag:s9], $0x8000  }
0x12: {  	s10 =	sadd.s32 s14, s10;
	s14 =	ssub.s32 s11, s29;
	[sflag:s9] =	ssyncset.done $0x0  }
0x13: {  	s10 =	sadd.s32 $0x7E00, s10;
	s31 =	smax.u32 s14, $0x1;
	[sflag:s9] =	ssyncadd.s32 $0xFFFF8000  }
0x14: {  	[hbm4b:s10+s2] =	stream.linear.scatter [tilespmem:s6], [sflag:$0x2], $0x10000, $0x38;
	[tilespmem:$0x18200] =	vst v63  }
0x15: {  	p0 =	sne.s32 s31, $0x1;
	_ =	swait.ge [sflag:s3], $0x10000  }
.Ltmp0:
0x16: {  	s30 =	sshll.u32 s13, $0x3;
	[sflag:s3] =	ssyncset.done $0x0;
	(pc) =	sbr.rel @!p0 .LBB2_2-.Ltmp0, $4  }
0x17: {  	s11 =	sadd.s32 s12, s30;
	[sflag:s3] =	ssyncadd.s32 $0xFFFF0000  }
0x18: {  	[hbm4b:s11+s2] =	stream.linear.scatter [tilespmem:s8], [sflag:$0x2], $0x8000, $0x38;
	[tilespmem:$0x18200] =	vst v63  }
0x19: {  	_ =	swait.ge [sflag:s3], $0x8000  }
0x1a: {  	s12 =	sadd.s32 $0xFFFFFFFF, s31;
	[sflag:s3] =	ssyncset.done $0x0  }
.LBB2_1:
0x1b: {  	p0 =	sne.s32 s12, $0x1;
	s12 =	sadd.s32 $0xFFFFFFFF, s12;
	[sflag:s3] =	ssyncadd.s32 $0xFFFF8000  }
0x1c: {  	[tilespmem:s2], [sflag:$0x2] =	stream.linear.gather [hbm4b:s4+s2], $0x200, $0x38;
	[tilespmem:$0x18200] =	vst v63  }
0x1d: {  	_ =	swait.ge [sflag:s3], $0x200  }
0x1e: {  	[sflag:s3] =	ssyncset.done $0x0  }
0x1f: {  	[sflag:s3] =	ssyncadd.s32 $0xFFFFFE00  }
0x20: {  	[tilespmem:s6], [sflag:$0x1] =	stream.indirect.gather [hbm4b:s5+s6], $0x80, s2, s6, $0xb8;
	[tilespmem:$0x18200] =	vst v63  }
0x21: {  	_ = 	snop  }
0x22: {  	[tilespmem:s8], [sflag:$0x1] =	stream.indirect.gather [hbm4b:s7+s6], $0x40, s2, s6, $0xb8;
	[tilespmem:$0x18200] =	vst v63  }
0x23: {  	_ =	swait.ge [sflag:s9], $0x10000  }
0x24: {  	[sflag:s9] =	ssyncset.done $0x0  }
0x25: {  	[sflag:s9] =	ssyncadd.s32 $0xFFFF0000  }
0x26: {  	_ =	swait.ge [sflag:s9], $0x8000  }
0x27: {  	[sflag:s9] =	ssyncset.done $0x0  }
0x28: {  	[sflag:s9] =	ssyncadd.s32 $0xFFFF8000  }
0x29: {  	[hbm4b:s10+s2] =	stream.linear.scatter [tilespmem:s6], [sflag:$0x2], $0x10000, $0x38;
	[tilespmem:$0x18200] =	vst v63  }
0x2a: {  	_ =	swait.ge [sflag:s3], $0x10000  }
.Ltmp1:
0x2b: {  	[sflag:s3] =	ssyncset.done $0x0;
	(pc) =	sbr.rel @p0 .LBB2_1-.Ltmp1, $4  }
0x2c: {  	[sflag:s3] =	ssyncadd.s32 $0xFFFF0000  }
0x2d: {  	[hbm4b:s11+s2] =	stream.linear.scatter [tilespmem:s8], [sflag:$0x2], $0x8000, $0x38;
	[tilespmem:$0x18200] =	vst v63  }
0x2e: {  	_ =	swait.ge [sflag:s3], $0x8000  }
0x2f: {  	[sflag:s3] =	ssyncset.done $0x0  }
.LBB2_2:
0x30: {  	[sflag:s3] =	ssyncadd.s32 $0xFFFF8000  }
0x31: {  	_ =	sfence.sel $0x180000  }
0x32: {  	[bflag:$0x0] =	sbarrier.arrive $0xFFFF  }
0x33: {  	p0 =	sne.s32 s0, $0x0;
	_ =	strace $0x90000047  }
0x34: {  	s0 =	sadd.s32 @!p0 $0x100000, s1;
	[bflag:$0x2] =	sbarrier.arrive $0xFFFF  }
0x35: {  	[sflag:s0] =	ssyncadd.tile.s32 @!p0 $0x1;
	_ =	shalt  }
.Lfunc_end2:
_tile_overlayer_lowered:
.L_overlay_start_2:
0x36: {  	(tag) =	ssettag $0x2  }
0x37: {  	s0 =	rddreg [dreg:$0x0];
	s2 =	stileid.u32  }
0x38: {  	s1 =	rddreg [dreg:$0x1];
	p0 =	sne.s32 s2, $0x0  }
0x39: {  	s3 =	rddreg [dreg:$0x2];
	[bflag:$0x3] =	sbarrier.arrive $0xFFFF;
	s2 =	simm.s32 @!p0 $0x1C02  }
0x3a: {  	[timem:s3], [sflag:s2] =	dma.local @!p0 [hbm:s0], s1  }
0x3b: {  	s0 =	simm.s32 @!p0 $0x2  }
0x3c: {  	_ =	swait.ge @!p0 [sflag:s0], s1  }
0x3d: {  	s1 =	ssub.s32 @!p0 $0x0, s1;
	[sflag:s0] =	ssyncset.done @!p0 $0x0  }
0x3e: {  	[sflag:s0] =	ssyncadd.s32 @!p0 s1  }
0x3f: {  	[bflag:$0x3] =	sbarrier.arrive $0xFFFF  }
0x40: {  	_ =	shalt  }

// kernel: kernel.16.cloned.1.call-start
scs
__scs_entry_jumppad:
0x0: {  	(pc) =	sbr.rel $0x88, $3  }
0x1: {  	(tag) =	ssettag $0x0;
	lr =	simm.s32 $0x1  }
0x2: {  	[smem:$0x3F90] =	sst lr;
	_ =	strace $0xD0000000  }
0x3: {  	_ = 	snop  }
0x4: {  	_ = 	snop  }
0x5: {  	_ = 	snop  }
0x6: {  	_ = 	snop  }
0x7: {  	_ = 	snop  }
__scs_overlays_trampoline_lowered:
0x8: {  	[smem:$0x3F9F] =	sst s0  }
0x9: {  	[smem:$0x3FA0] =	sst s1  }
0xa: {  	[smem:$0x3FA1] =	sst s2  }
0xb: {  	[smem:$0x3FA2] =	sst s3  }
0xc: {  	[smem:$0x3FA3] =	sst s4  }
0xd: {  	[smem:$0x3FA4] =	sst s5  }
0xe: {  	[smem:$0x3FA5] =	sst s6  }
0xf: {  	[smem:$0x3FA6] =	sst s7  }
0x10: {  	[smem:$0x3FA7] =	sst s8  }
0x11: {  	[smem:$0x3FA8] =	sst s9;
	s0 =	simm.s32 @!p0 $0x0  }
0x12: {  	s1 =	sld [smem:$0x3F8E];
	s0 =	simm.s32 @p0 $0x1  }
0x13: {  	[smem:$0x3FA9] =	sst s0;
	s0 =	simm.s32 @!p1 $0x0  }
0x14: {  	s2 =	sld [smem:$0x3F8D];
	s0 =	simm.s32 @p1 $0x1  }
0x15: {  	[smem:$0x3FAA] =	sst s0;
	s0 =	simm.s32 @!p2 $0x0  }
0x16: {  	s3 =	sld [smem:$0x3FDB];
	s0 =	simm.s32 @p2 $0x1  }
0x17: {  	s4 =	simm.s32 $0x1BF5;
	[smem:$0x3FAC] =	sst s0  }
0x18: {  	s0 =	sld [smem:$0x3F8F];
	_ =	swait.ge [sflag:s4], $0x0  }
0x19: {  	s7 =	sld [smem:$0x3F90]  }
0x1a: {  	s8 =	sadd.s32 $0xFFFFE003, lr  }
0x1b: {  	s9 =	sadd.s32 $0xFFFFFEF7, lr;
	s5 =	simm.s32 $0xFFFFFFFF;
	p2 =	slt.u32 s8, $0xFFFFF086  }
0x1c: {  	p1 =	slt.u32 s9, $0xF7A;
	s5 =	simm.s32 @!p2 $0x0  }
0x1d: {  	s5 =	simm.s32 @p1 $0x1;
	p0 =	seq.s32 s7, s2  }
0x1e: {  	s7 =	smul.u32 @!p0 $0xF7A, s2;
	p2 =	seq.s32 @!p0 s5, $0x0  }
0x1f: {  	s9 =	smul.u32 $0xF7A, s1;
	s8 =	simm.s32 @!p0 $0x1BF5;
	p2 =	por !p2, p0  }
0x20: {  	[sflag:s8] =	ssyncset.s32 @!p0 $0xFFFFF086;
	s6 =	sadd.s32 @!p0 s3, s7;
	s7 =	simm.s32 @!p0 $0x108  }
0x21: {  	s3 =	sadd.s32 s3, s9;
	s6 =	sadd.s32 @!p0 $0x88, s6;
	s7 =	simm.s32 @p2 $0x1082  }
0x22: {  	[simem:s7], [sflag:s8] =	dma.local @!p0 [hbm:s6], $0xF7A  }
0x23: {  	s9 =	sor.u32 $0xD0000000, s2;
	s6 =	simm.s32 $0x108;
	_ =	swait.ge @!p0 [sflag:s8], $0x0  }
0x24: {  	s3 =	sadd.s32 $0x88, s3;
	s6 =	simm.s32 @!p1 $0x1082;
	[sflag:s4] =	ssyncset.s32 $0xFFFFF086  }
0x25: {  	[simem:s6], [sflag:s4] =	dma.local [hbm:s3], $0xF7A  }
0x26: {  	[smem:$0x3F90] =	sst s1;
	(tag) =	ssettag s2;
	_ =	strace s9  }
0x27: {  	s1 =	sld [smem:$0x3FA0]  }
0x28: {  	s2 =	sld [smem:$0x3FA1]  }
0x29: {  	s4 =	sld [smem:$0x3FA3]  }
0x2a: {  	p0 =	seq.s32 s5, $0x0;
	s5 =	sld [smem:$0x3FA4]  }
0x2b: {  	s6 =	sld [smem:$0x3FA5]  }
0x2c: {  	s7 =	sld [smem:$0x3FA6]  }
0x2d: {  	s3 =	simm.s32 $0x108;
	s8 =	sld [smem:$0x3FA7]  }
0x2e: {  	s3 =	simm.s32 @!p0 $0x1082;
	s9 =	sld [smem:$0x3FA8]  }
0x2f: {  	lr =	sadd.s32 s0, s3;
	s0 =	sld [smem:$0x3F9F]  }
0x30: {  	s3 =	sld [smem:$0x3FA2]  }
0x31: {  	[smem:$0x3FAB] =	sst s10  }
0x32: {  	s10 =	sld [smem:$0x3FA9];
	_ =	sdelay $0x3  }
0x33: {  	p0 =	seq.s32 s10, $0x1;
	s10 =	sld [smem:$0x3FAB];
	_ =	sdelay $0x3  }
0x34: {  	[smem:$0x3FAB] =	sst s10  }
0x35: {  	s10 =	sld [smem:$0x3FAA];
	_ =	sdelay $0x3  }
0x36: {  	p1 =	seq.s32 s10, $0x1;
	s10 =	sld [smem:$0x3FAB];
	_ =	sdelay $0x3  }
0x37: {  	[smem:$0x3FAB] =	sst s10  }
0x38: {  	s10 =	sld [smem:$0x3FAC]  }
0x39: {  	_ = 	snop;
	(pc) =	sbr.ind lr, $3  }
0x3a: {  	_ = 	snop  }
0x3b: {  	_ = 	snop  }
0x3c: {  	p2 =	seq.s32 s10, $0x1;
	s10 =	sld [smem:$0x3FAB]  }
0x3d: {  	_ =	shalt  }
0x3e: {  	_ =	shalt  }
0x3f: {  	_ =	shalt  }
0x40: {  	_ =	shalt  }
0x41: {  	_ =	shalt  }
0x42: {  	_ =	shalt  }
0x43: {  	_ =	shalt  }
0x44: {  	_ =	shalt  }
0x45: {  	_ =	shalt  }
0x46: {  	_ =	shalt  }
0x47: {  	_ =	shalt  }
0x48: {  	_ =	shalt  }
0x49: {  	_ =	shalt  }
0x4a: {  	_ =	shalt  }
0x4b: {  	_ =	shalt  }
0x4c: {  	_ =	shalt  }
0x4d: {  	_ =	shalt  }
0x4e: {  	_ =	shalt  }
0x4f: {  	_ =	shalt  }
0x50: {  	_ =	shalt  }
0x51: {  	_ =	shalt  }
0x52: {  	_ =	shalt  }
0x53: {  	_ =	shalt  }
0x54: {  	_ =	shalt  }
0x55: {  	_ =	shalt  }
0x56: {  	_ =	shalt  }
0x57: {  	_ =	shalt  }
0x58: {  	_ =	shalt  }
0x59: {  	_ =	shalt  }
0x5a: {  	_ =	shalt  }
0x5b: {  	_ =	shalt  }
0x5c: {  	_ =	shalt  }
0x5d: {  	_ =	shalt  }
0x5e: {  	_ =	shalt  }
0x5f: {  	_ =	shalt  }
0x60: {  	_ =	shalt  }
0x61: {  	_ =	shalt  }
0x62: {  	_ =	shalt  }
0x63: {  	_ =	shalt  }
0x64: {  	_ =	shalt  }
0x65: {  	_ =	shalt  }
0x66: {  	_ =	shalt  }
0x67: {  	_ =	shalt  }
0x68: {  	_ =	shalt  }
0x69: {  	_ =	shalt  }
0x6a: {  	_ =	shalt  }
0x6b: {  	_ =	shalt  }
0x6c: {  	_ =	shalt  }
0x6d: {  	_ =	shalt  }
0x6e: {  	_ =	shalt  }
0x6f: {  	_ =	shalt  }
0x70: {  	_ =	shalt  }
0x71: {  	_ =	shalt  }
0x72: {  	_ =	shalt  }
0x73: {  	_ =	shalt  }
0x74: {  	_ =	shalt  }
0x75: {  	_ =	shalt  }
0x76: {  	_ =	shalt  }
0x77: {  	_ =	shalt  }
0x78: {  	_ =	shalt  }
0x79: {  	_ =	shalt  }
0x7a: {  	_ =	shalt  }
0x7b: {  	_ =	shalt  }
0x7c: {  	_ =	shalt  }
0x7d: {  	_ =	shalt  }
0x7e: {  	_ =	shalt  }
0x7f: {  	_ =	shalt  }
0x80: {  	_ =	shalt  }
0x81: {  	_ =	shalt  }
0x82: {  	_ =	shalt  }
0x83: {  	_ =	shalt  }
0x84: {  	_ =	shalt  }
0x85: {  	_ =	shalt  }
0x86: {  	_ =	shalt  }
0x87: {  	_ =	shalt  }
.Lfunc_end0:
.L_simem_size_0:
called_computation.1_lowered:
.L_overlay_start_0:
0x88: {  	s2 =	sld [smem:$0x3FD9]  }
0x89: {  	s3 =	sld [smem:$0x3FFE];
	_ =	sdelay $0x1  }
0x8a: {  	s1 =	srdreg.scid  }
0x8b: {  	s0 =	sand.u32 $0x1, s1  }
0x8c: {  	s17 =	sshll.u32 s0, $0xA;
	s2 =	sadd.s32 s3, s2  }
0x8d: {  	s2 =	sadd.s32 s2, s17  }
0x8e: {  	[smem:$0x3FB7] =	sst s2  }
0x8f: {  	_ = 	snop  }
0x90: {  	(tm) =	ssettm $0x1  }
0x91: {  	s18 =	sld [smem:$0x3FFB];
	_ =	sdelay $0x3  }
0x92: {  	_ =	strace s18  }
0x93: {  	s2 =	sld [smem:$0x3FFC];
	_ =	sdelay $0x3  }
0x94: {  	_ =	strace s2  }
0x95: {  	s2 =	sld [smem:$0x3FFD];
	_ =	sdelay $0x3  }
0x96: {  	_ =	strace s2  }
0x97: {  	_ =	strace $0x8FFFFFFF  }
0x98: {  	s19 =	sld [smem:$0x3FDB];
	_ =	sdelay $0x1  }
0x99: {  	s20 =	simm.s32 $_scs_section_size  }
0x9a: {  	s4 =	simm.s32 $_size__tile_overlayer_lowered;
	s5 =	simm.s32 $_tile_overlayer_lowered  }
0x9b: {  	s6 =	simm.s32 $0x1BFF;
	s21 =	sshll.u32 s5, $0x1;
	s3 =	sadd.s32 s20, s19  }
0x9c: {  	s22 =	simm.s32 $0x0;
	s4 =	sshll.u32 s4, $0x1;
	s5 =	sadd.s32 s21, s3  }
0x9d: {  	[timem:s22], [sflag:s6] =	dma.local [hbm:s5], s4  }
0x9e: {  	_ =	swait.ge [sflag:s6], s4  }
0x9f: {  	s4 =	ssub.s32 $0x0, s4;
	[sflag:s6] =	ssyncset.done $0x0  }
0xa0: {  	[sflag:s6] =	ssyncadd.s32 s4;
	_ =	sdelay $0x1  }
0xa1: {  	s23 =	simm.s32 $0x1B8B  }
0xa2: {  	_ =	swait.ge [sflag:s23], $0x1  }
0xa3: {  	[sflag:s23] =	ssyncset.done $0x0  }
0xa4: {  	[sflag:s23] =	ssyncadd.s32 $0xFFFFFFFF  }
0xa5: {  	s4 =	sld [smem:$0x0]  }
0xa6: {  	s5 =	sand.u32 $0xFFFFFFFE, s1  }
0xa7: {  	p0 =	sne.s32 s1, s5  }
0xa8: {  	s5 =	sshll.u32 @p0 s5, $0xE  }
0xa9: {  	s5 =	sadd.s32 @p0 $0x11B8D, s5;
	s6 =	sshll.u32 @p0 s4, $0x11  }
0xaa: {  	s5 =	sor.u32 @p0 s6, s5  }
0xab: {  	[sflag:s5] =	ssyncadd.remote.s32 @p0 $0x1;
	_ =	sdelay $0x1  }
0xac: {  	s5 =	simm.s32 @p0 $0x1B8D  }
0xad: {  	_ =	swait.eq @p0 [sflag:s5], $0x1  }
0xae: {  	[sflag:s5] =	ssyncadd.s32 @p0 $0xFFFFFFFF  }
0xaf: {  	s6 =	sshll.u32 @!p0 s1, $0xE  }
0xb0: {  	s6 =	sor.u32 @!p0 $0x4000, s6;
	s5 =	simm.s32 @!p0 $0x1B8D  }
0xb1: {  	s4 =	sshll.u32 @!p0 s4, $0x11;
	s6 =	sadd.s32 @!p0 $0x11B8D, s6;
	_ =	swait.eq @!p0 [sflag:s5], $0x1  }
0xb2: {  	s4 =	sor.u32 @!p0 s4, s6;
	[sflag:s5] =	ssyncadd.s32 @!p0 $0xFFFFFFFF  }
0xb3: {  	s25 =	simm.s32 $0x1B8E;
	s24 =	sld [smem:$0x3FFE];
	[sflag:s4] =	ssyncadd.remote.s32 @!p0 $0x1  }
0xb4: {  	s26 =	simm.s32 $execute0_lowered;
	[smem:$0x3FD2] =	sst s25  }
0xb5: {  	s5 =	sshll.u32 s26, $0x1;
	_ =	strace $0x80000052;
	[dreg:$0x1] =	wrdreg $0xFFFFFFFF  }
0xb6: {  	s28 =	simm.s32 $_size_execute0_lowered;
	s3 =	sadd.s32 s3, s5;
	[dreg:$0x0] =	wrdreg $0x0  }
0xb7: {  	s5 =	sshll.u32 s28, $0x1;
	[dreg:$0x2] =	wrdreg s3  }
0xb8: {  	[dreg:$0x3] =	wrdreg s5  }
0xb9: {  	[dreg:$0x4] =	wrdreg $0xC0  }
0xba: {  	_ =	task [dreg:s22], $0x5FFFF  }
0xbb: {  	[dreg:$0x1] =	wrdreg $0xFFFFFFFF  }
0xbc: {  	[dreg:$0x0] =	wrdreg $0x60  }
0xbd: {  	[dreg:$0x2] =	wrdreg s24  }
0xbe: {  	[dreg:$0x3] =	wrdreg $0x9  }
0xbf: {  	_ =	task.clear_ibuf [dreg:s22], $0x4FFFF;
	_ =	strace $0x90000052  }
0xc0: {  	s29 =	simm.s32 $0x9;
	_ =	strace $0x80000054  }
0xc1: {  	_ =	swait.ge [sflag:s29], $0x1  }
0xc2: {  	[sflag:s29] =	ssyncadd.s32 $0xFFFFFFFF  }
0xc3: {  	_ =	strace $0x90000054  }
0xc4: {  	_ =	sfence  }
0xc5: {  	s30 =	sld [smem:$0x0];
	_ =	sdelay $0x2  }
0xc6: {  	s31 =	sshll.u32 s1, $0xD;
	s1 =	sshrl.u32 s1, $0x2  }
0xc7: {  	s4 =	sand.u32 $0x4000, s31;
	s1 =	sadd.s32 s1, s30  }
0xc8: {  	s0 =	sor.u32 s4, s0;
	s1 =	sshll.u32 s1, $0x11  }
0xc9: {  	s0 =	sor.u32 s1, s0  }
0xca: {  	s0 =	sadd.s32 $0x8F2B, s0  }
0xcb: {  	[sflag:s0] =	ssyncadd.remote.s32 $0x1  }
0xcc: {  	_ =	sfence.sel $0xFFFF  }
0xcd: {  	[dreg:$0x0] =	wrdreg $0xFFFFFFFF;
	(pc) =	sbr.abs _section_cstart, $3  }
0xce: {  	[dreg:$0x1] =	wrdreg $0xFFFFFFFF  }
0xcf: {  	_ =	task.clear_ibuf [dreg:s22], $0x2FFFF;
	_ =	strace $0x9FFFFFFF  }
0xd0: {  	(tm) =	ssettm $0x7FFFFFFF  }
0xd1: {  	_ =	shalt  }
tec
execute0_lowered:
.L_overlay_start_1:
0x0: {  	(tag) =	ssettag $0x1  }
0x1: {  	s1 =	srdreg.scid;
	s0 =	stileid.u32  }
0x2: {  	s25 =	sand.u32 $0x1, s1;
	s28 =	sshll.u32 s0, $0x1  }
0x3: {  	s11 =	sor.u32 s25, s28  }
0x4: {  	s12 =	rddreg [dreg:$0x0];
	s24 =	smul.u32 $0x1900, s11  }
0x5: {  	s2 =	simm.s32 $0x0;
	s1 =	rddreg [dreg:$0x1]  }
0x6: {  	[smem:$0x7FF] =	sst s2;
	s23 =	sadd.s32 $0x7E00, s12;
	s3 =	sshrl.u32 s24, $0x3  }
0x7: {  	_ =	strace $0x80000053;
	s4 =	sadd.s32 s23, s3;
	s3 =	simm.s32 $0x3  }
0x8: {  	[tilespmem:s2], [sflag:$0x3] =	stream.linear.gather [hbm4b:s4+s2], $0x320, $0x38;
	[tilespmem:$0x19640] =	vst v63  }
0x9: {  	s6 =	simm.s32 $0x320;
	_ =	swait.ge [sflag:s3], $0x320  }
0xa: {  	s7 =	simm.s32 $0x640;
	s14 =	sadd.s32 $0x320, s24;
	[sflag:s3] =	ssyncset.done $0x0  }
0xb: {  	s5 =	sadd.s32 $0x55F200, s12;
	s8 =	sshrl.u32 s14, $0x3;
	[sflag:s3] =	ssyncadd.s32 $0xFFFFFCE0  }
0xc: {  	[tilespmem:s7], [sflag:$0x1] =	stream.indirect.gather [hbm4b:s5+s6], $0x40, s2, s6, $0xb8;
	[tilespmem:$0x19640] =	vst v63  }
0xd: {  	s8 =	sadd.s32 s23, s8  }
0xe: {  	[tilespmem:s6], [sflag:$0x3] =	stream.linear.gather [hbm4b:s8+s2], $0x320, $0x38;
	[tilespmem:$0x19640] =	vst v63  }
0xf: {  	_ =	swait.ge [sflag:s3], $0x320  }
0x10: {  	[sflag:s3] =	ssyncset.done $0x0  }
0x11: {  	s9 =	simm.s32 $0xCE40;
	s10 =	simm.s32 $0x1;
	[sflag:s3] =	ssyncadd.s32 $0xFFFFFCE0  }
0x12: {  	[tilespmem:s9], [sflag:$0x2] =	stream.indirect.gather [hbm4b:s5+s6], $0x40, s6, s6, $0xb8;
	[tilespmem:$0x19640] =	vst v63  }
0x13: {  	s11 =	smul.u32 $0xC800, s11;
	_ =	swait.ge [sflag:s10], $0xC800  }
0x14: {  	s26 =	sadd.s32 $0x92FC00, s12;
	[sflag:s10] =	ssyncset.done $0x0  }
0x15: {  	s11 =	sadd.s32 s26, s11;
	[sflag:s10] =	ssyncadd.s32 $0xFFFF3800  }
0x16: {  	[hbm4b:s11+s2] =	stream.linear.scatter [tilespmem:s7], [sflag:$0x3], $0xC800, $0x38;
	[tilespmem:$0x19640] =	vst v63  }
0x17: {  	s16 =	sadd.s32 $0x640, s24;
	_ =	swait.ge [sflag:s3], $0xC800  }
0x18: {  	s29 =	sshrl.u32 s16, $0x3;
	[sflag:s3] =	ssyncset.done $0x0  }
0x19: {  	s12 =	sadd.s32 s23, s29;
	[sflag:s3] =	ssyncadd.s32 $0xFFFF3800  }
0x1a: {  	[tilespmem:s2], [sflag:$0x3] =	stream.linear.gather [hbm4b:s12+s2], $0x320, $0x38;
	[tilespmem:$0x19640] =	vst v63  }
0x1b: {  	_ =	swait.ge [sflag:s3], $0x320  }
0x1c: {  	[sflag:s3] =	ssyncset.done $0x0  }
0x1d: {  	s13 =	simm.s32 $0x2;
	[sflag:s3] =	ssyncadd.s32 $0xFFFFFCE0  }
0x1e: {  	[tilespmem:s7], [sflag:$0x1] =	stream.indirect.gather [hbm4b:s5+s6], $0x40, s2, s6, $0xb8;
	[tilespmem:$0x19640] =	vst v63  }
0x1f: {  	_ =	swait.ge [sflag:s13], $0xC800  }
0x20: {  	s14 =	sshll.u32 s14, $0x3;
	[sflag:s13] =	ssyncset.done $0x0  }
0x21: {  	s14 =	sadd.s32 s26, s14;
	[sflag:s13] =	ssyncadd.s32 $0xFFFF3800  }
0x22: {  	[hbm4b:s14+s2] =	stream.linear.scatter [tilespmem:s9], [sflag:$0x3], $0xC800, $0x38;
	[tilespmem:$0x19640] =	vst v63  }
0x23: {  	s18 =	sadd.s32 $0x960, s24;
	_ =	swait.ge [sflag:s3], $0xC800  }
0x24: {  	s15 =	sshrl.u32 s18, $0x3;
	[sflag:s3] =	ssyncset.done $0x0  }
0x25: {  	s15 =	sadd.s32 s23, s15;
	[sflag:s3] =	ssyncadd.s32 $0xFFFF3800  }
0x26: {  	[tilespmem:s6], [sflag:$0x3] =	stream.linear.gather [hbm4b:s15+s2], $0x320, $0x38;
	[tilespmem:$0x19640] =	vst v63  }
0x27: {  	_ =	swait.ge [sflag:s3], $0x320  }
0x28: {  	[sflag:s3] =	ssyncset.done $0x0  }
0x29: {  	[sflag:s3] =	ssyncadd.s32 $0xFFFFFCE0  }
0x2a: {  	[tilespmem:s9], [sflag:$0x2] =	stream.indirect.gather [hbm4b:s5+s6], $0x40, s6, s6, $0xb8;
	[tilespmem:$0x19640] =	vst v63  }
0x2b: {  	_ =	swait.ge [sflag:s10], $0xC800  }
0x2c: {  	s16 =	sshll.u32 s16, $0x3;
	[sflag:s10] =	ssyncset.done $0x0  }
0x2d: {  	s16 =	sadd.s32 s26, s16;
	[sflag:s10] =	ssyncadd.s32 $0xFFFF3800  }
0x2e: {  	[hbm4b:s16+s2] =	stream.linear.scatter [tilespmem:s7], [sflag:$0x3], $0xC800, $0x38;
	[tilespmem:$0x19640] =	vst v63  }
0x2f: {  	s20 =	sadd.s32 $0xC80, s24;
	_ =	swait.ge [sflag:s3], $0xC800  }
0x30: {  	s17 =	sshrl.u32 s20, $0x3;
	[sflag:s3] =	ssyncset.done $0x0  }
0x31: {  	s17 =	sadd.s32 s23, s17;
	[sflag:s3] =	ssyncadd.s32 $0xFFFF3800  }
0x32: {  	[tilespmem:s2], [sflag:$0x3] =	stream.linear.gather [hbm4b:s17+s2], $0x320, $0x38;
	[tilespmem:$0x19640] =	vst v63  }
0x33: {  	_ =	swait.ge [sflag:s3], $0x320  }
0x34: {  	[sflag:s3] =	ssyncset.done $0x0  }
0x35: {  	[sflag:s3] =	ssyncadd.s32 $0xFFFFFCE0  }
0x36: {  	[tilespmem:s7], [sflag:$0x1] =	stream.indirect.gather [hbm4b:s5+s6], $0x40, s2, s6, $0xb8;
	[tilespmem:$0x19640] =	vst v63  }
0x37: {  	_ =	swait.ge [sflag:s13], $0xC800  }
0x38: {  	s18 =	sshll.u32 s18, $0x3;
	[sflag:s13] =	ssyncset.done $0x0  }
0x39: {  	s18 =	sadd.s32 s26, s18;
	[sflag:s13] =	ssyncadd.s32 $0xFFFF3800  }
0x3a: {  	[hbm4b:s18+s2] =	stream.linear.scatter [tilespmem:s9], [sflag:$0x3], $0xC800, $0x38;
	[tilespmem:$0x19640] =	vst v63  }
0x3b: {  	s22 =	sadd.s32 $0xFA0, s24;
	_ =	swait.ge [sflag:s3], $0xC800  }
0x3c: {  	s19 =	sshrl.u32 s22, $0x3;
	[sflag:s3] =	ssyncset.done $0x0  }
0x3d: {  	s19 =	sadd.s32 s23, s19;
	[sflag:s3] =	ssyncadd.s32 $0xFFFF3800  }
0x3e: {  	[tilespmem:s6], [sflag:$0x3] =	stream.linear.gather [hbm4b:s19+s2], $0x320, $0x38;
	[tilespmem:$0x19640] =	vst v63  }
0x3f: {  	_ =	swait.ge [sflag:s3], $0x320  }
0x40: {  	[sflag:s3] =	ssyncset.done $0x0  }
0x41: {  	[sflag:s3] =	ssyncadd.s32 $0xFFFFFCE0  }
0x42: {  	[tilespmem:s9], [sflag:$0x2] =	stream.indirect.gather [hbm4b:s5+s6], $0x40, s6, s6, $0xb8;
	[tilespmem:$0x19640] =	vst v63  }
0x43: {  	_ =	swait.ge [sflag:s10], $0xC800  }
0x44: {  	s20 =	sshll.u32 s20, $0x3;
	[sflag:s10] =	ssyncset.done $0x0  }
0x45: {  	s20 =	sadd.s32 s26, s20;
	[sflag:s10] =	ssyncadd.s32 $0xFFFF3800  }
0x46: {  	[hbm4b:s20+s2] =	stream.linear.scatter [tilespmem:s7], [sflag:$0x3], $0xC800, $0x38;
	[tilespmem:$0x19640] =	vst v63  }
0x47: {  	s28 =	sadd.s32 $0x12C0, s24;
	_ =	swait.ge [sflag:s3], $0xC800  }
0x48: {  	s21 =	sshrl.u32 s28, $0x3;
	[sflag:s3] =	ssyncset.done $0x0  }
0x49: {  	s21 =	sadd.s32 s23, s21;
	[sflag:s3] =	ssyncadd.s32 $0xFFFF3800  }
0x4a: {  	[tilespmem:s2], [sflag:$0x3] =	stream.linear.gather [hbm4b:s21+s2], $0x320, $0x38;
	[tilespmem:$0x19640] =	vst v63  }
0x4b: {  	_ =	swait.ge [sflag:s3], $0x320  }
0x4c: {  	[sflag:s3] =	ssyncset.done $0x0  }
0x4d: {  	[sflag:s3] =	ssyncadd.s32 $0xFFFFFCE0  }
0x4e: {  	[tilespmem:s7], [sflag:$0x1] =	stream.indirect.gather [hbm4b:s5+s6], $0x40, s2, s6, $0xb8;
	[tilespmem:$0x19640] =	vst v63  }
0x4f: {  	_ =	swait.ge [sflag:s13], $0xC800  }
0x50: {  	s22 =	sshll.u32 s22, $0x3;
	[sflag:s13] =	ssyncset.done $0x0  }
0x51: {  	s22 =	sadd.s32 s26, s22;
	[sflag:s13] =	ssyncadd.s32 $0xFFFF3800  }
0x52: {  	[hbm4b:s22+s2] =	stream.linear.scatter [tilespmem:s9], [sflag:$0x3], $0xC800, $0x38;
	[tilespmem:$0x19640] =	vst v63  }
0x53: {  	s29 =	sadd.s32 $0x15E0, s24;
	_ =	swait.ge [sflag:s3], $0xC800  }
0x54: {  	s24 =	sshrl.u32 s29, $0x3;
	[sflag:s3] =	ssyncset.done $0x0  }
0x55: {  	s23 =	sadd.s32 s23, s24;
	[sflag:s3] =	ssyncadd.s32 $0xFFFF3800  }
0x56: {  	[tilespmem:s6], [sflag:$0x3] =	stream.linear.gather [hbm4b:s23+s2], $0x320, $0x38;
	[tilespmem:$0x19640] =	vst v63  }
0x57: {  	_ =	swait.ge [sflag:s3], $0x320  }
0x58: {  	[sflag:s3] =	ssyncset.done $0x0  }
0x59: {  	[sflag:s3] =	ssyncadd.s32 $0xFFFFFCE0  }
0x5a: {  	[tilespmem:s9], [sflag:$0x2] =	stream.indirect.gather [hbm4b:s5+s6], $0x40, s6, s6, $0xb8;
	[tilespmem:$0x19640] =	vst v63  }
0x5b: {  	_ =	swait.ge [sflag:s10], $0xC800  }
0x5c: {  	s30 =	sshll.u32 s28, $0x3;
	[sflag:s10] =	ssyncset.done $0x0  }
0x5d: {  	s25 =	ssub.s32 $0x2, s25;
	s24 =	sadd.s32 s26, s30;
	[sflag:s10] =	ssyncadd.s32 $0xFFFF3800  }
0x5e: {  	[hbm4b:s24+s2] =	stream.linear.scatter [tilespmem:s7], [sflag:$0x3], $0xC800, $0x38;
	[tilespmem:$0x19640] =	vst v63  }
0x5f: {  	s31 =	sshrl.u32 s25, $0x1;
	_ =	swait.ge [sflag:s3], $0xC800  }
0x60: {  	s28 =	ssub.s32 s25, s31;
	[sflag:s3] =	ssyncset.done $0x0  }
0x61: {  	s31 =	smax.u32 s28, $0x1;
	[sflag:s3] =	ssyncadd.s32 $0xFFFF3800  }
0x62: {  	p0 =	sne.s32 s31, $0x1;
	_ =	swait.ge [sflag:s13], $0xC800  }
.Ltmp0:
0x63: {  	s30 =	sshll.u32 s29, $0x3;
	[sflag:s13] =	ssyncset.done $0x0;
	(pc) =	sbr.rel @!p0 .LBB2_2-.Ltmp0, $4  }
0x64: {  	s25 =	sadd.s32 s26, s30;
	[sflag:s13] =	ssyncadd.s32 $0xFFFF3800  }
0x65: {  	[hbm4b:s25+s2] =	stream.linear.scatter [tilespmem:s9], [sflag:$0x3], $0xC800, $0x38;
	[tilespmem:$0x19640] =	vst v63  }
0x66: {  	_ =	swait.ge [sflag:s3], $0xC800  }
0x67: {  	s26 =	sadd.s32 $0xFFFFFFFF, s31;
	[sflag:s3] =	ssyncset.done $0x0  }
.LBB2_1:
0x68: {  	p0 =	sne.s32 s26, $0x1;
	s26 =	sadd.s32 $0xFFFFFFFF, s26;
	[sflag:s3] =	ssyncadd.s32 $0xFFFF3800  }
0x69: {  	[tilespmem:s2], [sflag:$0x3] =	stream.linear.gather [hbm4b:s4+s2], $0x320, $0x38;
	[tilespmem:$0x19640] =	vst v63  }
0x6a: {  	_ =	swait.ge [sflag:s3], $0x320  }
0x6b: {  	[sflag:s3] =	ssyncset.done $0x0  }
0x6c: {  	[sflag:s3] =	ssyncadd.s32 $0xFFFFFCE0  }
0x6d: {  	[tilespmem:s7], [sflag:$0x1] =	stream.indirect.gather [hbm4b:s5+s6], $0x40, s2, s6, $0xb8;
	[tilespmem:$0x19640] =	vst v63  }
0x6e: {  	_ = 	snop  }
0x6f: {  	[tilespmem:s6], [sflag:$0x3] =	stream.linear.gather [hbm4b:s8+s2], $0x320, $0x38;
	[tilespmem:$0x19640] =	vst v63  }
0x70: {  	_ =	swait.ge [sflag:s3], $0x320  }
0x71: {  	[sflag:s3] =	ssyncset.done $0x0  }
0x72: {  	[sflag:s3] =	ssyncadd.s32 $0xFFFFFCE0  }
0x73: {  	[tilespmem:s9], [sflag:$0x2] =	stream.indirect.gather [hbm4b:s5+s6], $0x40, s6, s6, $0xb8;
	[tilespmem:$0x19640] =	vst v63  }
0x74: {  	_ =	swait.ge [sflag:s10], $0xC800  }
0x75: {  	[sflag:s10] =	ssyncset.done $0x0  }
0x76: {  	[sflag:s10] =	ssyncadd.s32 $0xFFFF3800  }
0x77: {  	[hbm4b:s11+s2] =	stream.linear.scatter [tilespmem:s7], [sflag:$0x3], $0xC800, $0x38;
	[tilespmem:$0x19640] =	vst v63  }
0x78: {  	_ =	swait.ge [sflag:s3], $0xC800  }
0x79: {  	[sflag:s3] =	ssyncset.done $0x0  }
0x7a: {  	[sflag:s3] =	ssyncadd.s32 $0xFFFF3800  }
0x7b: {  	[tilespmem:s2], [sflag:$0x3] =	stream.linear.gather [hbm4b:s12+s2], $0x320, $0x38;
	[tilespmem:$0x19640] =	vst v63  }
0x7c: {  	_ =	swait.ge [sflag:s3], $0x320  }
0x7d: {  	[sflag:s3] =	ssyncset.done $0x0  }
0x7e: {  	[sflag:s3] =	ssyncadd.s32 $0xFFFFFCE0  }
0x7f: {  	[tilespmem:s7], [sflag:$0x1] =	stream.indirect.gather [hbm4b:s5+s6], $0x40, s2, s6, $0xb8;
	[tilespmem:$0x19640] =	vst v63  }
0x80: {  	_ =	swait.ge [sflag:s13], $0xC800  }
0x81: {  	[sflag:s13] =	ssyncset.done $0x0  }
0x82: {  	[sflag:s13] =	ssyncadd.s32 $0xFFFF3800  }
0x83: {  	[hbm4b:s14+s2] =	stream.linear.scatter [tilespmem:s9], [sflag:$0x3], $0xC800, $0x38;
	[tilespmem:$0x19640] =	vst v63  }
0x84: {  	_ =	swait.ge [sflag:s3], $0xC800  }
0x85: {  	[sflag:s3] =	ssyncset.done $0x0  }
0x86: {  	[sflag:s3] =	ssyncadd.s32 $0xFFFF3800  }
0x87: {  	[tilespmem:s6], [sflag:$0x3] =	stream.linear.gather [hbm4b:s15+s2], $0x320, $0x38;
	[tilespmem:$0x19640] =	vst v63  }
0x88: {  	_ =	swait.ge [sflag:s3], $0x320  }
0x89: {  	[sflag:s3] =	ssyncset.done $0x0  }
0x8a: {  	[sflag:s3] =	ssyncadd.s32 $0xFFFFFCE0  }
0x8b: {  	[tilespmem:s9], [sflag:$0x2] =	stream.indirect.gather [hbm4b:s5+s6], $0x40, s6, s6, $0xb8;
	[tilespmem:$0x19640] =	vst v63  }
0x8c: {  	_ =	swait.ge [sflag:s10], $0xC800  }
0x8d: {  	[sflag:s10] =	ssyncset.done $0x0  }
0x8e: {  	[sflag:s10] =	ssyncadd.s32 $0xFFFF3800  }
0x8f: {  	[hbm4b:s16+s2] =	stream.linear.scatter [tilespmem:s7], [sflag:$0x3], $0xC800, $0x38;
	[tilespmem:$0x19640] =	vst v63  }
0x90: {  	_ =	swait.ge [sflag:s3], $0xC800  }
0x91: {  	[sflag:s3] =	ssyncset.done $0x0  }
0x92: {  	[sflag:s3] =	ssyncadd.s32 $0xFFFF3800  }
0x93: {  	[tilespmem:s2], [sflag:$0x3] =	stream.linear.gather [hbm4b:s17+s2], $0x320, $0x38;
	[tilespmem:$0x19640] =	vst v63  }
0x94: {  	_ =	swait.ge [sflag:s3], $0x320  }
0x95: {  	[sflag:s3] =	ssyncset.done $0x0  }
0x96: {  	[sflag:s3] =	ssyncadd.s32 $0xFFFFFCE0  }
0x97: {  	[tilespmem:s7], [sflag:$0x1] =	stream.indirect.gather [hbm4b:s5+s6], $0x40, s2, s6, $0xb8;
	[tilespmem:$0x19640] =	vst v63  }
0x98: {  	_ =	swait.ge [sflag:s13], $0xC800  }
0x99: {  	[sflag:s13] =	ssyncset.done $0x0  }
0x9a: {  	[sflag:s13] =	ssyncadd.s32 $0xFFFF3800  }
0x9b: {  	[hbm4b:s18+s2] =	stream.linear.scatter [tilespmem:s9], [sflag:$0x3], $0xC800, $0x38;
	[tilespmem:$0x19640] =	vst v63  }
0x9c: {  	_ =	swait.ge [sflag:s3], $0xC800  }
0x9d: {  	[sflag:s3] =	ssyncset.done $0x0  }
0x9e: {  	[sflag:s3] =	ssyncadd.s32 $0xFFFF3800  }
0x9f: {  	[tilespmem:s6], [sflag:$0x3] =	stream.linear.gather [hbm4b:s19+s2], $0x320, $0x38;
	[tilespmem:$0x19640] =	vst v63  }
0xa0: {  	_ =	swait.ge [sflag:s3], $0x320  }
0xa1: {  	[sflag:s3] =	ssyncset.done $0x0  }
0xa2: {  	[sflag:s3] =	ssyncadd.s32 $0xFFFFFCE0  }
0xa3: {  	[tilespmem:s9], [sflag:$0x2] =	stream.indirect.gather [hbm4b:s5+s6], $0x40, s6, s6, $0xb8;
	[tilespmem:$0x19640] =	vst v63  }
0xa4: {  	_ =	swait.ge [sflag:s10], $0xC800  }
0xa5: {  	[sflag:s10] =	ssyncset.done $0x0  }
0xa6: {  	[sflag:s10] =	ssyncadd.s32 $0xFFFF3800  }
0xa7: {  	[hbm4b:s20+s2] =	stream.linear.scatter [tilespmem:s7], [sflag:$0x3], $0xC800, $0x38;
	[tilespmem:$0x19640] =	vst v63  }
0xa8: {  	_ =	swait.ge [sflag:s3], $0xC800  }
0xa9: {  	[sflag:s3] =	ssyncset.done $0x0  }
0xaa: {  	[sflag:s3] =	ssyncadd.s32 $0xFFFF3800  }
0xab: {  	[tilespmem:s2], [sflag:$0x3] =	stream.linear.gather [hbm4b:s21+s2], $0x320, $0x38;
	[tilespmem:$0x19640] =	vst v63  }
0xac: {  	_ =	swait.ge [sflag:s3], $0x320  }
0xad: {  	[sflag:s3] =	ssyncset.done $0x0  }
0xae: {  	[sflag:s3] =	ssyncadd.s32 $0xFFFFFCE0  }
0xaf: {  	[tilespmem:s7], [sflag:$0x1] =	stream.indirect.gather [hbm4b:s5+s6], $0x40, s2, s6, $0xb8;
	[tilespmem:$0x19640] =	vst v63  }
0xb0: {  	_ =	swait.ge [sflag:s13], $0xC800  }
0xb1: {  	[sflag:s13] =	ssyncset.done $0x0  }
0xb2: {  	[sflag:s13] =	ssyncadd.s32 $0xFFFF3800  }
0xb3: {  	[hbm4b:s22+s2] =	stream.linear.scatter [tilespmem:s9], [sflag:$0x3], $0xC800, $0x38;
	[tilespmem:$0x19640] =	vst v63  }
0xb4: {  	_ =	swait.ge [sflag:s3], $0xC800  }
0xb5: {  	[sflag:s3] =	ssyncset.done $0x0  }
0xb6: {  	[sflag:s3] =	ssyncadd.s32 $0xFFFF3800  }
0xb7: {  	[tilespmem:s6], [sflag:$0x3] =	stream.linear.gather [hbm4b:s23+s2], $0x320, $0x38;
	[tilespmem:$0x19640] =	vst v63  }
0xb8: {  	_ =	swait.ge [sflag:s3], $0x320  }
0xb9: {  	[sflag:s3] =	ssyncset.done $0x0  }
0xba: {  	[sflag:s3] =	ssyncadd.s32 $0xFFFFFCE0  }
0xbb: {  	[tilespmem:s9], [sflag:$0x2] =	stream.indirect.gather [hbm4b:s5+s6], $0x40, s6, s6, $0xb8;
	[tilespmem:$0x19640] =	vst v63  }
0xbc: {  	_ =	swait.ge [sflag:s10], $0xC800  }
0xbd: {  	[sflag:s10] =	ssyncset.done $0x0  }
0xbe: {  	[sflag:s10] =	ssyncadd.s32 $0xFFFF3800  }
0xbf: {  	[hbm4b:s24+s2] =	stream.linear.scatter [tilespmem:s7], [sflag:$0x3], $0xC800, $0x38;
	[tilespmem:$0x19640] =	vst v63  }
0xc0: {  	_ =	swait.ge [sflag:s3], $0xC800  }
0xc1: {  	[sflag:s3] =	ssyncset.done $0x0  }
0xc2: {  	[sflag:s3] =	ssyncadd.s32 $0xFFFF3800  }
0xc3: {  	_ =	swait.ge [sflag:s13], $0xC800  }
.Ltmp1:
0xc4: {  	[sflag:s13] =	ssyncset.done $0x0;
	(pc) =	sbr.rel @p0 .LBB2_1-.Ltmp1, $4  }
0xc5: {  	[sflag:s13] =	ssyncadd.s32 $0xFFFF3800  }
0xc6: {  	[hbm4b:s25+s2] =	stream.linear.scatter [tilespmem:s9], [sflag:$0x3], $0xC800, $0x38;
	[tilespmem:$0x19640] =	vst v63  }
0xc7: {  	_ =	swait.ge [sflag:s3], $0xC800  }
0xc8: {  	[sflag:s3] =	ssyncset.done $0x0  }
.LBB2_2:
0xc9: {  	[sflag:s3] =	ssyncadd.s32 $0xFFFF3800  }
0xca: {  	_ =	sfence.sel $0x180000  }
0xcb: {  	[bflag:$0x0] =	sbarrier.arrive $0xFFFF  }
0xcc: {  	p0 =	sne.s32 s0, $0x0;
	_ =	strace $0x90000053  }
0xcd: {  	s0 =	sadd.s32 @!p0 $0x100000, s1;
	[bflag:$0x2] =	sbarrier.arrive $0xFFFF  }
0xce: {  	[sflag:s0] =	ssyncadd.tile.s32 @!p0 $0x1;
	_ =	shalt  }
.Lfunc_end2:
_tile_overlayer_lowered:
.L_overlay_start_2:
0xcf: {  	(tag) =	ssettag $0x2  }
0xd0: {  	s0 =	rddreg [dreg:$0x0];
	s2 =	stileid.u32  }
0xd1: {  	s1 =	rddreg [dreg:$0x1];
	p0 =	sne.s32 s2, $0x0  }
0xd2: {  	s3 =	rddreg [dreg:$0x2];
	[bflag:$0x3] =	sbarrier.arrive $0xFFFF;
	s2 =	simm.s32 @!p0 $0x1C03  }
0xd3: {  	[timem:s3], [sflag:s2] =	dma.local @!p0 [hbm:s0], s1  }
0xd4: {  	s0 =	simm.s32 @!p0 $0x3  }
0xd5: {  	_ =	swait.ge @!p0 [sflag:s0], s1  }
0xd6: {  	s1 =	ssub.s32 @!p0 $0x0, s1;
	[sflag:s0] =	ssyncset.done @!p0 $0x0  }
0xd7: {  	[sflag:s0] =	ssyncadd.s32 @!p0 s1  }
0xd8: {  	[bflag:$0x3] =	sbarrier.arrive $0xFFFF  }
0xd9: {  	_ =	shalt  }

// kernel: kernel.19.cloned.1.call-start
scs
__scs_entry_jumppad:
0x0: {  	(pc) =	sbr.rel $0x88, $3  }
0x1: {  	(tag) =	ssettag $0x0;
	lr =	simm.s32 $0x1  }
0x2: {  	[smem:$0x3F90] =	sst lr;
	_ =	strace $0xD0000000  }
0x3: {  	_ = 	snop  }
0x4: {  	_ = 	snop  }
0x5: {  	_ = 	snop  }
0x6: {  	_ = 	snop  }
0x7: {  	_ = 	snop  }
__scs_overlays_trampoline_lowered:
0x8: {  	[smem:$0x3F9F] =	sst s0  }
0x9: {  	[smem:$0x3FA0] =	sst s1  }
0xa: {  	[smem:$0x3FA1] =	sst s2  }
0xb: {  	[smem:$0x3FA2] =	sst s3  }
0xc: {  	[smem:$0x3FA3] =	sst s4  }
0xd: {  	[smem:$0x3FA4] =	sst s5  }
0xe: {  	[smem:$0x3FA5] =	sst s6  }
0xf: {  	[smem:$0x3FA6] =	sst s7  }
0x10: {  	[smem:$0x3FA7] =	sst s8  }
0x11: {  	[smem:$0x3FA8] =	sst s9;
	s0 =	simm.s32 @!p0 $0x0  }
0x12: {  	s1 =	sld [smem:$0x3F8E];
	s0 =	simm.s32 @p0 $0x1  }
0x13: {  	[smem:$0x3FA9] =	sst s0;
	s0 =	simm.s32 @!p1 $0x0  }
0x14: {  	s2 =	sld [smem:$0x3F8D];
	s0 =	simm.s32 @p1 $0x1  }
0x15: {  	[smem:$0x3FAA] =	sst s0;
	s0 =	simm.s32 @!p2 $0x0  }
0x16: {  	s3 =	sld [smem:$0x3FDB];
	s0 =	simm.s32 @p2 $0x1  }
0x17: {  	s4 =	simm.s32 $0x1BF5;
	[smem:$0x3FAC] =	sst s0  }
0x18: {  	s0 =	sld [smem:$0x3F8F];
	_ =	swait.ge [sflag:s4], $0x0  }
0x19: {  	s7 =	sld [smem:$0x3F90]  }
0x1a: {  	s8 =	sadd.s32 $0xFFFFE003, lr  }
0x1b: {  	s9 =	sadd.s32 $0xFFFFFEF7, lr;
	s5 =	simm.s32 $0xFFFFFFFF;
	p2 =	slt.u32 s8, $0xFFFFF086  }
0x1c: {  	p1 =	slt.u32 s9, $0xF7A;
	s5 =	simm.s32 @!p2 $0x0  }
0x1d: {  	s5 =	simm.s32 @p1 $0x1;
	p0 =	seq.s32 s7, s2  }
0x1e: {  	s7 =	smul.u32 @!p0 $0xF7A, s2;
	p2 =	seq.s32 @!p0 s5, $0x0  }
0x1f: {  	s9 =	smul.u32 $0xF7A, s1;
	s8 =	simm.s32 @!p0 $0x1BF5;
	p2 =	por !p2, p0  }
0x20: {  	[sflag:s8] =	ssyncset.s32 @!p0 $0xFFFFF086;
	s6 =	sadd.s32 @!p0 s3, s7;
	s7 =	simm.s32 @!p0 $0x108  }
0x21: {  	s3 =	sadd.s32 s3, s9;
	s6 =	sadd.s32 @!p0 $0x88, s6;
	s7 =	simm.s32 @p2 $0x1082  }
0x22: {  	[simem:s7], [sflag:s8] =	dma.local @!p0 [hbm:s6], $0xF7A  }
0x23: {  	s9 =	sor.u32 $0xD0000000, s2;
	s6 =	simm.s32 $0x108;
	_ =	swait.ge @!p0 [sflag:s8], $0x0  }
0x24: {  	s3 =	sadd.s32 $0x88, s3;
	s6 =	simm.s32 @!p1 $0x1082;
	[sflag:s4] =	ssyncset.s32 $0xFFFFF086  }
0x25: {  	[simem:s6], [sflag:s4] =	dma.local [hbm:s3], $0xF7A  }
0x26: {  	[smem:$0x3F90] =	sst s1;
	(tag) =	ssettag s2;
	_ =	strace s9  }
0x27: {  	s1 =	sld [smem:$0x3FA0]  }
0x28: {  	s2 =	sld [smem:$0x3FA1]  }
0x29: {  	s4 =	sld [smem:$0x3FA3]  }
0x2a: {  	p0 =	seq.s32 s5, $0x0;
	s5 =	sld [smem:$0x3FA4]  }
0x2b: {  	s6 =	sld [smem:$0x3FA5]  }
0x2c: {  	s7 =	sld [smem:$0x3FA6]  }
0x2d: {  	s3 =	simm.s32 $0x108;
	s8 =	sld [smem:$0x3FA7]  }
0x2e: {  	s3 =	simm.s32 @!p0 $0x1082;
	s9 =	sld [smem:$0x3FA8]  }
0x2f: {  	lr =	sadd.s32 s0, s3;
	s0 =	sld [smem:$0x3F9F]  }
0x30: {  	s3 =	sld [smem:$0x3FA2]  }
0x31: {  	[smem:$0x3FAB] =	sst s10  }
0x32: {  	s10 =	sld [smem:$0x3FA9];
	_ =	sdelay $0x3  }
0x33: {  	p0 =	seq.s32 s10, $0x1;
	s10 =	sld [smem:$0x3FAB];
	_ =	sdelay $0x3  }
0x34: {  	[smem:$0x3FAB] =	sst s10  }
0x35: {  	s10 =	sld [smem:$0x3FAA];
	_ =	sdelay $0x3  }
0x36: {  	p1 =	seq.s32 s10, $0x1;
	s10 =	sld [smem:$0x3FAB];
	_ =	sdelay $0x3  }
0x37: {  	[smem:$0x3FAB] =	sst s10  }
0x38: {  	s10 =	sld [smem:$0x3FAC]  }
0x39: {  	_ = 	snop;
	(pc) =	sbr.ind lr, $3  }
0x3a: {  	_ = 	snop  }
0x3b: {  	_ = 	snop  }
0x3c: {  	p2 =	seq.s32 s10, $0x1;
	s10 =	sld [smem:$0x3FAB]  }
0x3d: {  	_ =	shalt  }
0x3e: {  	_ =	shalt  }
0x3f: {  	_ =	shalt  }
0x40: {  	_ =	shalt  }
0x41: {  	_ =	shalt  }
0x42: {  	_ =	shalt  }
0x43: {  	_ =	shalt  }
0x44: {  	_ =	shalt  }
0x45: {  	_ =	shalt  }
0x46: {  	_ =	shalt  }
0x47: {  	_ =	shalt  }
0x48: {  	_ =	shalt  }
0x49: {  	_ =	shalt  }
0x4a: {  	_ =	shalt  }
0x4b: {  	_ =	shalt  }
0x4c: {  	_ =	shalt  }
0x4d: {  	_ =	shalt  }
0x4e: {  	_ =	shalt  }
0x4f: {  	_ =	shalt  }
0x50: {  	_ =	shalt  }
0x51: {  	_ =	shalt  }
0x52: {  	_ =	shalt  }
0x53: {  	_ =	shalt  }
0x54: {  	_ =	shalt  }
0x55: {  	_ =	shalt  }
0x56: {  	_ =	shalt  }
0x57: {  	_ =	shalt  }
0x58: {  	_ =	shalt  }
0x59: {  	_ =	shalt  }
0x5a: {  	_ =	shalt  }
0x5b: {  	_ =	shalt  }
0x5c: {  	_ =	shalt  }
0x5d: {  	_ =	shalt  }
0x5e: {  	_ =	shalt  }
0x5f: {  	_ =	shalt  }
0x60: {  	_ =	shalt  }
0x61: {  	_ =	shalt  }
0x62: {  	_ =	shalt  }
0x63: {  	_ =	shalt  }
0x64: {  	_ =	shalt  }
0x65: {  	_ =	shalt  }
0x66: {  	_ =	shalt  }
0x67: {  	_ =	shalt  }
0x68: {  	_ =	shalt  }
0x69: {  	_ =	shalt  }
0x6a: {  	_ =	shalt  }
0x6b: {  	_ =	shalt  }
0x6c: {  	_ =	shalt  }
0x6d: {  	_ =	shalt  }
0x6e: {  	_ =	shalt  }
0x6f: {  	_ =	shalt  }
0x70: {  	_ =	shalt  }
0x71: {  	_ =	shalt  }
0x72: {  	_ =	shalt  }
0x73: {  	_ =	shalt  }
0x74: {  	_ =	shalt  }
0x75: {  	_ =	shalt  }
0x76: {  	_ =	shalt  }
0x77: {  	_ =	shalt  }
0x78: {  	_ =	shalt  }
0x79: {  	_ =	shalt  }
0x7a: {  	_ =	shalt  }
0x7b: {  	_ =	shalt  }
0x7c: {  	_ =	shalt  }
0x7d: {  	_ =	shalt  }
0x7e: {  	_ =	shalt  }
0x7f: {  	_ =	shalt  }
0x80: {  	_ =	shalt  }
0x81: {  	_ =	shalt  }
0x82: {  	_ =	shalt  }
0x83: {  	_ =	shalt  }
0x84: {  	_ =	shalt  }
0x85: {  	_ =	shalt  }
0x86: {  	_ =	shalt  }
0x87: {  	_ =	shalt  }
.Lfunc_end0:
.L_simem_size_0:
called_computation.2_lowered:
.L_overlay_start_0:
0x88: {  	s2 =	sld [smem:$0x3FD9]  }
0x89: {  	s3 =	sld [smem:$0x3FFE];
	_ =	sdelay $0x1  }
0x8a: {  	s1 =	srdreg.scid  }
0x8b: {  	s0 =	sand.u32 $0x1, s1  }
0x8c: {  	s17 =	sshll.u32 s0, $0xA;
	s2 =	sadd.s32 s3, s2  }
0x8d: {  	s2 =	sadd.s32 s2, s17  }
0x8e: {  	[smem:$0x3FB7] =	sst s2  }
0x8f: {  	_ = 	snop  }
0x90: {  	(tm) =	ssettm $0x1  }
0x91: {  	s18 =	sld [smem:$0x3FFB];
	_ =	sdelay $0x3  }
0x92: {  	_ =	strace s18  }
0x93: {  	s2 =	sld [smem:$0x3FFC];
	_ =	sdelay $0x3  }
0x94: {  	_ =	strace s2  }
0x95: {  	s2 =	sld [smem:$0x3FFD];
	_ =	sdelay $0x3  }
0x96: {  	_ =	strace s2  }
0x97: {  	_ =	strace $0x8FFFFFFF  }
0x98: {  	s19 =	sld [smem:$0x3FDB];
	_ =	sdelay $0x1  }
0x99: {  	s20 =	simm.s32 $_scs_section_size  }
0x9a: {  	s4 =	simm.s32 $_size__tile_overlayer_lowered;
	s5 =	simm.s32 $_tile_overlayer_lowered  }
0x9b: {  	s6 =	simm.s32 $0x1BFF;
	s21 =	sshll.u32 s5, $0x1;
	s3 =	sadd.s32 s20, s19  }
0x9c: {  	s22 =	simm.s32 $0x0;
	s4 =	sshll.u32 s4, $0x1;
	s5 =	sadd.s32 s21, s3  }
0x9d: {  	[timem:s22], [sflag:s6] =	dma.local [hbm:s5], s4  }
0x9e: {  	_ =	swait.ge [sflag:s6], s4  }
0x9f: {  	s4 =	ssub.s32 $0x0, s4;
	[sflag:s6] =	ssyncset.done $0x0  }
0xa0: {  	[sflag:s6] =	ssyncadd.s32 s4;
	_ =	sdelay $0x1  }
0xa1: {  	s23 =	simm.s32 $0x1B8B  }
0xa2: {  	_ =	swait.ge [sflag:s23], $0x1  }
0xa3: {  	[sflag:s23] =	ssyncset.done $0x0  }
0xa4: {  	[sflag:s23] =	ssyncadd.s32 $0xFFFFFFFF  }
0xa5: {  	s4 =	sld [smem:$0x0]  }
0xa6: {  	s5 =	sand.u32 $0xFFFFFFFE, s1  }
0xa7: {  	p0 =	sne.s32 s1, s5  }
0xa8: {  	s5 =	sshll.u32 @p0 s5, $0xE  }
0xa9: {  	s5 =	sadd.s32 @p0 $0x11B8D, s5;
	s6 =	sshll.u32 @p0 s4, $0x11  }
0xaa: {  	s5 =	sor.u32 @p0 s6, s5  }
0xab: {  	[sflag:s5] =	ssyncadd.remote.s32 @p0 $0x1;
	_ =	sdelay $0x1  }
0xac: {  	s5 =	simm.s32 @p0 $0x1B8D  }
0xad: {  	_ =	swait.eq @p0 [sflag:s5], $0x1  }
0xae: {  	[sflag:s5] =	ssyncadd.s32 @p0 $0xFFFFFFFF  }
0xaf: {  	s6 =	sshll.u32 @!p0 s1, $0xE  }
0xb0: {  	s6 =	sor.u32 @!p0 $0x4000, s6;
	s5 =	simm.s32 @!p0 $0x1B8D  }
0xb1: {  	s4 =	sshll.u32 @!p0 s4, $0x11;
	s6 =	sadd.s32 @!p0 $0x11B8D, s6;
	_ =	swait.eq @!p0 [sflag:s5], $0x1  }
0xb2: {  	s4 =	sor.u32 @!p0 s4, s6;
	[sflag:s5] =	ssyncadd.s32 @!p0 $0xFFFFFFFF  }
0xb3: {  	s25 =	simm.s32 $0x1B8E;
	s24 =	sld [smem:$0x3FFE];
	[sflag:s4] =	ssyncadd.remote.s32 @!p0 $0x1  }
0xb4: {  	s26 =	simm.s32 $execute0_lowered;
	[smem:$0x3FD2] =	sst s25  }
0xb5: {  	s5 =	sshll.u32 s26, $0x1;
	_ =	strace $0x8000004F;
	[dreg:$0x1] =	wrdreg $0xFFFFFFFF  }
0xb6: {  	s28 =	simm.s32 $_size_execute0_lowered;
	s3 =	sadd.s32 s3, s5;
	[dreg:$0x0] =	wrdreg $0x0  }
0xb7: {  	s5 =	sshll.u32 s28, $0x1;
	[dreg:$0x2] =	wrdreg s3  }
0xb8: {  	[dreg:$0x3] =	wrdreg s5  }
0xb9: {  	[dreg:$0x4] =	wrdreg $0xC0  }
0xba: {  	_ =	task [dreg:s22], $0x5FFFF  }
0xbb: {  	[dreg:$0x1] =	wrdreg $0xFFFFFFFF  }
0xbc: {  	[dreg:$0x0] =	wrdreg $0x60  }
0xbd: {  	[dreg:$0x2] =	wrdreg s24  }
0xbe: {  	[dreg:$0x3] =	wrdreg $0xA  }
0xbf: {  	_ =	task.clear_ibuf [dreg:s22], $0x4FFFF;
	_ =	strace $0x9000004F  }
0xc0: {  	s29 =	simm.s32 $0xA;
	_ =	strace $0x80000051  }
0xc1: {  	_ =	swait.ge [sflag:s29], $0x1  }
0xc2: {  	[sflag:s29] =	ssyncadd.s32 $0xFFFFFFFF  }
0xc3: {  	_ =	strace $0x90000051  }
0xc4: {  	_ =	sfence  }
0xc5: {  	s30 =	sld [smem:$0x0];
	_ =	sdelay $0x2  }
0xc6: {  	s31 =	sshll.u32 s1, $0xD;
	s1 =	sshrl.u32 s1, $0x2  }
0xc7: {  	s4 =	sand.u32 $0x4000, s31;
	s1 =	sadd.s32 s1, s30  }
0xc8: {  	s0 =	sor.u32 s4, s0;
	s1 =	sshll.u32 s1, $0x11  }
0xc9: {  	s0 =	sor.u32 s1, s0  }
0xca: {  	s0 =	sadd.s32 $0x8F2B, s0  }
0xcb: {  	[sflag:s0] =	ssyncadd.remote.s32 $0x1  }
0xcc: {  	_ =	sfence.sel $0xFFFF  }
0xcd: {  	[dreg:$0x0] =	wrdreg $0xFFFFFFFF;
	(pc) =	sbr.abs _section_cstart, $3  }
0xce: {  	[dreg:$0x1] =	wrdreg $0xFFFFFFFF  }
0xcf: {  	_ =	task.clear_ibuf [dreg:s22], $0x2FFFF;
	_ =	strace $0x9FFFFFFF  }
0xd0: {  	(tm) =	ssettm $0x7FFFFFFF  }
0xd1: {  	_ =	shalt  }
tec
execute0_lowered:
.L_overlay_start_1:
0x0: {  	(tag) =	ssettag $0x1  }
0x1: {  	s1 =	srdreg.scid;
	s0 =	stileid.u32  }
0x2: {  	s25 =	sand.u32 $0x1, s1;
	s28 =	sshll.u32 s0, $0x1  }
0x3: {  	s11 =	sor.u32 s25, s28  }
0x4: {  	s12 =	rddreg [dreg:$0x0];
	s24 =	smul.u32 $0x1900, s11  }
0x5: {  	s2 =	simm.s32 $0x0;
	s1 =	rddreg [dreg:$0x1]  }
0x6: {  	[smem:$0x7FF] =	sst s2;
	s23 =	sadd.s32 $0x30600, s12;
	s3 =	sshrl.u32 s24, $0x3  }
0x7: {  	_ =	strace $0x80000050;
	s4 =	sadd.s32 s23, s3;
	s3 =	simm.s32 $0x3  }
0x8: {  	[tilespmem:s2], [sflag:$0x3] =	stream.linear.gather [hbm4b:s4+s2], $0x320, $0x38;
	[tilespmem:$0x19640] =	vst v63  }
0x9: {  	s6 =	simm.s32 $0x320;
	_ =	swait.ge [sflag:s3], $0x320  }
0xa: {  	s7 =	simm.s32 $0x640;
	s14 =	sadd.s32 $0x320, s24;
	[sflag:s3] =	ssyncset.done $0x0  }
0xb: {  	s5 =	sadd.s32 $0x55F200, s12;
	s8 =	sshrl.u32 s14, $0x3;
	[sflag:s3] =	ssyncadd.s32 $0xFFFFFCE0  }
0xc: {  	[tilespmem:s7], [sflag:$0x1] =	stream.indirect.gather [hbm4b:s5+s6], $0x40, s2, s6, $0xb8;
	[tilespmem:$0x19640] =	vst v63  }
0xd: {  	s8 =	sadd.s32 s23, s8  }
0xe: {  	[tilespmem:s6], [sflag:$0x3] =	stream.linear.gather [hbm4b:s8+s2], $0x320, $0x38;
	[tilespmem:$0x19640] =	vst v63  }
0xf: {  	_ =	swait.ge [sflag:s3], $0x320  }
0x10: {  	[sflag:s3] =	ssyncset.done $0x0  }
0x11: {  	s9 =	simm.s32 $0xCE40;
	s10 =	simm.s32 $0x1;
	[sflag:s3] =	ssyncadd.s32 $0xFFFFFCE0  }
0x12: {  	[tilespmem:s9], [sflag:$0x2] =	stream.indirect.gather [hbm4b:s5+s6], $0x40, s6, s6, $0xb8;
	[tilespmem:$0x19640] =	vst v63  }
0x13: {  	s11 =	smul.u32 $0xC800, s11;
	_ =	swait.ge [sflag:s10], $0xC800  }
0x14: {  	s26 =	sadd.s32 $0x356A00, s12;
	[sflag:s10] =	ssyncset.done $0x0  }
0x15: {  	s11 =	sadd.s32 s26, s11;
	[sflag:s10] =	ssyncadd.s32 $0xFFFF3800  }
0x16: {  	[hbm4b:s11+s2] =	stream.linear.scatter [tilespmem:s7], [sflag:$0x3], $0xC800, $0x38;
	[tilespmem:$0x19640] =	vst v63  }
0x17: {  	s16 =	sadd.s32 $0x640, s24;
	_ =	swait.ge [sflag:s3], $0xC800  }
0x18: {  	s29 =	sshrl.u32 s16, $0x3;
	[sflag:s3] =	ssyncset.done $0x0  }
0x19: {  	s12 =	sadd.s32 s23, s29;
	[sflag:s3] =	ssyncadd.s32 $0xFFFF3800  }
0x1a: {  	[tilespmem:s2], [sflag:$0x3] =	stream.linear.gather [hbm4b:s12+s2], $0x320, $0x38;
	[tilespmem:$0x19640] =	vst v63  }
0x1b: {  	_ =	swait.ge [sflag:s3], $0x320  }
0x1c: {  	[sflag:s3] =	ssyncset.done $0x0  }
0x1d: {  	s13 =	simm.s32 $0x2;
	[sflag:s3] =	ssyncadd.s32 $0xFFFFFCE0  }
0x1e: {  	[tilespmem:s7], [sflag:$0x1] =	stream.indirect.gather [hbm4b:s5+s6], $0x40, s2, s6, $0xb8;
	[tilespmem:$0x19640] =	vst v63  }
0x1f: {  	_ =	swait.ge [sflag:s13], $0xC800  }
0x20: {  	s14 =	sshll.u32 s14, $0x3;
	[sflag:s13] =	ssyncset.done $0x0  }
0x21: {  	s14 =	sadd.s32 s26, s14;
	[sflag:s13] =	ssyncadd.s32 $0xFFFF3800  }
0x22: {  	[hbm4b:s14+s2] =	stream.linear.scatter [tilespmem:s9], [sflag:$0x3], $0xC800, $0x38;
	[tilespmem:$0x19640] =	vst v63  }
0x23: {  	s18 =	sadd.s32 $0x960, s24;
	_ =	swait.ge [sflag:s3], $0xC800  }
0x24: {  	s15 =	sshrl.u32 s18, $0x3;
	[sflag:s3] =	ssyncset.done $0x0  }
0x25: {  	s15 =	sadd.s32 s23, s15;
	[sflag:s3] =	ssyncadd.s32 $0xFFFF3800  }
0x26: {  	[tilespmem:s6], [sflag:$0x3] =	stream.linear.gather [hbm4b:s15+s2], $0x320, $0x38;
	[tilespmem:$0x19640] =	vst v63  }
0x27: {  	_ =	swait.ge [sflag:s3], $0x320  }
0x28: {  	[sflag:s3] =	ssyncset.done $0x0  }
0x29: {  	[sflag:s3] =	ssyncadd.s32 $0xFFFFFCE0  }
0x2a: {  	[tilespmem:s9], [sflag:$0x2] =	stream.indirect.gather [hbm4b:s5+s6], $0x40, s6, s6, $0xb8;
	[tilespmem:$0x19640] =	vst v63  }
0x2b: {  	_ =	swait.ge [sflag:s10], $0xC800  }
0x2c: {  	s16 =	sshll.u32 s16, $0x3;
	[sflag:s10] =	ssyncset.done $0x0  }
0x2d: {  	s16 =	sadd.s32 s26, s16;
	[sflag:s10] =	ssyncadd.s32 $0xFFFF3800  }
0x2e: {  	[hbm4b:s16+s2] =	stream.linear.scatter [tilespmem:s7], [sflag:$0x3], $0xC800, $0x38;
	[tilespmem:$0x19640] =	vst v63  }
0x2f: {  	s20 =	sadd.s32 $0xC80, s24;
	_ =	swait.ge [sflag:s3], $0xC800  }
0x30: {  	s17 =	sshrl.u32 s20, $0x3;
	[sflag:s3] =	ssyncset.done $0x0  }
0x31: {  	s17 =	sadd.s32 s23, s17;
	[sflag:s3] =	ssyncadd.s32 $0xFFFF3800  }
0x32: {  	[tilespmem:s2], [sflag:$0x3] =	stream.linear.gather [hbm4b:s17+s2], $0x320, $0x38;
	[tilespmem:$0x19640] =	vst v63  }
0x33: {  	_ =	swait.ge [sflag:s3], $0x320  }
0x34: {  	[sflag:s3] =	ssyncset.done $0x0  }
0x35: {  	[sflag:s3] =	ssyncadd.s32 $0xFFFFFCE0  }
0x36: {  	[tilespmem:s7], [sflag:$0x1] =	stream.indirect.gather [hbm4b:s5+s6], $0x40, s2, s6, $0xb8;
	[tilespmem:$0x19640] =	vst v63  }
0x37: {  	_ =	swait.ge [sflag:s13], $0xC800  }
0x38: {  	s18 =	sshll.u32 s18, $0x3;
	[sflag:s13] =	ssyncset.done $0x0  }
0x39: {  	s18 =	sadd.s32 s26, s18;
	[sflag:s13] =	ssyncadd.s32 $0xFFFF3800  }
0x3a: {  	[hbm4b:s18+s2] =	stream.linear.scatter [tilespmem:s9], [sflag:$0x3], $0xC800, $0x38;
	[tilespmem:$0x19640] =	vst v63  }
0x3b: {  	s22 =	sadd.s32 $0xFA0, s24;
	_ =	swait.ge [sflag:s3], $0xC800  }
0x3c: {  	s19 =	sshrl.u32 s22, $0x3;
	[sflag:s3] =	ssyncset.done $0x0  }
0x3d: {  	s19 =	sadd.s32 s23, s19;
	[sflag:s3] =	ssyncadd.s32 $0xFFFF3800  }
0x3e: {  	[tilespmem:s6], [sflag:$0x3] =	stream.linear.gather [hbm4b:s19+s2], $0x320, $0x38;
	[tilespmem:$0x19640] =	vst v63  }
0x3f: {  	_ =	swait.ge [sflag:s3], $0x320  }
0x40: {  	[sflag:s3] =	ssyncset.done $0x0  }
0x41: {  	[sflag:s3] =	ssyncadd.s32 $0xFFFFFCE0  }
0x42: {  	[tilespmem:s9], [sflag:$0x2] =	stream.indirect.gather [hbm4b:s5+s6], $0x40, s6, s6, $0xb8;
	[tilespmem:$0x19640] =	vst v63  }
0x43: {  	_ =	swait.ge [sflag:s10], $0xC800  }
0x44: {  	s20 =	sshll.u32 s20, $0x3;
	[sflag:s10] =	ssyncset.done $0x0  }
0x45: {  	s20 =	sadd.s32 s26, s20;
	[sflag:s10] =	ssyncadd.s32 $0xFFFF3800  }
0x46: {  	[hbm4b:s20+s2] =	stream.linear.scatter [tilespmem:s7], [sflag:$0x3], $0xC800, $0x38;
	[tilespmem:$0x19640] =	vst v63  }
0x47: {  	s28 =	sadd.s32 $0x12C0, s24;
	_ =	swait.ge [sflag:s3], $0xC800  }
0x48: {  	s21 =	sshrl.u32 s28, $0x3;
	[sflag:s3] =	ssyncset.done $0x0  }
0x49: {  	s21 =	sadd.s32 s23, s21;
	[sflag:s3] =	ssyncadd.s32 $0xFFFF3800  }
0x4a: {  	[tilespmem:s2], [sflag:$0x3] =	stream.linear.gather [hbm4b:s21+s2], $0x320, $0x38;
	[tilespmem:$0x19640] =	vst v63  }
0x4b: {  	_ =	swait.ge [sflag:s3], $0x320  }
0x4c: {  	[sflag:s3] =	ssyncset.done $0x0  }
0x4d: {  	[sflag:s3] =	ssyncadd.s32 $0xFFFFFCE0  }
0x4e: {  	[tilespmem:s7], [sflag:$0x1] =	stream.indirect.gather [hbm4b:s5+s6], $0x40, s2, s6, $0xb8;
	[tilespmem:$0x19640] =	vst v63  }
0x4f: {  	_ =	swait.ge [sflag:s13], $0xC800  }
0x50: {  	s22 =	sshll.u32 s22, $0x3;
	[sflag:s13] =	ssyncset.done $0x0  }
0x51: {  	s22 =	sadd.s32 s26, s22;
	[sflag:s13] =	ssyncadd.s32 $0xFFFF3800  }
0x52: {  	[hbm4b:s22+s2] =	stream.linear.scatter [tilespmem:s9], [sflag:$0x3], $0xC800, $0x38;
	[tilespmem:$0x19640] =	vst v63  }
0x53: {  	s29 =	sadd.s32 $0x15E0, s24;
	_ =	swait.ge [sflag:s3], $0xC800  }
0x54: {  	s24 =	sshrl.u32 s29, $0x3;
	[sflag:s3] =	ssyncset.done $0x0  }
0x55: {  	s23 =	sadd.s32 s23, s24;
	[sflag:s3] =	ssyncadd.s32 $0xFFFF3800  }
0x56: {  	[tilespmem:s6], [sflag:$0x3] =	stream.linear.gather [hbm4b:s23+s2], $0x320, $0x38;
	[tilespmem:$0x19640] =	vst v63  }
0x57: {  	_ =	swait.ge [sflag:s3], $0x320  }
0x58: {  	[sflag:s3] =	ssyncset.done $0x0  }
0x59: {  	[sflag:s3] =	ssyncadd.s32 $0xFFFFFCE0  }
0x5a: {  	[tilespmem:s9], [sflag:$0x2] =	stream.indirect.gather [hbm4b:s5+s6], $0x40, s6, s6, $0xb8;
	[tilespmem:$0x19640] =	vst v63  }
0x5b: {  	_ =	swait.ge [sflag:s10], $0xC800  }
0x5c: {  	s30 =	sshll.u32 s28, $0x3;
	[sflag:s10] =	ssyncset.done $0x0  }
0x5d: {  	s25 =	ssub.s32 $0x2, s25;
	s24 =	sadd.s32 s26, s30;
	[sflag:s10] =	ssyncadd.s32 $0xFFFF3800  }
0x5e: {  	[hbm4b:s24+s2] =	stream.linear.scatter [tilespmem:s7], [sflag:$0x3], $0xC800, $0x38;
	[tilespmem:$0x19640] =	vst v63  }
0x5f: {  	s31 =	sshrl.u32 s25, $0x1;
	_ =	swait.ge [sflag:s3], $0xC800  }
0x60: {  	s28 =	ssub.s32 s25, s31;
	[sflag:s3] =	ssyncset.done $0x0  }
0x61: {  	s31 =	smax.u32 s28, $0x1;
	[sflag:s3] =	ssyncadd.s32 $0xFFFF3800  }
0x62: {  	p0 =	sne.s32 s31, $0x1;
	_ =	swait.ge [sflag:s13], $0xC800  }
.Ltmp0:
0x63: {  	s30 =	sshll.u32 s29, $0x3;
	[sflag:s13] =	ssyncset.done $0x0;
	(pc) =	sbr.rel @!p0 .LBB2_2-.Ltmp0, $4  }
0x64: {  	s25 =	sadd.s32 s26, s30;
	[sflag:s13] =	ssyncadd.s32 $0xFFFF3800  }
0x65: {  	[hbm4b:s25+s2] =	stream.linear.scatter [tilespmem:s9], [sflag:$0x3], $0xC800, $0x38;
	[tilespmem:$0x19640] =	vst v63  }
0x66: {  	_ =	swait.ge [sflag:s3], $0xC800  }
0x67: {  	s26 =	sadd.s32 $0xFFFFFFFF, s31;
	[sflag:s3] =	ssyncset.done $0x0  }
.LBB2_1:
0x68: {  	p0 =	sne.s32 s26, $0x1;
	s26 =	sadd.s32 $0xFFFFFFFF, s26;
	[sflag:s3] =	ssyncadd.s32 $0xFFFF3800  }
0x69: {  	[tilespmem:s2], [sflag:$0x3] =	stream.linear.gather [hbm4b:s4+s2], $0x320, $0x38;
	[tilespmem:$0x19640] =	vst v63  }
0x6a: {  	_ =	swait.ge [sflag:s3], $0x320  }
0x6b: {  	[sflag:s3] =	ssyncset.done $0x0  }
0x6c: {  	[sflag:s3] =	ssyncadd.s32 $0xFFFFFCE0  }
0x6d: {  	[tilespmem:s7], [sflag:$0x1] =	stream.indirect.gather [hbm4b:s5+s6], $0x40, s2, s6, $0xb8;
	[tilespmem:$0x19640] =	vst v63  }
0x6e: {  	_ = 	snop  }
0x6f: {  	[tilespmem:s6], [sflag:$0x3] =	stream.linear.gather [hbm4b:s8+s2], $0x320, $0x38;
	[tilespmem:$0x19640] =	vst v63  }
0x70: {  	_ =	swait.ge [sflag:s3], $0x320  }
0x71: {  	[sflag:s3] =	ssyncset.done $0x0  }
0x72: {  	[sflag:s3] =	ssyncadd.s32 $0xFFFFFCE0  }
0x73: {  	[tilespmem:s9], [sflag:$0x2] =	stream.indirect.gather [hbm4b:s5+s6], $0x40, s6, s6, $0xb8;
	[tilespmem:$0x19640] =	vst v63  }
0x74: {  	_ =	swait.ge [sflag:s10], $0xC800  }
0x75: {  	[sflag:s10] =	ssyncset.done $0x0  }
0x76: {  	[sflag:s10] =	ssyncadd.s32 $0xFFFF3800  }
0x77: {  	[hbm4b:s11+s2] =	stream.linear.scatter [tilespmem:s7], [sflag:$0x3], $0xC800, $0x38;
	[tilespmem:$0x19640] =	vst v63  }
0x78: {  	_ =	swait.ge [sflag:s3], $0xC800  }
0x79: {  	[sflag:s3] =	ssyncset.done $0x0  }
0x7a: {  	[sflag:s3] =	ssyncadd.s32 $0xFFFF3800  }
0x7b: {  	[tilespmem:s2], [sflag:$0x3] =	stream.linear.gather [hbm4b:s12+s2], $0x320, $0x38;
	[tilespmem:$0x19640] =	vst v63  }
0x7c: {  	_ =	swait.ge [sflag:s3], $0x320  }
0x7d: {  	[sflag:s3] =	ssyncset.done $0x0  }
0x7e: {  	[sflag:s3] =	ssyncadd.s32 $0xFFFFFCE0  }
0x7f: {  	[tilespmem:s7], [sflag:$0x1] =	stream.indirect.gather [hbm4b:s5+s6], $0x40, s2, s6, $0xb8;
	[tilespmem:$0x19640] =	vst v63  }
0x80: {  	_ =	swait.ge [sflag:s13], $0xC800  }
0x81: {  	[sflag:s13] =	ssyncset.done $0x0  }
0x82: {  	[sflag:s13] =	ssyncadd.s32 $0xFFFF3800  }
0x83: {  	[hbm4b:s14+s2] =	stream.linear.scatter [tilespmem:s9], [sflag:$0x3], $0xC800, $0x38;
	[tilespmem:$0x19640] =	vst v63  }
0x84: {  	_ =	swait.ge [sflag:s3], $0xC800  }
0x85: {  	[sflag:s3] =	ssyncset.done $0x0  }
0x86: {  	[sflag:s3] =	ssyncadd.s32 $0xFFFF3800  }
0x87: {  	[tilespmem:s6], [sflag:$0x3] =	stream.linear.gather [hbm4b:s15+s2], $0x320, $0x38;
	[tilespmem:$0x19640] =	vst v63  }
0x88: {  	_ =	swait.ge [sflag:s3], $0x320  }
0x89: {  	[sflag:s3] =	ssyncset.done $0x0  }
0x8a: {  	[sflag:s3] =	ssyncadd.s32 $0xFFFFFCE0  }
0x8b: {  	[tilespmem:s9], [sflag:$0x2] =	stream.indirect.gather [hbm4b:s5+s6], $0x40, s6, s6, $0xb8;
	[tilespmem:$0x19640] =	vst v63  }
0x8c: {  	_ =	swait.ge [sflag:s10], $0xC800  }
0x8d: {  	[sflag:s10] =	ssyncset.done $0x0  }
0x8e: {  	[sflag:s10] =	ssyncadd.s32 $0xFFFF3800  }
0x8f: {  	[hbm4b:s16+s2] =	stream.linear.scatter [tilespmem:s7], [sflag:$0x3], $0xC800, $0x38;
	[tilespmem:$0x19640] =	vst v63  }
0x90: {  	_ =	swait.ge [sflag:s3], $0xC800  }
0x91: {  	[sflag:s3] =	ssyncset.done $0x0  }
0x92: {  	[sflag:s3] =	ssyncadd.s32 $0xFFFF3800  }
0x93: {  	[tilespmem:s2], [sflag:$0x3] =	stream.linear.gather [hbm4b:s17+s2], $0x320, $0x38;
	[tilespmem:$0x19640] =	vst v63  }
0x94: {  	_ =	swait.ge [sflag:s3], $0x320  }
0x95: {  	[sflag:s3] =	ssyncset.done $0x0  }
0x96: {  	[sflag:s3] =	ssyncadd.s32 $0xFFFFFCE0  }
0x97: {  	[tilespmem:s7], [sflag:$0x1] =	stream.indirect.gather [hbm4b:s5+s6], $0x40, s2, s6, $0xb8;
	[tilespmem:$0x19640] =	vst v63  }
0x98: {  	_ =	swait.ge [sflag:s13], $0xC800  }
0x99: {  	[sflag:s13] =	ssyncset.done $0x0  }
0x9a: {  	[sflag:s13] =	ssyncadd.s32 $0xFFFF3800  }
0x9b: {  	[hbm4b:s18+s2] =	stream.linear.scatter [tilespmem:s9], [sflag:$0x3], $0xC800, $0x38;
	[tilespmem:$0x19640] =	vst v63  }
0x9c: {  	_ =	swait.ge [sflag:s3], $0xC800  }
0x9d: {  	[sflag:s3] =	ssyncset.done $0x0  }
0x9e: {  	[sflag:s3] =	ssyncadd.s32 $0xFFFF3800  }
0x9f: {  	[tilespmem:s6], [sflag:$0x3] =	stream.linear.gather [hbm4b:s19+s2], $0x320, $0x38;
	[tilespmem:$0x19640] =	vst v63  }
0xa0: {  	_ =	swait.ge [sflag:s3], $0x320  }
0xa1: {  	[sflag:s3] =	ssyncset.done $0x0  }
0xa2: {  	[sflag:s3] =	ssyncadd.s32 $0xFFFFFCE0  }
0xa3: {  	[tilespmem:s9], [sflag:$0x2] =	stream.indirect.gather [hbm4b:s5+s6], $0x40, s6, s6, $0xb8;
	[tilespmem:$0x19640] =	vst v63  }
0xa4: {  	_ =	swait.ge [sflag:s10], $0xC800  }
0xa5: {  	[sflag:s10] =	ssyncset.done $0x0  }
0xa6: {  	[sflag:s10] =	ssyncadd.s32 $0xFFFF3800  }
0xa7: {  	[hbm4b:s20+s2] =	stream.linear.scatter [tilespmem:s7], [sflag:$0x3], $0xC800, $0x38;
	[tilespmem:$0x19640] =	vst v63  }
0xa8: {  	_ =	swait.ge [sflag:s3], $0xC800  }
0xa9: {  	[sflag:s3] =	ssyncset.done $0x0  }
0xaa: {  	[sflag:s3] =	ssyncadd.s32 $0xFFFF3800  }
0xab: {  	[tilespmem:s2], [sflag:$0x3] =	stream.linear.gather [hbm4b:s21+s2], $0x320, $0x38;
	[tilespmem:$0x19640] =	vst v63  }
0xac: {  	_ =	swait.ge [sflag:s3], $0x320  }
0xad: {  	[sflag:s3] =	ssyncset.done $0x0  }
0xae: {  	[sflag:s3] =	ssyncadd.s32 $0xFFFFFCE0  }
0xaf: {  	[tilespmem:s7], [sflag:$0x1] =	stream.indirect.gather [hbm4b:s5+s6], $0x40, s2, s6, $0xb8;
	[tilespmem:$0x19640] =	vst v63  }
0xb0: {  	_ =	swait.ge [sflag:s13], $0xC800  }
0xb1: {  	[sflag:s13] =	ssyncset.done $0x0  }
0xb2: {  	[sflag:s13] =	ssyncadd.s32 $0xFFFF3800  }
0xb3: {  	[hbm4b:s22+s2] =	stream.linear.scatter [tilespmem:s9], [sflag:$0x3], $0xC800, $0x38;
	[tilespmem:$0x19640] =	vst v63  }
0xb4: {  	_ =	swait.ge [sflag:s3], $0xC800  }
0xb5: {  	[sflag:s3] =	ssyncset.done $0x0  }
0xb6: {  	[sflag:s3] =	ssyncadd.s32 $0xFFFF3800  }
0xb7: {  	[tilespmem:s6], [sflag:$0x3] =	stream.linear.gather [hbm4b:s23+s2], $0x320, $0x38;
	[tilespmem:$0x19640] =	vst v63  }
0xb8: {  	_ =	swait.ge [sflag:s3], $0x320  }
0xb9: {  	[sflag:s3] =	ssyncset.done $0x0  }
0xba: {  	[sflag:s3] =	ssyncadd.s32 $0xFFFFFCE0  }
0xbb: {  	[tilespmem:s9], [sflag:$0x2] =	stream.indirect.gather [hbm4b:s5+s6], $0x40, s6, s6, $0xb8;
	[tilespmem:$0x19640] =	vst v63  }
0xbc: {  	_ =	swait.ge [sflag:s10], $0xC800  }
0xbd: {  	[sflag:s10] =	ssyncset.done $0x0  }
0xbe: {  	[sflag:s10] =	ssyncadd.s32 $0xFFFF3800  }
0xbf: {  	[hbm4b:s24+s2] =	stream.linear.scatter [tilespmem:s7], [sflag:$0x3], $0xC800, $0x38;
	[tilespmem:$0x19640] =	vst v63  }
0xc0: {  	_ =	swait.ge [sflag:s3], $0xC800  }
0xc1: {  	[sflag:s3] =	ssyncset.done $0x0  }
0xc2: {  	[sflag:s3] =	ssyncadd.s32 $0xFFFF3800  }
0xc3: {  	_ =	swait.ge [sflag:s13], $0xC800  }
.Ltmp1:
0xc4: {  	[sflag:s13] =	ssyncset.done $0x0;
	(pc) =	sbr.rel @p0 .LBB2_1-.Ltmp1, $4  }
0xc5: {  	[sflag:s13] =	ssyncadd.s32 $0xFFFF3800  }
0xc6: {  	[hbm4b:s25+s2] =	stream.linear.scatter [tilespmem:s9], [sflag:$0x3], $0xC800, $0x38;
	[tilespmem:$0x19640] =	vst v63  }
0xc7: {  	_ =	swait.ge [sflag:s3], $0xC800  }
0xc8: {  	[sflag:s3] =	ssyncset.done $0x0  }
.LBB2_2:
0xc9: {  	[sflag:s3] =	ssyncadd.s32 $0xFFFF3800  }
0xca: {  	_ =	sfence.sel $0x180000  }
0xcb: {  	[bflag:$0x0] =	sbarrier.arrive $0xFFFF  }
0xcc: {  	p0 =	sne.s32 s0, $0x0;
	_ =	strace $0x90000050  }
0xcd: {  	s0 =	sadd.s32 @!p0 $0x100000, s1;
	[bflag:$0x2] =	sbarrier.arrive $0xFFFF  }
0xce: {  	[sflag:s0] =	ssyncadd.tile.s32 @!p0 $0x1;
	_ =	shalt  }
.Lfunc_end2:
_tile_overlayer_lowered:
.L_overlay_start_2:
0xcf: {  	(tag) =	ssettag $0x2  }
0xd0: {  	s0 =	rddreg [dreg:$0x0];
	s2 =	stileid.u32  }
0xd1: {  	s1 =	rddreg [dreg:$0x1];
	p0 =	sne.s32 s2, $0x0  }
0xd2: {  	s3 =	rddreg [dreg:$0x2];
	[bflag:$0x3] =	sbarrier.arrive $0xFFFF;
	s2 =	simm.s32 @!p0 $0x1C03  }
0xd3: {  	[timem:s3], [sflag:s2] =	dma.local @!p0 [hbm:s0], s1  }
0xd4: {  	s0 =	simm.s32 @!p0 $0x3  }
0xd5: {  	_ =	swait.ge @!p0 [sflag:s0], s1  }
0xd6: {  	s1 =	ssub.s32 @!p0 $0x0, s1;
	[sflag:s0] =	ssyncset.done @!p0 $0x0  }
0xd7: {  	[sflag:s0] =	ssyncadd.s32 @!p0 s1  }
0xd8: {  	[bflag:$0x3] =	sbarrier.arrive $0xFFFF  }
0xd9: {  	_ =	shalt  }

// kernel: kernel.22.cloned.1.call-start
scs
__scs_entry_jumppad:
0x0: {  	(pc) =	sbr.rel $0x88, $3  }
0x1: {  	(tag) =	ssettag $0x0;
	lr =	simm.s32 $0x1  }
0x2: {  	[smem:$0x3F90] =	sst lr;
	_ =	strace $0xD0000000  }
0x3: {  	_ = 	snop  }
0x4: {  	_ = 	snop  }
0x5: {  	_ = 	snop  }
0x6: {  	_ = 	snop  }
0x7: {  	_ = 	snop  }
__scs_overlays_trampoline_lowered:
0x8: {  	[smem:$0x3F9F] =	sst s0  }
0x9: {  	[smem:$0x3FA0] =	sst s1  }
0xa: {  	[smem:$0x3FA1] =	sst s2  }
0xb: {  	[smem:$0x3FA2] =	sst s3  }
0xc: {  	[smem:$0x3FA3] =	sst s4  }
0xd: {  	[smem:$0x3FA4] =	sst s5  }
0xe: {  	[smem:$0x3FA5] =	sst s6  }
0xf: {  	[smem:$0x3FA6] =	sst s7  }
0x10: {  	[smem:$0x3FA7] =	sst s8  }
0x11: {  	[smem:$0x3FA8] =	sst s9;
	s0 =	simm.s32 @!p0 $0x0  }
0x12: {  	s1 =	sld [smem:$0x3F8E];
	s0 =	simm.s32 @p0 $0x1  }
0x13: {  	[smem:$0x3FA9] =	sst s0;
	s0 =	simm.s32 @!p1 $0x0  }
0x14: {  	s2 =	sld [smem:$0x3F8D];
	s0 =	simm.s32 @p1 $0x1  }
0x15: {  	[smem:$0x3FAA] =	sst s0;
	s0 =	simm.s32 @!p2 $0x0  }
0x16: {  	s3 =	sld [smem:$0x3FDB];
	s0 =	simm.s32 @p2 $0x1  }
0x17: {  	s4 =	simm.s32 $0x1BF5;
	[smem:$0x3FAC] =	sst s0  }
0x18: {  	s0 =	sld [smem:$0x3F8F];
	_ =	swait.ge [sflag:s4], $0x0  }
0x19: {  	s7 =	sld [smem:$0x3F90]  }
0x1a: {  	s8 =	sadd.s32 $0xFFFFE003, lr  }
0x1b: {  	s9 =	sadd.s32 $0xFFFFFEF7, lr;
	s5 =	simm.s32 $0xFFFFFFFF;
	p2 =	slt.u32 s8, $0xFFFFF086  }
0x1c: {  	p1 =	slt.u32 s9, $0xF7A;
	s5 =	simm.s32 @!p2 $0x0  }
0x1d: {  	s5 =	simm.s32 @p1 $0x1;
	p0 =	seq.s32 s7, s2  }
0x1e: {  	s7 =	smul.u32 @!p0 $0xF7A, s2;
	p2 =	seq.s32 @!p0 s5, $0x0  }
0x1f: {  	s9 =	smul.u32 $0xF7A, s1;
	s8 =	simm.s32 @!p0 $0x1BF5;
	p2 =	por !p2, p0  }
0x20: {  	[sflag:s8] =	ssyncset.s32 @!p0 $0xFFFFF086;
	s6 =	sadd.s32 @!p0 s3, s7;
	s7 =	simm.s32 @!p0 $0x108  }
0x21: {  	s3 =	sadd.s32 s3, s9;
	s6 =	sadd.s32 @!p0 $0x88, s6;
	s7 =	simm.s32 @p2 $0x1082  }
0x22: {  	[simem:s7], [sflag:s8] =	dma.local @!p0 [hbm:s6], $0xF7A  }
0x23: {  	s9 =	sor.u32 $0xD0000000, s2;
	s6 =	simm.s32 $0x108;
	_ =	swait.ge @!p0 [sflag:s8], $0x0  }
0x24: {  	s3 =	sadd.s32 $0x88, s3;
	s6 =	simm.s32 @!p1 $0x1082;
	[sflag:s4] =	ssyncset.s32 $0xFFFFF086  }
0x25: {  	[simem:s6], [sflag:s4] =	dma.local [hbm:s3], $0xF7A  }
0x26: {  	[smem:$0x3F90] =	sst s1;
	(tag) =	ssettag s2;
	_ =	strace s9  }
0x27: {  	s1 =	sld [smem:$0x3FA0]  }
0x28: {  	s2 =	sld [smem:$0x3FA1]  }
0x29: {  	s4 =	sld [smem:$0x3FA3]  }
0x2a: {  	p0 =	seq.s32 s5, $0x0;
	s5 =	sld [smem:$0x3FA4]  }
0x2b: {  	s6 =	sld [smem:$0x3FA5]  }
0x2c: {  	s7 =	sld [smem:$0x3FA6]  }
0x2d: {  	s3 =	simm.s32 $0x108;
	s8 =	sld [smem:$0x3FA7]  }
0x2e: {  	s3 =	simm.s32 @!p0 $0x1082;
	s9 =	sld [smem:$0x3FA8]  }
0x2f: {  	lr =	sadd.s32 s0, s3;
	s0 =	sld [smem:$0x3F9F]  }
0x30: {  	s3 =	sld [smem:$0x3FA2]  }
0x31: {  	[smem:$0x3FAB] =	sst s10  }
0x32: {  	s10 =	sld [smem:$0x3FA9];
	_ =	sdelay $0x3  }
0x33: {  	p0 =	seq.s32 s10, $0x1;
	s10 =	sld [smem:$0x3FAB];
	_ =	sdelay $0x3  }
0x34: {  	[smem:$0x3FAB] =	sst s10  }
0x35: {  	s10 =	sld [smem:$0x3FAA];
	_ =	sdelay $0x3  }
0x36: {  	p1 =	seq.s32 s10, $0x1;
	s10 =	sld [smem:$0x3FAB];
	_ =	sdelay $0x3  }
0x37: {  	[smem:$0x3FAB] =	sst s10  }
0x38: {  	s10 =	sld [smem:$0x3FAC]  }
0x39: {  	_ = 	snop;
	(pc) =	sbr.ind lr, $3  }
0x3a: {  	_ = 	snop  }
0x3b: {  	_ = 	snop  }
0x3c: {  	p2 =	seq.s32 s10, $0x1;
	s10 =	sld [smem:$0x3FAB]  }
0x3d: {  	_ =	shalt  }
0x3e: {  	_ =	shalt  }
0x3f: {  	_ =	shalt  }
0x40: {  	_ =	shalt  }
0x41: {  	_ =	shalt  }
0x42: {  	_ =	shalt  }
0x43: {  	_ =	shalt  }
0x44: {  	_ =	shalt  }
0x45: {  	_ =	shalt  }
0x46: {  	_ =	shalt  }
0x47: {  	_ =	shalt  }
0x48: {  	_ =	shalt  }
0x49: {  	_ =	shalt  }
0x4a: {  	_ =	shalt  }
0x4b: {  	_ =	shalt  }
0x4c: {  	_ =	shalt  }
0x4d: {  	_ =	shalt  }
0x4e: {  	_ =	shalt  }
0x4f: {  	_ =	shalt  }
0x50: {  	_ =	shalt  }
0x51: {  	_ =	shalt  }
0x52: {  	_ =	shalt  }
0x53: {  	_ =	shalt  }
0x54: {  	_ =	shalt  }
0x55: {  	_ =	shalt  }
0x56: {  	_ =	shalt  }
0x57: {  	_ =	shalt  }
0x58: {  	_ =	shalt  }
0x59: {  	_ =	shalt  }
0x5a: {  	_ =	shalt  }
0x5b: {  	_ =	shalt  }
0x5c: {  	_ =	shalt  }
0x5d: {  	_ =	shalt  }
0x5e: {  	_ =	shalt  }
0x5f: {  	_ =	shalt  }
0x60: {  	_ =	shalt  }
0x61: {  	_ =	shalt  }
0x62: {  	_ =	shalt  }
0x63: {  	_ =	shalt  }
0x64: {  	_ =	shalt  }
0x65: {  	_ =	shalt  }
0x66: {  	_ =	shalt  }
0x67: {  	_ =	shalt  }
0x68: {  	_ =	shalt  }
0x69: {  	_ =	shalt  }
0x6a: {  	_ =	shalt  }
0x6b: {  	_ =	shalt  }
0x6c: {  	_ =	shalt  }
0x6d: {  	_ =	shalt  }
0x6e: {  	_ =	shalt  }
0x6f: {  	_ =	shalt  }
0x70: {  	_ =	shalt  }
0x71: {  	_ =	shalt  }
0x72: {  	_ =	shalt  }
0x73: {  	_ =	shalt  }
0x74: {  	_ =	shalt  }
0x75: {  	_ =	shalt  }
0x76: {  	_ =	shalt  }
0x77: {  	_ =	shalt  }
0x78: {  	_ =	shalt  }
0x79: {  	_ =	shalt  }
0x7a: {  	_ =	shalt  }
0x7b: {  	_ =	shalt  }
0x7c: {  	_ =	shalt  }
0x7d: {  	_ =	shalt  }
0x7e: {  	_ =	shalt  }
0x7f: {  	_ =	shalt  }
0x80: {  	_ =	shalt  }
0x81: {  	_ =	shalt  }
0x82: {  	_ =	shalt  }
0x83: {  	_ =	shalt  }
0x84: {  	_ =	shalt  }
0x85: {  	_ =	shalt  }
0x86: {  	_ =	shalt  }
0x87: {  	_ =	shalt  }
.Lfunc_end0:
.L_simem_size_0:
called_computation.3_lowered:
.L_overlay_start_0:
0x88: {  	s2 =	sld [smem:$0x3FD9]  }
0x89: {  	s3 =	sld [smem:$0x3FFE];
	_ =	sdelay $0x1  }
0x8a: {  	s1 =	srdreg.scid  }
0x8b: {  	s0 =	sand.u32 $0x1, s1  }
0x8c: {  	s17 =	sshll.u32 s0, $0xA;
	s2 =	sadd.s32 s3, s2  }
0x8d: {  	s2 =	sadd.s32 s2, s17  }
0x8e: {  	[smem:$0x3FB7] =	sst s2  }
0x8f: {  	_ = 	snop  }
0x90: {  	(tm) =	ssettm $0x1  }
0x91: {  	s18 =	sld [smem:$0x3FFB];
	_ =	sdelay $0x3  }
0x92: {  	_ =	strace s18  }
0x93: {  	s2 =	sld [smem:$0x3FFC];
	_ =	sdelay $0x3  }
0x94: {  	_ =	strace s2  }
0x95: {  	s2 =	sld [smem:$0x3FFD];
	_ =	sdelay $0x3  }
0x96: {  	_ =	strace s2  }
0x97: {  	_ =	strace $0x8FFFFFFF  }
0x98: {  	s19 =	sld [smem:$0x3FDB];
	_ =	sdelay $0x1  }
0x99: {  	s20 =	simm.s32 $_scs_section_size  }
0x9a: {  	s4 =	simm.s32 $_size__tile_overlayer_lowered;
	s5 =	simm.s32 $_tile_overlayer_lowered  }
0x9b: {  	s6 =	simm.s32 $0x1BFF;
	s21 =	sshll.u32 s5, $0x1;
	s3 =	sadd.s32 s20, s19  }
0x9c: {  	s22 =	simm.s32 $0x0;
	s4 =	sshll.u32 s4, $0x1;
	s5 =	sadd.s32 s21, s3  }
0x9d: {  	[timem:s22], [sflag:s6] =	dma.local [hbm:s5], s4  }
0x9e: {  	_ =	swait.ge [sflag:s6], s4  }
0x9f: {  	s4 =	ssub.s32 $0x0, s4;
	[sflag:s6] =	ssyncset.done $0x0  }
0xa0: {  	[sflag:s6] =	ssyncadd.s32 s4;
	_ =	sdelay $0x1  }
0xa1: {  	s23 =	simm.s32 $0x1B8B  }
0xa2: {  	_ =	swait.ge [sflag:s23], $0x1  }
0xa3: {  	[sflag:s23] =	ssyncset.done $0x0  }
0xa4: {  	[sflag:s23] =	ssyncadd.s32 $0xFFFFFFFF  }
0xa5: {  	s4 =	sld [smem:$0x0]  }
0xa6: {  	s5 =	sand.u32 $0xFFFFFFFE, s1  }
0xa7: {  	p0 =	sne.s32 s1, s5  }
0xa8: {  	s5 =	sshll.u32 @p0 s5, $0xE  }
0xa9: {  	s5 =	sadd.s32 @p0 $0x11B8D, s5;
	s6 =	sshll.u32 @p0 s4, $0x11  }
0xaa: {  	s5 =	sor.u32 @p0 s6, s5  }
0xab: {  	[sflag:s5] =	ssyncadd.remote.s32 @p0 $0x1;
	_ =	sdelay $0x1  }
0xac: {  	s5 =	simm.s32 @p0 $0x1B8D  }
0xad: {  	_ =	swait.eq @p0 [sflag:s5], $0x1  }
0xae: {  	[sflag:s5] =	ssyncadd.s32 @p0 $0xFFFFFFFF  }
0xaf: {  	s6 =	sshll.u32 @!p0 s1, $0xE  }
0xb0: {  	s6 =	sor.u32 @!p0 $0x4000, s6;
	s5 =	simm.s32 @!p0 $0x1B8D  }
0xb1: {  	s4 =	sshll.u32 @!p0 s4, $0x11;
	s6 =	sadd.s32 @!p0 $0x11B8D, s6;
	_ =	swait.eq @!p0 [sflag:s5], $0x1  }
0xb2: {  	s4 =	sor.u32 @!p0 s4, s6;
	[sflag:s5] =	ssyncadd.s32 @!p0 $0xFFFFFFFF  }
0xb3: {  	s25 =	simm.s32 $0x1B8E;
	s24 =	sld [smem:$0x3FFE];
	[sflag:s4] =	ssyncadd.remote.s32 @!p0 $0x1  }
0xb4: {  	s26 =	simm.s32 $execute0_lowered;
	[smem:$0x3FD2] =	sst s25  }
0xb5: {  	s5 =	sshll.u32 s26, $0x1;
	_ =	strace $0x8000004C;
	[dreg:$0x1] =	wrdreg $0xFFFFFFFF  }
0xb6: {  	s28 =	simm.s32 $_size_execute0_lowered;
	s3 =	sadd.s32 s3, s5;
	[dreg:$0x0] =	wrdreg $0x0  }
0xb7: {  	s5 =	sshll.u32 s28, $0x1;
	[dreg:$0x2] =	wrdreg s3  }
0xb8: {  	[dreg:$0x3] =	wrdreg s5  }
0xb9: {  	[dreg:$0x4] =	wrdreg $0xC0  }
0xba: {  	_ =	task [dreg:s22], $0x5FFFF  }
0xbb: {  	[dreg:$0x1] =	wrdreg $0xFFFFFFFF  }
0xbc: {  	[dreg:$0x0] =	wrdreg $0x60  }
0xbd: {  	[dreg:$0x2] =	wrdreg s24  }
0xbe: {  	[dreg:$0x3] =	wrdreg $0xB  }
0xbf: {  	_ =	task.clear_ibuf [dreg:s22], $0x4FFFF;
	_ =	strace $0x9000004C  }
0xc0: {  	s29 =	simm.s32 $0xB;
	_ =	strace $0x8000004E  }
0xc1: {  	_ =	swait.ge [sflag:s29], $0x1  }
0xc2: {  	[sflag:s29] =	ssyncadd.s32 $0xFFFFFFFF  }
0xc3: {  	_ =	strace $0x9000004E  }
0xc4: {  	_ =	sfence  }
0xc5: {  	s30 =	sld [smem:$0x0];
	_ =	sdelay $0x2  }
0xc6: {  	s31 =	sshll.u32 s1, $0xD;
	s1 =	sshrl.u32 s1, $0x2  }
0xc7: {  	s4 =	sand.u32 $0x4000, s31;
	s1 =	sadd.s32 s1, s30  }
0xc8: {  	s0 =	sor.u32 s4, s0;
	s1 =	sshll.u32 s1, $0x11  }
0xc9: {  	s0 =	sor.u32 s1, s0  }
0xca: {  	s0 =	sadd.s32 $0x8F2B, s0  }
0xcb: {  	[sflag:s0] =	ssyncadd.remote.s32 $0x1  }
0xcc: {  	_ =	sfence.sel $0xFFFF  }
0xcd: {  	[dreg:$0x0] =	wrdreg $0xFFFFFFFF;
	(pc) =	sbr.abs _section_cstart, $3  }
0xce: {  	[dreg:$0x1] =	wrdreg $0xFFFFFFFF  }
0xcf: {  	_ =	task.clear_ibuf [dreg:s22], $0x2FFFF;
	_ =	strace $0x9FFFFFFF  }
0xd0: {  	(tm) =	ssettm $0x7FFFFFFF  }
0xd1: {  	_ =	shalt  }
tec
execute0_lowered:
.L_overlay_start_1:
0x0: {  	(tag) =	ssettag $0x1  }
0x1: {  	s1 =	srdreg.scid;
	s0 =	stileid.u32  }
0x2: {  	s25 =	sand.u32 $0x1, s1;
	s28 =	sshll.u32 s0, $0x1  }
0x3: {  	s11 =	sor.u32 s25, s28  }
0x4: {  	s12 =	rddreg [dreg:$0x0];
	s24 =	smul.u32 $0x1900, s11  }
0x5: {  	s2 =	simm.s32 $0x0;
	s1 =	rddreg [dreg:$0x1]  }
0x6: {  	[smem:$0x7FF] =	sst s2;
	s23 =	sadd.s32 $0x2A200, s12;
	s3 =	sshrl.u32 s24, $0x3  }
0x7: {  	_ =	strace $0x8000004D;
	s4 =	sadd.s32 s23, s3;
	s3 =	simm.s32 $0x3  }
0x8: {  	[tilespmem:s2], [sflag:$0x3] =	stream.linear.gather [hbm4b:s4+s2], $0x320, $0x38;
	[tilespmem:$0x19640] =	vst v63  }
0x9: {  	s6 =	simm.s32 $0x320;
	_ =	swait.ge [sflag:s3], $0x320  }
0xa: {  	s7 =	simm.s32 $0x640;
	s14 =	sadd.s32 $0x320, s24;
	[sflag:s3] =	ssyncset.done $0x0  }
0xb: {  	s5 =	sadd.s32 $0x55F200, s12;
	s8 =	sshrl.u32 s14, $0x3;
	[sflag:s3] =	ssyncadd.s32 $0xFFFFFCE0  }
0xc: {  	[tilespmem:s7], [sflag:$0x1] =	stream.indirect.gather [hbm4b:s5+s6], $0x40, s2, s6, $0xb8;
	[tilespmem:$0x19640] =	vst v63  }
0xd: {  	s8 =	sadd.s32 s23, s8  }
0xe: {  	[tilespmem:s6], [sflag:$0x3] =	stream.linear.gather [hbm4b:s8+s2], $0x320, $0x38;
	[tilespmem:$0x19640] =	vst v63  }
0xf: {  	_ =	swait.ge [sflag:s3], $0x320  }
0x10: {  	[sflag:s3] =	ssyncset.done $0x0  }
0x11: {  	s9 =	simm.s32 $0xCE40;
	s10 =	simm.s32 $0x1;
	[sflag:s3] =	ssyncadd.s32 $0xFFFFFCE0  }
0x12: {  	[tilespmem:s9], [sflag:$0x2] =	stream.indirect.gather [hbm4b:s5+s6], $0x40, s6, s6, $0xb8;
	[tilespmem:$0x19640] =	vst v63  }
0x13: {  	s11 =	smul.u32 $0xC800, s11;
	_ =	swait.ge [sflag:s10], $0xC800  }
0x14: {  	s26 =	sadd.s32 $0x1C6A00, s12;
	[sflag:s10] =	ssyncset.done $0x0  }
0x15: {  	s11 =	sadd.s32 s26, s11;
	[sflag:s10] =	ssyncadd.s32 $0xFFFF3800  }
0x16: {  	[hbm4b:s11+s2] =	stream.linear.scatter [tilespmem:s7], [sflag:$0x3], $0xC800, $0x38;
	[tilespmem:$0x19640] =	vst v63  }
0x17: {  	s16 =	sadd.s32 $0x640, s24;
	_ =	swait.ge [sflag:s3], $0xC800  }
0x18: {  	s29 =	sshrl.u32 s16, $0x3;
	[sflag:s3] =	ssyncset.done $0x0  }
0x19: {  	s12 =	sadd.s32 s23, s29;
	[sflag:s3] =	ssyncadd.s32 $0xFFFF3800  }
0x1a: {  	[tilespmem:s2], [sflag:$0x3] =	stream.linear.gather [hbm4b:s12+s2], $0x320, $0x38;
	[tilespmem:$0x19640] =	vst v63  }
0x1b: {  	_ =	swait.ge [sflag:s3], $0x320  }
0x1c: {  	[sflag:s3] =	ssyncset.done $0x0  }
0x1d: {  	s13 =	simm.s32 $0x2;
	[sflag:s3] =	ssyncadd.s32 $0xFFFFFCE0  }
0x1e: {  	[tilespmem:s7], [sflag:$0x1] =	stream.indirect.gather [hbm4b:s5+s6], $0x40, s2, s6, $0xb8;
	[tilespmem:$0x19640] =	vst v63  }
0x1f: {  	_ =	swait.ge [sflag:s13], $0xC800  }
0x20: {  	s14 =	sshll.u32 s14, $0x3;
	[sflag:s13] =	ssyncset.done $0x0  }
0x21: {  	s14 =	sadd.s32 s26, s14;
	[sflag:s13] =	ssyncadd.s32 $0xFFFF3800  }
0x22: {  	[hbm4b:s14+s2] =	stream.linear.scatter [tilespmem:s9], [sflag:$0x3], $0xC800, $0x38;
	[tilespmem:$0x19640] =	vst v63  }
0x23: {  	s18 =	sadd.s32 $0x960, s24;
	_ =	swait.ge [sflag:s3], $0xC800  }
0x24: {  	s15 =	sshrl.u32 s18, $0x3;
	[sflag:s3] =	ssyncset.done $0x0  }
0x25: {  	s15 =	sadd.s32 s23, s15;
	[sflag:s3] =	ssyncadd.s32 $0xFFFF3800  }
0x26: {  	[tilespmem:s6], [sflag:$0x3] =	stream.linear.gather [hbm4b:s15+s2], $0x320, $0x38;
	[tilespmem:$0x19640] =	vst v63  }
0x27: {  	_ =	swait.ge [sflag:s3], $0x320  }
0x28: {  	[sflag:s3] =	ssyncset.done $0x0  }
0x29: {  	[sflag:s3] =	ssyncadd.s32 $0xFFFFFCE0  }
0x2a: {  	[tilespmem:s9], [sflag:$0x2] =	stream.indirect.gather [hbm4b:s5+s6], $0x40, s6, s6, $0xb8;
	[tilespmem:$0x19640] =	vst v63  }
0x2b: {  	_ =	swait.ge [sflag:s10], $0xC800  }
0x2c: {  	s16 =	sshll.u32 s16, $0x3;
	[sflag:s10] =	ssyncset.done $0x0  }
0x2d: {  	s16 =	sadd.s32 s26, s16;
	[sflag:s10] =	ssyncadd.s32 $0xFFFF3800  }
0x2e: {  	[hbm4b:s16+s2] =	stream.linear.scatter [tilespmem:s7], [sflag:$0x3], $0xC800, $0x38;
	[tilespmem:$0x19640] =	vst v63  }
0x2f: {  	s20 =	sadd.s32 $0xC80, s24;
	_ =	swait.ge [sflag:s3], $0xC800  }
0x30: {  	s17 =	sshrl.u32 s20, $0x3;
	[sflag:s3] =	ssyncset.done $0x0  }
0x31: {  	s17 =	sadd.s32 s23, s17;
	[sflag:s3] =	ssyncadd.s32 $0xFFFF3800  }
0x32: {  	[tilespmem:s2], [sflag:$0x3] =	stream.linear.gather [hbm4b:s17+s2], $0x320, $0x38;
	[tilespmem:$0x19640] =	vst v63  }
0x33: {  	_ =	swait.ge [sflag:s3], $0x320  }
0x34: {  	[sflag:s3] =	ssyncset.done $0x0  }
0x35: {  	[sflag:s3] =	ssyncadd.s32 $0xFFFFFCE0  }
0x36: {  	[tilespmem:s7], [sflag:$0x1] =	stream.indirect.gather [hbm4b:s5+s6], $0x40, s2, s6, $0xb8;
	[tilespmem:$0x19640] =	vst v63  }
0x37: {  	_ =	swait.ge [sflag:s13], $0xC800  }
0x38: {  	s18 =	sshll.u32 s18, $0x3;
	[sflag:s13] =	ssyncset.done $0x0  }
0x39: {  	s18 =	sadd.s32 s26, s18;
	[sflag:s13] =	ssyncadd.s32 $0xFFFF3800  }
0x3a: {  	[hbm4b:s18+s2] =	stream.linear.scatter [tilespmem:s9], [sflag:$0x3], $0xC800, $0x38;
	[tilespmem:$0x19640] =	vst v63  }
0x3b: {  	s22 =	sadd.s32 $0xFA0, s24;
	_ =	swait.ge [sflag:s3], $0xC800  }
0x3c: {  	s19 =	sshrl.u32 s22, $0x3;
	[sflag:s3] =	ssyncset.done $0x0  }
0x3d: {  	s19 =	sadd.s32 s23, s19;
	[sflag:s3] =	ssyncadd.s32 $0xFFFF3800  }
0x3e: {  	[tilespmem:s6], [sflag:$0x3] =	stream.linear.gather [hbm4b:s19+s2], $0x320, $0x38;
	[tilespmem:$0x19640] =	vst v63  }
0x3f: {  	_ =	swait.ge [sflag:s3], $0x320  }
0x40: {  	[sflag:s3] =	ssyncset.done $0x0  }
0x41: {  	[sflag:s3] =	ssyncadd.s32 $0xFFFFFCE0  }
0x42: {  	[tilespmem:s9], [sflag:$0x2] =	stream.indirect.gather [hbm4b:s5+s6], $0x40, s6, s6, $0xb8;
	[tilespmem:$0x19640] =	vst v63  }
0x43: {  	_ =	swait.ge [sflag:s10], $0xC800  }
0x44: {  	s20 =	sshll.u32 s20, $0x3;
	[sflag:s10] =	ssyncset.done $0x0  }
0x45: {  	s20 =	sadd.s32 s26, s20;
	[sflag:s10] =	ssyncadd.s32 $0xFFFF3800  }
0x46: {  	[hbm4b:s20+s2] =	stream.linear.scatter [tilespmem:s7], [sflag:$0x3], $0xC800, $0x38;
	[tilespmem:$0x19640] =	vst v63  }
0x47: {  	s28 =	sadd.s32 $0x12C0, s24;
	_ =	swait.ge [sflag:s3], $0xC800  }
0x48: {  	s21 =	sshrl.u32 s28, $0x3;
	[sflag:s3] =	ssyncset.done $0x0  }
0x49: {  	s21 =	sadd.s32 s23, s21;
	[sflag:s3] =	ssyncadd.s32 $0xFFFF3800  }
0x4a: {  	[tilespmem:s2], [sflag:$0x3] =	stream.linear.gather [hbm4b:s21+s2], $0x320, $0x38;
	[tilespmem:$0x19640] =	vst v63  }
0x4b: {  	_ =	swait.ge [sflag:s3], $0x320  }
0x4c: {  	[sflag:s3] =	ssyncset.done $0x0  }
0x4d: {  	[sflag:s3] =	ssyncadd.s32 $0xFFFFFCE0  }
0x4e: {  	[tilespmem:s7], [sflag:$0x1] =	stream.indirect.gather [hbm4b:s5+s6], $0x40, s2, s6, $0xb8;
	[tilespmem:$0x19640] =	vst v63  }
0x4f: {  	_ =	swait.ge [sflag:s13], $0xC800  }
0x50: {  	s22 =	sshll.u32 s22, $0x3;
	[sflag:s13] =	ssyncset.done $0x0  }
0x51: {  	s22 =	sadd.s32 s26, s22;
	[sflag:s13] =	ssyncadd.s32 $0xFFFF3800  }
0x52: {  	[hbm4b:s22+s2] =	stream.linear.scatter [tilespmem:s9], [sflag:$0x3], $0xC800, $0x38;
	[tilespmem:$0x19640] =	vst v63  }
0x53: {  	s29 =	sadd.s32 $0x15E0, s24;
	_ =	swait.ge [sflag:s3], $0xC800  }
0x54: {  	s24 =	sshrl.u32 s29, $0x3;
	[sflag:s3] =	ssyncset.done $0x0  }
0x55: {  	s23 =	sadd.s32 s23, s24;
	[sflag:s3] =	ssyncadd.s32 $0xFFFF3800  }
0x56: {  	[tilespmem:s6], [sflag:$0x3] =	stream.linear.gather [hbm4b:s23+s2], $0x320, $0x38;
	[tilespmem:$0x19640] =	vst v63  }
0x57: {  	_ =	swait.ge [sflag:s3], $0x320  }
0x58: {  	[sflag:s3] =	ssyncset.done $0x0  }
0x59: {  	[sflag:s3] =	ssyncadd.s32 $0xFFFFFCE0  }
0x5a: {  	[tilespmem:s9], [sflag:$0x2] =	stream.indirect.gather [hbm4b:s5+s6], $0x40, s6, s6, $0xb8;
	[tilespmem:$0x19640] =	vst v63  }
0x5b: {  	_ =	swait.ge [sflag:s10], $0xC800  }
0x5c: {  	s30 =	sshll.u32 s28, $0x3;
	[sflag:s10] =	ssyncset.done $0x0  }
0x5d: {  	s25 =	ssub.s32 $0x2, s25;
	s24 =	sadd.s32 s26, s30;
	[sflag:s10] =	ssyncadd.s32 $0xFFFF3800  }
0x5e: {  	[hbm4b:s24+s2] =	stream.linear.scatter [tilespmem:s7], [sflag:$0x3], $0xC800, $0x38;
	[tilespmem:$0x19640] =	vst v63  }
0x5f: {  	s31 =	sshrl.u32 s25, $0x1;
	_ =	swait.ge [sflag:s3], $0xC800  }
0x60: {  	s28 =	ssub.s32 s25, s31;
	[sflag:s3] =	ssyncset.done $0x0  }
0x61: {  	s31 =	smax.u32 s28, $0x1;
	[sflag:s3] =	ssyncadd.s32 $0xFFFF3800  }
0x62: {  	p0 =	sne.s32 s31, $0x1;
	_ =	swait.ge [sflag:s13], $0xC800  }
.Ltmp0:
0x63: {  	s30 =	sshll.u32 s29, $0x3;
	[sflag:s13] =	ssyncset.done $0x0;
	(pc) =	sbr.rel @!p0 .LBB2_2-.Ltmp0, $4  }
0x64: {  	s25 =	sadd.s32 s26, s30;
	[sflag:s13] =	ssyncadd.s32 $0xFFFF3800  }
0x65: {  	[hbm4b:s25+s2] =	stream.linear.scatter [tilespmem:s9], [sflag:$0x3], $0xC800, $0x38;
	[tilespmem:$0x19640] =	vst v63  }
0x66: {  	_ =	swait.ge [sflag:s3], $0xC800  }
0x67: {  	s26 =	sadd.s32 $0xFFFFFFFF, s31;
	[sflag:s3] =	ssyncset.done $0x0  }
.LBB2_1:
0x68: {  	p0 =	sne.s32 s26, $0x1;
	s26 =	sadd.s32 $0xFFFFFFFF, s26;
	[sflag:s3] =	ssyncadd.s32 $0xFFFF3800  }
0x69: {  	[tilespmem:s2], [sflag:$0x3] =	stream.linear.gather [hbm4b:s4+s2], $0x320, $0x38;
	[tilespmem:$0x19640] =	vst v63  }
0x6a: {  	_ =	swait.ge [sflag:s3], $0x320  }
0x6b: {  	[sflag:s3] =	ssyncset.done $0x0  }
0x6c: {  	[sflag:s3] =	ssyncadd.s32 $0xFFFFFCE0  }
0x6d: {  	[tilespmem:s7], [sflag:$0x1] =	stream.indirect.gather [hbm4b:s5+s6], $0x40, s2, s6, $0xb8;
	[tilespmem:$0x19640] =	vst v63  }
0x6e: {  	_ = 	snop  }
0x6f: {  	[tilespmem:s6], [sflag:$0x3] =	stream.linear.gather [hbm4b:s8+s2], $0x320, $0x38;
	[tilespmem:$0x19640] =	vst v63  }
0x70: {  	_ =	swait.ge [sflag:s3], $0x320  }
0x71: {  	[sflag:s3] =	ssyncset.done $0x0  }
0x72: {  	[sflag:s3] =	ssyncadd.s32 $0xFFFFFCE0  }
0x73: {  	[tilespmem:s9], [sflag:$0x2] =	stream.indirect.gather [hbm4b:s5+s6], $0x40, s6, s6, $0xb8;
	[tilespmem:$0x19640] =	vst v63  }
0x74: {  	_ =	swait.ge [sflag:s10], $0xC800  }
0x75: {  	[sflag:s10] =	ssyncset.done $0x0  }
0x76: {  	[sflag:s10] =	ssyncadd.s32 $0xFFFF3800  }
0x77: {  	[hbm4b:s11+s2] =	stream.linear.scatter [tilespmem:s7], [sflag:$0x3], $0xC800, $0x38;
	[tilespmem:$0x19640] =	vst v63  }
0x78: {  	_ =	swait.ge [sflag:s3], $0xC800  }
0x79: {  	[sflag:s3] =	ssyncset.done $0x0  }
0x7a: {  	[sflag:s3] =	ssyncadd.s32 $0xFFFF3800  }
0x7b: {  	[tilespmem:s2], [sflag:$0x3] =	stream.linear.gather [hbm4b:s12+s2], $0x320, $0x38;
	[tilespmem:$0x19640] =	vst v63  }
0x7c: {  	_ =	swait.ge [sflag:s3], $0x320  }
0x7d: {  	[sflag:s3] =	ssyncset.done $0x0  }
0x7e: {  	[sflag:s3] =	ssyncadd.s32 $0xFFFFFCE0  }
0x7f: {  	[tilespmem:s7], [sflag:$0x1] =	stream.indirect.gather [hbm4b:s5+s6], $0x40, s2, s6, $0xb8;
	[tilespmem:$0x19640] =	vst v63  }
0x80: {  	_ =	swait.ge [sflag:s13], $0xC800  }
0x81: {  	[sflag:s13] =	ssyncset.done $0x0  }
0x82: {  	[sflag:s13] =	ssyncadd.s32 $0xFFFF3800  }
0x83: {  	[hbm4b:s14+s2] =	stream.linear.scatter [tilespmem:s9], [sflag:$0x3], $0xC800, $0x38;
	[tilespmem:$0x19640] =	vst v63  }
0x84: {  	_ =	swait.ge [sflag:s3], $0xC800  }
0x85: {  	[sflag:s3] =	ssyncset.done $0x0  }
0x86: {  	[sflag:s3] =	ssyncadd.s32 $0xFFFF3800  }
0x87: {  	[tilespmem:s6], [sflag:$0x3] =	stream.linear.gather [hbm4b:s15+s2], $0x320, $0x38;
	[tilespmem:$0x19640] =	vst v63  }
0x88: {  	_ =	swait.ge [sflag:s3], $0x320  }
0x89: {  	[sflag:s3] =	ssyncset.done $0x0  }
0x8a: {  	[sflag:s3] =	ssyncadd.s32 $0xFFFFFCE0  }
0x8b: {  	[tilespmem:s9], [sflag:$0x2] =	stream.indirect.gather [hbm4b:s5+s6], $0x40, s6, s6, $0xb8;
	[tilespmem:$0x19640] =	vst v63  }
0x8c: {  	_ =	swait.ge [sflag:s10], $0xC800  }
0x8d: {  	[sflag:s10] =	ssyncset.done $0x0  }
0x8e: {  	[sflag:s10] =	ssyncadd.s32 $0xFFFF3800  }
0x8f: {  	[hbm4b:s16+s2] =	stream.linear.scatter [tilespmem:s7], [sflag:$0x3], $0xC800, $0x38;
	[tilespmem:$0x19640] =	vst v63  }
0x90: {  	_ =	swait.ge [sflag:s3], $0xC800  }
0x91: {  	[sflag:s3] =	ssyncset.done $0x0  }
0x92: {  	[sflag:s3] =	ssyncadd.s32 $0xFFFF3800  }
0x93: {  	[tilespmem:s2], [sflag:$0x3] =	stream.linear.gather [hbm4b:s17+s2], $0x320, $0x38;
	[tilespmem:$0x19640] =	vst v63  }
0x94: {  	_ =	swait.ge [sflag:s3], $0x320  }
0x95: {  	[sflag:s3] =	ssyncset.done $0x0  }
0x96: {  	[sflag:s3] =	ssyncadd.s32 $0xFFFFFCE0  }
0x97: {  	[tilespmem:s7], [sflag:$0x1] =	stream.indirect.gather [hbm4b:s5+s6], $0x40, s2, s6, $0xb8;
	[tilespmem:$0x19640] =	vst v63  }
0x98: {  	_ =	swait.ge [sflag:s13], $0xC800  }
0x99: {  	[sflag:s13] =	ssyncset.done $0x0  }
0x9a: {  	[sflag:s13] =	ssyncadd.s32 $0xFFFF3800  }
0x9b: {  	[hbm4b:s18+s2] =	stream.linear.scatter [tilespmem:s9], [sflag:$0x3], $0xC800, $0x38;
	[tilespmem:$0x19640] =	vst v63  }
0x9c: {  	_ =	swait.ge [sflag:s3], $0xC800  }
0x9d: {  	[sflag:s3] =	ssyncset.done $0x0  }
0x9e: {  	[sflag:s3] =	ssyncadd.s32 $0xFFFF3800  }
0x9f: {  	[tilespmem:s6], [sflag:$0x3] =	stream.linear.gather [hbm4b:s19+s2], $0x320, $0x38;
	[tilespmem:$0x19640] =	vst v63  }
0xa0: {  	_ =	swait.ge [sflag:s3], $0x320  }
0xa1: {  	[sflag:s3] =	ssyncset.done $0x0  }
0xa2: {  	[sflag:s3] =	ssyncadd.s32 $0xFFFFFCE0  }
0xa3: {  	[tilespmem:s9], [sflag:$0x2] =	stream.indirect.gather [hbm4b:s5+s6], $0x40, s6, s6, $0xb8;
	[tilespmem:$0x19640] =	vst v63  }
0xa4: {  	_ =	swait.ge [sflag:s10], $0xC800  }
0xa5: {  	[sflag:s10] =	ssyncset.done $0x0  }
0xa6: {  	[sflag:s10] =	ssyncadd.s32 $0xFFFF3800  }
0xa7: {  	[hbm4b:s20+s2] =	stream.linear.scatter [tilespmem:s7], [sflag:$0x3], $0xC800, $0x38;
	[tilespmem:$0x19640] =	vst v63  }
0xa8: {  	_ =	swait.ge [sflag:s3], $0xC800  }
0xa9: {  	[sflag:s3] =	ssyncset.done $0x0  }
0xaa: {  	[sflag:s3] =	ssyncadd.s32 $0xFFFF3800  }
0xab: {  	[tilespmem:s2], [sflag:$0x3] =	stream.linear.gather [hbm4b:s21+s2], $0x320, $0x38;
	[tilespmem:$0x19640] =	vst v63  }
0xac: {  	_ =	swait.ge [sflag:s3], $0x320  }
0xad: {  	[sflag:s3] =	ssyncset.done $0x0  }
0xae: {  	[sflag:s3] =	ssyncadd.s32 $0xFFFFFCE0  }
0xaf: {  	[tilespmem:s7], [sflag:$0x1] =	stream.indirect.gather [hbm4b:s5+s6], $0x40, s2, s6, $0xb8;
	[tilespmem:$0x19640] =	vst v63  }
0xb0: {  	_ =	swait.ge [sflag:s13], $0xC800  }
0xb1: {  	[sflag:s13] =	ssyncset.done $0x0  }
0xb2: {  	[sflag:s13] =	ssyncadd.s32 $0xFFFF3800  }
0xb3: {  	[hbm4b:s22+s2] =	stream.linear.scatter [tilespmem:s9], [sflag:$0x3], $0xC800, $0x38;
	[tilespmem:$0x19640] =	vst v63  }
0xb4: {  	_ =	swait.ge [sflag:s3], $0xC800  }
0xb5: {  	[sflag:s3] =	ssyncset.done $0x0  }
0xb6: {  	[sflag:s3] =	ssyncadd.s32 $0xFFFF3800  }
0xb7: {  	[tilespmem:s6], [sflag:$0x3] =	stream.linear.gather [hbm4b:s23+s2], $0x320, $0x38;
	[tilespmem:$0x19640] =	vst v63  }
0xb8: {  	_ =	swait.ge [sflag:s3], $0x320  }
0xb9: {  	[sflag:s3] =	ssyncset.done $0x0  }
0xba: {  	[sflag:s3] =	ssyncadd.s32 $0xFFFFFCE0  }
0xbb: {  	[tilespmem:s9], [sflag:$0x2] =	stream.indirect.gather [hbm4b:s5+s6], $0x40, s6, s6, $0xb8;
	[tilespmem:$0x19640] =	vst v63  }
0xbc: {  	_ =	swait.ge [sflag:s10], $0xC800  }
0xbd: {  	[sflag:s10] =	ssyncset.done $0x0  }
0xbe: {  	[sflag:s10] =	ssyncadd.s32 $0xFFFF3800  }
0xbf: {  	[hbm4b:s24+s2] =	stream.linear.scatter [tilespmem:s7], [sflag:$0x3], $0xC800, $0x38;
	[tilespmem:$0x19640] =	vst v63  }
0xc0: {  	_ =	swait.ge [sflag:s3], $0xC800  }
0xc1: {  	[sflag:s3] =	ssyncset.done $0x0  }
0xc2: {  	[sflag:s3] =	ssyncadd.s32 $0xFFFF3800  }
0xc3: {  	_ =	swait.ge [sflag:s13], $0xC800  }
.Ltmp1:
0xc4: {  	[sflag:s13] =	ssyncset.done $0x0;
	(pc) =	sbr.rel @p0 .LBB2_1-.Ltmp1, $4  }
0xc5: {  	[sflag:s13] =	ssyncadd.s32 $0xFFFF3800  }
0xc6: {  	[hbm4b:s25+s2] =	stream.linear.scatter [tilespmem:s9], [sflag:$0x3], $0xC800, $0x38;
	[tilespmem:$0x19640] =	vst v63  }
0xc7: {  	_ =	swait.ge [sflag:s3], $0xC800  }
0xc8: {  	[sflag:s3] =	ssyncset.done $0x0  }
.LBB2_2:
0xc9: {  	[sflag:s3] =	ssyncadd.s32 $0xFFFF3800  }
0xca: {  	_ =	sfence.sel $0x180000  }
0xcb: {  	[bflag:$0x0] =	sbarrier.arrive $0xFFFF  }
0xcc: {  	p0 =	sne.s32 s0, $0x0;
	_ =	strace $0x9000004D  }
0xcd: {  	s0 =	sadd.s32 @!p0 $0x100000, s1;
	[bflag:$0x2] =	sbarrier.arrive $0xFFFF  }
0xce: {  	[sflag:s0] =	ssyncadd.tile.s32 @!p0 $0x1;
	_ =	shalt  }
.Lfunc_end2:
_tile_overlayer_lowered:
.L_overlay_start_2:
0xcf: {  	(tag) =	ssettag $0x2  }
0xd0: {  	s0 =	rddreg [dreg:$0x0];
	s2 =	stileid.u32  }
0xd1: {  	s1 =	rddreg [dreg:$0x1];
	p0 =	sne.s32 s2, $0x0  }
0xd2: {  	s3 =	rddreg [dreg:$0x2];
	[bflag:$0x3] =	sbarrier.arrive $0xFFFF;
	s2 =	simm.s32 @!p0 $0x1C03  }
0xd3: {  	[timem:s3], [sflag:s2] =	dma.local @!p0 [hbm:s0], s1  }
0xd4: {  	s0 =	simm.s32 @!p0 $0x3  }
0xd5: {  	_ =	swait.ge @!p0 [sflag:s0], s1  }
0xd6: {  	s1 =	ssub.s32 @!p0 $0x0, s1;
	[sflag:s0] =	ssyncset.done @!p0 $0x0  }
0xd7: {  	[sflag:s0] =	ssyncadd.s32 @!p0 s1  }
0xd8: {  	[bflag:$0x3] =	sbarrier.arrive $0xFFFF  }
0xd9: {  	_ =	shalt  }

// kernel: kernel.25.cloned.1.call-start
scs
__scs_entry_jumppad:
0x0: {  	(pc) =	sbr.rel $0x88, $3  }
0x1: {  	(tag) =	ssettag $0x0;
	lr =	simm.s32 $0x1  }
0x2: {  	[smem:$0x3F90] =	sst lr;
	_ =	strace $0xD0000000  }
0x3: {  	_ = 	snop  }
0x4: {  	_ = 	snop  }
0x5: {  	_ = 	snop  }
0x6: {  	_ = 	snop  }
0x7: {  	_ = 	snop  }
__scs_overlays_trampoline_lowered:
0x8: {  	[smem:$0x3F9F] =	sst s0  }
0x9: {  	[smem:$0x3FA0] =	sst s1  }
0xa: {  	[smem:$0x3FA1] =	sst s2  }
0xb: {  	[smem:$0x3FA2] =	sst s3  }
0xc: {  	[smem:$0x3FA3] =	sst s4  }
0xd: {  	[smem:$0x3FA4] =	sst s5  }
0xe: {  	[smem:$0x3FA5] =	sst s6  }
0xf: {  	[smem:$0x3FA6] =	sst s7  }
0x10: {  	[smem:$0x3FA7] =	sst s8  }
0x11: {  	[smem:$0x3FA8] =	sst s9;
	s0 =	simm.s32 @!p0 $0x0  }
0x12: {  	s1 =	sld [smem:$0x3F8E];
	s0 =	simm.s32 @p0 $0x1  }
0x13: {  	[smem:$0x3FA9] =	sst s0;
	s0 =	simm.s32 @!p1 $0x0  }
0x14: {  	s2 =	sld [smem:$0x3F8D];
	s0 =	simm.s32 @p1 $0x1  }
0x15: {  	[smem:$0x3FAA] =	sst s0;
	s0 =	simm.s32 @!p2 $0x0  }
0x16: {  	s3 =	sld [smem:$0x3FDB];
	s0 =	simm.s32 @p2 $0x1  }
0x17: {  	s4 =	simm.s32 $0x1BF5;
	[smem:$0x3FAC] =	sst s0  }
0x18: {  	s0 =	sld [smem:$0x3F8F];
	_ =	swait.ge [sflag:s4], $0x0  }
0x19: {  	s7 =	sld [smem:$0x3F90]  }
0x1a: {  	s8 =	sadd.s32 $0xFFFFE003, lr  }
0x1b: {  	s9 =	sadd.s32 $0xFFFFFEF7, lr;
	s5 =	simm.s32 $0xFFFFFFFF;
	p2 =	slt.u32 s8, $0xFFFFF086  }
0x1c: {  	p1 =	slt.u32 s9, $0xF7A;
	s5 =	simm.s32 @!p2 $0x0  }
0x1d: {  	s5 =	simm.s32 @p1 $0x1;
	p0 =	seq.s32 s7, s2  }
0x1e: {  	s7 =	smul.u32 @!p0 $0xF7A, s2;
	p2 =	seq.s32 @!p0 s5, $0x0  }
0x1f: {  	s9 =	smul.u32 $0xF7A, s1;
	s8 =	simm.s32 @!p0 $0x1BF5;
	p2 =	por !p2, p0  }
0x20: {  	[sflag:s8] =	ssyncset.s32 @!p0 $0xFFFFF086;
	s6 =	sadd.s32 @!p0 s3, s7;
	s7 =	simm.s32 @!p0 $0x108  }
0x21: {  	s3 =	sadd.s32 s3, s9;
	s6 =	sadd.s32 @!p0 $0x88, s6;
	s7 =	simm.s32 @p2 $0x1082  }
0x22: {  	[simem:s7], [sflag:s8] =	dma.local @!p0 [hbm:s6], $0xF7A  }
0x23: {  	s9 =	sor.u32 $0xD0000000, s2;
	s6 =	simm.s32 $0x108;
	_ =	swait.ge @!p0 [sflag:s8], $0x0  }
0x24: {  	s3 =	sadd.s32 $0x88, s3;
	s6 =	simm.s32 @!p1 $0x1082;
	[sflag:s4] =	ssyncset.s32 $0xFFFFF086  }
0x25: {  	[simem:s6], [sflag:s4] =	dma.local [hbm:s3], $0xF7A  }
0x26: {  	[smem:$0x3F90] =	sst s1;
	(tag) =	ssettag s2;
	_ =	strace s9  }
0x27: {  	s1 =	sld [smem:$0x3FA0]  }
0x28: {  	s2 =	sld [smem:$0x3FA1]  }
0x29: {  	s4 =	sld [smem:$0x3FA3]  }
0x2a: {  	p0 =	seq.s32 s5, $0x0;
	s5 =	sld [smem:$0x3FA4]  }
0x2b: {  	s6 =	sld [smem:$0x3FA5]  }
0x2c: {  	s7 =	sld [smem:$0x3FA6]  }
0x2d: {  	s3 =	simm.s32 $0x108;
	s8 =	sld [smem:$0x3FA7]  }
0x2e: {  	s3 =	simm.s32 @!p0 $0x1082;
	s9 =	sld [smem:$0x3FA8]  }
0x2f: {  	lr =	sadd.s32 s0, s3;
	s0 =	sld [smem:$0x3F9F]  }
0x30: {  	s3 =	sld [smem:$0x3FA2]  }
0x31: {  	[smem:$0x3FAB] =	sst s10  }
0x32: {  	s10 =	sld [smem:$0x3FA9];
	_ =	sdelay $0x3  }
0x33: {  	p0 =	seq.s32 s10, $0x1;
	s10 =	sld [smem:$0x3FAB];
	_ =	sdelay $0x3  }
0x34: {  	[smem:$0x3FAB] =	sst s10  }
0x35: {  	s10 =	sld [smem:$0x3FAA];
	_ =	sdelay $0x3  }
0x36: {  	p1 =	seq.s32 s10, $0x1;
	s10 =	sld [smem:$0x3FAB];
	_ =	sdelay $0x3  }
0x37: {  	[smem:$0x3FAB] =	sst s10  }
0x38: {  	s10 =	sld [smem:$0x3FAC]  }
0x39: {  	_ = 	snop;
	(pc) =	sbr.ind lr, $3  }
0x3a: {  	_ = 	snop  }
0x3b: {  	_ = 	snop  }
0x3c: {  	p2 =	seq.s32 s10, $0x1;
	s10 =	sld [smem:$0x3FAB]  }
0x3d: {  	_ =	shalt  }
0x3e: {  	_ =	shalt  }
0x3f: {  	_ =	shalt  }
0x40: {  	_ =	shalt  }
0x41: {  	_ =	shalt  }
0x42: {  	_ =	shalt  }
0x43: {  	_ =	shalt  }
0x44: {  	_ =	shalt  }
0x45: {  	_ =	shalt  }
0x46: {  	_ =	shalt  }
0x47: {  	_ =	shalt  }
0x48: {  	_ =	shalt  }
0x49: {  	_ =	shalt  }
0x4a: {  	_ =	shalt  }
0x4b: {  	_ =	shalt  }
0x4c: {  	_ =	shalt  }
0x4d: {  	_ =	shalt  }
0x4e: {  	_ =	shalt  }
0x4f: {  	_ =	shalt  }
0x50: {  	_ =	shalt  }
0x51: {  	_ =	shalt  }
0x52: {  	_ =	shalt  }
0x53: {  	_ =	shalt  }
0x54: {  	_ =	shalt  }
0x55: {  	_ =	shalt  }
0x56: {  	_ =	shalt  }
0x57: {  	_ =	shalt  }
0x58: {  	_ =	shalt  }
0x59: {  	_ =	shalt  }
0x5a: {  	_ =	shalt  }
0x5b: {  	_ =	shalt  }
0x5c: {  	_ =	shalt  }
0x5d: {  	_ =	shalt  }
0x5e: {  	_ =	shalt  }
0x5f: {  	_ =	shalt  }
0x60: {  	_ =	shalt  }
0x61: {  	_ =	shalt  }
0x62: {  	_ =	shalt  }
0x63: {  	_ =	shalt  }
0x64: {  	_ =	shalt  }
0x65: {  	_ =	shalt  }
0x66: {  	_ =	shalt  }
0x67: {  	_ =	shalt  }
0x68: {  	_ =	shalt  }
0x69: {  	_ =	shalt  }
0x6a: {  	_ =	shalt  }
0x6b: {  	_ =	shalt  }
0x6c: {  	_ =	shalt  }
0x6d: {  	_ =	shalt  }
0x6e: {  	_ =	shalt  }
0x6f: {  	_ =	shalt  }
0x70: {  	_ =	shalt  }
0x71: {  	_ =	shalt  }
0x72: {  	_ =	shalt  }
0x73: {  	_ =	shalt  }
0x74: {  	_ =	shalt  }
0x75: {  	_ =	shalt  }
0x76: {  	_ =	shalt  }
0x77: {  	_ =	shalt  }
0x78: {  	_ =	shalt  }
0x79: {  	_ =	shalt  }
0x7a: {  	_ =	shalt  }
0x7b: {  	_ =	shalt  }
0x7c: {  	_ =	shalt  }
0x7d: {  	_ =	shalt  }
0x7e: {  	_ =	shalt  }
0x7f: {  	_ =	shalt  }
0x80: {  	_ =	shalt  }
0x81: {  	_ =	shalt  }
0x82: {  	_ =	shalt  }
0x83: {  	_ =	shalt  }
0x84: {  	_ =	shalt  }
0x85: {  	_ =	shalt  }
0x86: {  	_ =	shalt  }
0x87: {  	_ =	shalt  }
.Lfunc_end0:
.L_simem_size_0:
called_computation.4_lowered:
.L_overlay_start_0:
0x88: {  	s2 =	sld [smem:$0x3FD9]  }
0x89: {  	s3 =	sld [smem:$0x3FFE];
	_ =	sdelay $0x1  }
0x8a: {  	s1 =	srdreg.scid  }
0x8b: {  	s0 =	sand.u32 $0x1, s1  }
0x8c: {  	s16 =	sshll.u32 s0, $0xA;
	s2 =	sadd.s32 s3, s2  }
0x8d: {  	s2 =	sadd.s32 s2, s16  }
0x8e: {  	[smem:$0x3FB7] =	sst s2  }
0x8f: {  	_ = 	snop  }
0x90: {  	(tm) =	ssettm $0x1  }
0x91: {  	s17 =	sld [smem:$0x3FFB];
	_ =	sdelay $0x3  }
0x92: {  	_ =	strace s17  }
0x93: {  	s2 =	sld [smem:$0x3FFC];
	_ =	sdelay $0x3  }
0x94: {  	_ =	strace s2  }
0x95: {  	s2 =	sld [smem:$0x3FFD];
	_ =	sdelay $0x3  }
0x96: {  	_ =	strace s2  }
0x97: {  	_ =	strace $0x8FFFFFFF  }
0x98: {  	s18 =	sld [smem:$0x3FDB];
	_ =	sdelay $0x1  }
0x99: {  	s19 =	simm.s32 $_scs_section_size  }
0x9a: {  	s4 =	simm.s32 $_size__tile_overlayer_lowered;
	s5 =	simm.s32 $_tile_overlayer_lowered  }
0x9b: {  	s22 =	simm.s32 $0x1BFF;
	s21 =	sshll.u32 s5, $0x1;
	s2 =	sadd.s32 s19, s18  }
0x9c: {  	s6 =	simm.s32 $0x0;
	s20 =	sshll.u32 s4, $0x1;
	s4 =	sadd.s32 s21, s2  }
0x9d: {  	[timem:s6], [sflag:s22] =	dma.local [hbm:s4], s20  }
0x9e: {  	_ =	swait.ge [sflag:s22], s20  }
0x9f: {  	s3 =	ssub.s32 $0x0, s20;
	[sflag:s22] =	ssyncset.done $0x0  }
0xa0: {  	[sflag:s22] =	ssyncadd.s32 s3;
	_ =	sdelay $0x1  }
0xa1: {  	s23 =	simm.s32 $0x1B8B  }
0xa2: {  	_ =	swait.ge [sflag:s23], $0x1  }
0xa3: {  	[sflag:s23] =	ssyncset.done $0x0  }
0xa4: {  	s25 =	simm.s32 $0x1B8E;
	s24 =	sld [smem:$0x3FFE];
	[sflag:s23] =	ssyncadd.s32 $0xFFFFFFFF  }
0xa5: {  	s26 =	simm.s32 $execute0_lowered;
	[smem:$0x3FD2] =	sst s25  }
0xa6: {  	s4 =	sshll.u32 s26, $0x1;
	_ =	strace $0x80000049;
	[dreg:$0x1] =	wrdreg $0xFFFFFFFF  }
0xa7: {  	s28 =	simm.s32 $_size_execute0_lowered;
	s2 =	sadd.s32 s2, s4;
	[dreg:$0x0] =	wrdreg $0x0  }
0xa8: {  	s4 =	sshll.u32 s28, $0x1;
	[dreg:$0x2] =	wrdreg s2  }
0xa9: {  	[dreg:$0x3] =	wrdreg s4  }
0xaa: {  	[dreg:$0x4] =	wrdreg $0xC0  }
0xab: {  	_ =	task [dreg:s6], $0x5FFFF  }
0xac: {  	[dreg:$0x1] =	wrdreg $0xFFFFFFFF  }
0xad: {  	[dreg:$0x0] =	wrdreg $0x60  }
0xae: {  	[dreg:$0x2] =	wrdreg s24  }
0xaf: {  	[dreg:$0x3] =	wrdreg $0xC  }
0xb0: {  	_ =	task.clear_ibuf [dreg:s6], $0x4FFFF;
	_ =	strace $0x90000049  }
0xb1: {  	s29 =	simm.s32 $0xC;
	_ =	strace $0x8000004B  }
0xb2: {  	_ =	swait.ge [sflag:s29], $0x1  }
0xb3: {  	[sflag:s29] =	ssyncadd.s32 $0xFFFFFFFF  }
0xb4: {  	_ =	strace $0x9000004B  }
0xb5: {  	_ =	sfence  }
0xb6: {  	s30 =	sld [smem:$0x0];
	_ =	sdelay $0x2  }
0xb7: {  	s31 =	sshll.u32 s1, $0xD;
	s1 =	sshrl.u32 s1, $0x2  }
0xb8: {  	s3 =	sand.u32 $0x4000, s31;
	s1 =	sadd.s32 s1, s30  }
0xb9: {  	s0 =	sor.u32 s3, s0;
	s1 =	sshll.u32 s1, $0x11  }
0xba: {  	s0 =	sor.u32 s1, s0  }
0xbb: {  	s0 =	sadd.s32 $0x8F2B, s0  }
0xbc: {  	[sflag:s0] =	ssyncadd.remote.s32 $0x1  }
0xbd: {  	_ =	sfence.sel $0xFFFF  }
0xbe: {  	[dreg:$0x0] =	wrdreg $0xFFFFFFFF;
	(pc) =	sbr.abs _section_cstart, $3  }
0xbf: {  	[dreg:$0x1] =	wrdreg $0xFFFFFFFF  }
0xc0: {  	_ =	task.clear_ibuf [dreg:s6], $0x2FFFF;
	_ =	strace $0x9FFFFFFF  }
0xc1: {  	(tm) =	ssettm $0x7FFFFFFF  }
tec
execute0_lowered:
.L_overlay_start_1:
0x0: {  	(tag) =	ssettag $0x1  }
0x1: {  	s1 =	srdreg.scid;
	s0 =	stileid.u32  }
0x2: {  	s25 =	sand.u32 $0x1, s1;
	s28 =	sshll.u32 s0, $0x1  }
0x3: {  	s11 =	sor.u32 s25, s28  }
0x4: {  	s12 =	rddreg [dreg:$0x0];
	s24 =	smul.u32 $0x1900, s11  }
0x5: {  	s2 =	simm.s32 $0x0;
	s1 =	rddreg [dreg:$0x1]  }
0x6: {  	[smem:$0x7FF] =	sst s2;
	s23 =	sadd.s32 $0x23E00, s12;
	s3 =	sshrl.u32 s24, $0x3  }
0x7: {  	_ =	strace $0x8000004A;
	s4 =	sadd.s32 s23, s3;
	s3 =	simm.s32 $0x3  }
0x8: {  	[tilespmem:s2], [sflag:$0x3] =	stream.linear.gather [hbm4b:s4+s2], $0x320, $0x38;
	[tilespmem:$0x19640] =	vst v63  }
0x9: {  	s6 =	simm.s32 $0x320;
	_ =	swait.ge [sflag:s3], $0x320  }
0xa: {  	s7 =	simm.s32 $0x640;
	s14 =	sadd.s32 $0x320, s24;
	[sflag:s3] =	ssyncset.done $0x0  }
0xb: {  	s5 =	sadd.s32 $0x55F200, s12;
	s8 =	sshrl.u32 s14, $0x3;
	[sflag:s3] =	ssyncadd.s32 $0xFFFFFCE0  }
0xc: {  	[tilespmem:s7], [sflag:$0x1] =	stream.indirect.gather [hbm4b:s5+s6], $0x40, s2, s6, $0xb8;
	[tilespmem:$0x19640] =	vst v63  }
0xd: {  	s8 =	sadd.s32 s23, s8  }
0xe: {  	[tilespmem:s6], [sflag:$0x3] =	stream.linear.gather [hbm4b:s8+s2], $0x320, $0x38;
	[tilespmem:$0x19640] =	vst v63  }
0xf: {  	_ =	swait.ge [sflag:s3], $0x320  }
0x10: {  	[sflag:s3] =	ssyncset.done $0x0  }
0x11: {  	s9 =	simm.s32 $0xCE40;
	s10 =	simm.s32 $0x1;
	[sflag:s3] =	ssyncadd.s32 $0xFFFFFCE0  }
0x12: {  	[tilespmem:s9], [sflag:$0x2] =	stream.indirect.gather [hbm4b:s5+s6], $0x40, s6, s6, $0xb8;
	[tilespmem:$0x19640] =	vst v63  }
0x13: {  	s11 =	smul.u32 $0xC800, s11;
	_ =	swait.ge [sflag:s10], $0xC800  }
0x14: {  	s26 =	sadd.s32 $0x36A00, s12;
	[sflag:s10] =	ssyncset.done $0x0  }
0x15: {  	s11 =	sadd.s32 s26, s11;
	[sflag:s10] =	ssyncadd.s32 $0xFFFF3800  }
0x16: {  	[hbm4b:s11+s2] =	stream.linear.scatter [tilespmem:s7], [sflag:$0x3], $0xC800, $0x38;
	[tilespmem:$0x19640] =	vst v63  }
0x17: {  	s16 =	sadd.s32 $0x640, s24;
	_ =	swait.ge [sflag:s3], $0xC800  }
0x18: {  	s29 =	sshrl.u32 s16, $0x3;
	[sflag:s3] =	ssyncset.done $0x0  }
0x19: {  	s12 =	sadd.s32 s23, s29;
	[sflag:s3] =	ssyncadd.s32 $0xFFFF3800  }
0x1a: {  	[tilespmem:s2], [sflag:$0x3] =	stream.linear.gather [hbm4b:s12+s2], $0x320, $0x38;
	[tilespmem:$0x19640] =	vst v63  }
0x1b: {  	_ =	swait.ge [sflag:s3], $0x320  }
0x1c: {  	[sflag:s3] =	ssyncset.done $0x0  }
0x1d: {  	s13 =	simm.s32 $0x2;
	[sflag:s3] =	ssyncadd.s32 $0xFFFFFCE0  }
0x1e: {  	[tilespmem:s7], [sflag:$0x1] =	stream.indirect.gather [hbm4b:s5+s6], $0x40, s2, s6, $0xb8;
	[tilespmem:$0x19640] =	vst v63  }
0x1f: {  	_ =	swait.ge [sflag:s13], $0xC800  }
0x20: {  	s14 =	sshll.u32 s14, $0x3;
	[sflag:s13] =	ssyncset.done $0x0  }
0x21: {  	s14 =	sadd.s32 s26, s14;
	[sflag:s13] =	ssyncadd.s32 $0xFFFF3800  }
0x22: {  	[hbm4b:s14+s2] =	stream.linear.scatter [tilespmem:s9], [sflag:$0x3], $0xC800, $0x38;
	[tilespmem:$0x19640] =	vst v63  }
0x23: {  	s18 =	sadd.s32 $0x960, s24;
	_ =	swait.ge [sflag:s3], $0xC800  }
0x24: {  	s15 =	sshrl.u32 s18, $0x3;
	[sflag:s3] =	ssyncset.done $0x0  }
0x25: {  	s15 =	sadd.s32 s23, s15;
	[sflag:s3] =	ssyncadd.s32 $0xFFFF3800  }
0x26: {  	[tilespmem:s6], [sflag:$0x3] =	stream.linear.gather [hbm4b:s15+s2], $0x320, $0x38;
	[tilespmem:$0x19640] =	vst v63  }
0x27: {  	_ =	swait.ge [sflag:s3], $0x320  }
0x28: {  	[sflag:s3] =	ssyncset.done $0x0  }
0x29: {  	[sflag:s3] =	ssyncadd.s32 $0xFFFFFCE0  }
0x2a: {  	[tilespmem:s9], [sflag:$0x2] =	stream.indirect.gather [hbm4b:s5+s6], $0x40, s6, s6, $0xb8;
	[tilespmem:$0x19640] =	vst v63  }
0x2b: {  	_ =	swait.ge [sflag:s10], $0xC800  }
0x2c: {  	s16 =	sshll.u32 s16, $0x3;
	[sflag:s10] =	ssyncset.done $0x0  }
0x2d: {  	s16 =	sadd.s32 s26, s16;
	[sflag:s10] =	ssyncadd.s32 $0xFFFF3800  }
0x2e: {  	[hbm4b:s16+s2] =	stream.linear.scatter [tilespmem:s7], [sflag:$0x3], $0xC800, $0x38;
	[tilespmem:$0x19640] =	vst v63  }
0x2f: {  	s20 =	sadd.s32 $0xC80, s24;
	_ =	swait.ge [sflag:s3], $0xC800  }
0x30: {  	s17 =	sshrl.u32 s20, $0x3;
	[sflag:s3] =	ssyncset.done $0x0  }
0x31: {  	s17 =	sadd.s32 s23, s17;
	[sflag:s3] =	ssyncadd.s32 $0xFFFF3800  }
0x32: {  	[tilespmem:s2], [sflag:$0x3] =	stream.linear.gather [hbm4b:s17+s2], $0x320, $0x38;
	[tilespmem:$0x19640] =	vst v63  }
0x33: {  	_ =	swait.ge [sflag:s3], $0x320  }
0x34: {  	[sflag:s3] =	ssyncset.done $0x0  }
0x35: {  	[sflag:s3] =	ssyncadd.s32 $0xFFFFFCE0  }
0x36: {  	[tilespmem:s7], [sflag:$0x1] =	stream.indirect.gather [hbm4b:s5+s6], $0x40, s2, s6, $0xb8;
	[tilespmem:$0x19640] =	vst v63  }
0x37: {  	_ =	swait.ge [sflag:s13], $0xC800  }
0x38: {  	s18 =	sshll.u32 s18, $0x3;
	[sflag:s13] =	ssyncset.done $0x0  }
0x39: {  	s18 =	sadd.s32 s26, s18;
	[sflag:s13] =	ssyncadd.s32 $0xFFFF3800  }
0x3a: {  	[hbm4b:s18+s2] =	stream.linear.scatter [tilespmem:s9], [sflag:$0x3], $0xC800, $0x38;
	[tilespmem:$0x19640] =	vst v63  }
0x3b: {  	s22 =	sadd.s32 $0xFA0, s24;
	_ =	swait.ge [sflag:s3], $0xC800  }
0x3c: {  	s19 =	sshrl.u32 s22, $0x3;
	[sflag:s3] =	ssyncset.done $0x0  }
0x3d: {  	s19 =	sadd.s32 s23, s19;
	[sflag:s3] =	ssyncadd.s32 $0xFFFF3800  }
0x3e: {  	[tilespmem:s6], [sflag:$0x3] =	stream.linear.gather [hbm4b:s19+s2], $0x320, $0x38;
	[tilespmem:$0x19640] =	vst v63  }
0x3f: {  	_ =	swait.ge [sflag:s3], $0x320  }
0x40: {  	[sflag:s3] =	ssyncset.done $0x0  }
0x41: {  	[sflag:s3] =	ssyncadd.s32 $0xFFFFFCE0  }
0x42: {  	[tilespmem:s9], [sflag:$0x2] =	stream.indirect.gather [hbm4b:s5+s6], $0x40, s6, s6, $0xb8;
	[tilespmem:$0x19640] =	vst v63  }
0x43: {  	_ =	swait.ge [sflag:s10], $0xC800  }
0x44: {  	s20 =	sshll.u32 s20, $0x3;
	[sflag:s10] =	ssyncset.done $0x0  }
0x45: {  	s20 =	sadd.s32 s26, s20;
	[sflag:s10] =	ssyncadd.s32 $0xFFFF3800  }
0x46: {  	[hbm4b:s20+s2] =	stream.linear.scatter [tilespmem:s7], [sflag:$0x3], $0xC800, $0x38;
	[tilespmem:$0x19640] =	vst v63  }
0x47: {  	s28 =	sadd.s32 $0x12C0, s24;
	_ =	swait.ge [sflag:s3], $0xC800  }
0x48: {  	s21 =	sshrl.u32 s28, $0x3;
	[sflag:s3] =	ssyncset.done $0x0  }
0x49: {  	s21 =	sadd.s32 s23, s21;
	[sflag:s3] =	ssyncadd.s32 $0xFFFF3800  }
0x4a: {  	[tilespmem:s2], [sflag:$0x3] =	stream.linear.gather [hbm4b:s21+s2], $0x320, $0x38;
	[tilespmem:$0x19640] =	vst v63  }
0x4b: {  	_ =	swait.ge [sflag:s3], $0x320  }
0x4c: {  	[sflag:s3] =	ssyncset.done $0x0  }
0x4d: {  	[sflag:s3] =	ssyncadd.s32 $0xFFFFFCE0  }
0x4e: {  	[tilespmem:s7], [sflag:$0x1] =	stream.indirect.gather [hbm4b:s5+s6], $0x40, s2, s6, $0xb8;
	[tilespmem:$0x19640] =	vst v63  }
0x4f: {  	_ =	swait.ge [sflag:s13], $0xC800  }
0x50: {  	s22 =	sshll.u32 s22, $0x3;
	[sflag:s13] =	ssyncset.done $0x0  }
0x51: {  	s22 =	sadd.s32 s26, s22;
	[sflag:s13] =	ssyncadd.s32 $0xFFFF3800  }
0x52: {  	[hbm4b:s22+s2] =	stream.linear.scatter [tilespmem:s9], [sflag:$0x3], $0xC800, $0x38;
	[tilespmem:$0x19640] =	vst v63  }
0x53: {  	s29 =	sadd.s32 $0x15E0, s24;
	_ =	swait.ge [sflag:s3], $0xC800  }
0x54: {  	s24 =	sshrl.u32 s29, $0x3;
	[sflag:s3] =	ssyncset.done $0x0  }
0x55: {  	s23 =	sadd.s32 s23, s24;
	[sflag:s3] =	ssyncadd.s32 $0xFFFF3800  }
0x56: {  	[tilespmem:s6], [sflag:$0x3] =	stream.linear.gather [hbm4b:s23+s2], $0x320, $0x38;
	[tilespmem:$0x19640] =	vst v63  }
0x57: {  	_ =	swait.ge [sflag:s3], $0x320  }
0x58: {  	[sflag:s3] =	ssyncset.done $0x0  }
0x59: {  	[sflag:s3] =	ssyncadd.s32 $0xFFFFFCE0  }
0x5a: {  	[tilespmem:s9], [sflag:$0x2] =	stream.indirect.gather [hbm4b:s5+s6], $0x40, s6, s6, $0xb8;
	[tilespmem:$0x19640] =	vst v63  }
0x5b: {  	_ =	swait.ge [sflag:s10], $0xC800  }
0x5c: {  	s30 =	sshll.u32 s28, $0x3;
	[sflag:s10] =	ssyncset.done $0x0  }
0x5d: {  	s25 =	ssub.s32 $0x2, s25;
	s24 =	sadd.s32 s26, s30;
	[sflag:s10] =	ssyncadd.s32 $0xFFFF3800  }
0x5e: {  	[hbm4b:s24+s2] =	stream.linear.scatter [tilespmem:s7], [sflag:$0x3], $0xC800, $0x38;
	[tilespmem:$0x19640] =	vst v63  }
0x5f: {  	s31 =	sshrl.u32 s25, $0x1;
	_ =	swait.ge [sflag:s3], $0xC800  }
0x60: {  	s28 =	ssub.s32 s25, s31;
	[sflag:s3] =	ssyncset.done $0x0  }
0x61: {  	s31 =	smax.u32 s28, $0x1;
	[sflag:s3] =	ssyncadd.s32 $0xFFFF3800  }
0x62: {  	p0 =	sne.s32 s31, $0x1;
	_ =	swait.ge [sflag:s13], $0xC800  }
.Ltmp0:
0x63: {  	s30 =	sshll.u32 s29, $0x3;
	[sflag:s13] =	ssyncset.done $0x0;
	(pc) =	sbr.rel @!p0 .LBB2_2-.Ltmp0, $4  }
0x64: {  	s25 =	sadd.s32 s26, s30;
	[sflag:s13] =	ssyncadd.s32 $0xFFFF3800  }
0x65: {  	[hbm4b:s25+s2] =	stream.linear.scatter [tilespmem:s9], [sflag:$0x3], $0xC800, $0x38;
	[tilespmem:$0x19640] =	vst v63  }
0x66: {  	_ =	swait.ge [sflag:s3], $0xC800  }
0x67: {  	s26 =	sadd.s32 $0xFFFFFFFF, s31;
	[sflag:s3] =	ssyncset.done $0x0  }
.LBB2_1:
0x68: {  	p0 =	sne.s32 s26, $0x1;
	s26 =	sadd.s32 $0xFFFFFFFF, s26;
	[sflag:s3] =	ssyncadd.s32 $0xFFFF3800  }
0x69: {  	[tilespmem:s2], [sflag:$0x3] =	stream.linear.gather [hbm4b:s4+s2], $0x320, $0x38;
	[tilespmem:$0x19640] =	vst v63  }
0x6a: {  	_ =	swait.ge [sflag:s3], $0x320  }
0x6b: {  	[sflag:s3] =	ssyncset.done $0x0  }
0x6c: {  	[sflag:s3] =	ssyncadd.s32 $0xFFFFFCE0  }
0x6d: {  	[tilespmem:s7], [sflag:$0x1] =	stream.indirect.gather [hbm4b:s5+s6], $0x40, s2, s6, $0xb8;
	[tilespmem:$0x19640] =	vst v63  }
0x6e: {  	_ = 	snop  }
0x6f: {  	[tilespmem:s6], [sflag:$0x3] =	stream.linear.gather [hbm4b:s8+s2], $0x320, $0x38;
	[tilespmem:$0x19640] =	vst v63  }
0x70: {  	_ =	swait.ge [sflag:s3], $0x320  }
0x71: {  	[sflag:s3] =	ssyncset.done $0x0  }
0x72: {  	[sflag:s3] =	ssyncadd.s32 $0xFFFFFCE0  }
0x73: {  	[tilespmem:s9], [sflag:$0x2] =	stream.indirect.gather [hbm4b:s5+s6], $0x40, s6, s6, $0xb8;
	[tilespmem:$0x19640] =	vst v63  }
0x74: {  	_ =	swait.ge [sflag:s10], $0xC800  }
0x75: {  	[sflag:s10] =	ssyncset.done $0x0  }
0x76: {  	[sflag:s10] =	ssyncadd.s32 $0xFFFF3800  }
0x77: {  	[hbm4b:s11+s2] =	stream.linear.scatter [tilespmem:s7], [sflag:$0x3], $0xC800, $0x38;
	[tilespmem:$0x19640] =	vst v63  }
0x78: {  	_ =	swait.ge [sflag:s3], $0xC800  }
0x79: {  	[sflag:s3] =	ssyncset.done $0x0  }
0x7a: {  	[sflag:s3] =	ssyncadd.s32 $0xFFFF3800  }
0x7b: {  	[tilespmem:s2], [sflag:$0x3] =	stream.linear.gather [hbm4b:s12+s2], $0x320, $0x38;
	[tilespmem:$0x19640] =	vst v63  }
0x7c: {  	_ =	swait.ge [sflag:s3], $0x320  }
0x7d: {  	[sflag:s3] =	ssyncset.done $0x0  }
0x7e: {  	[sflag:s3] =	ssyncadd.s32 $0xFFFFFCE0  }
0x7f: {  	[tilespmem:s7], [sflag:$0x1] =	stream.indirect.gather [hbm4b:s5+s6], $0x40, s2, s6, $0xb8;
	[tilespmem:$0x19640] =	vst v63  }
0x80: {  	_ =	swait.ge [sflag:s13], $0xC800  }
0x81: {  	[sflag:s13] =	ssyncset.done $0x0  }
0x82: {  	[sflag:s13] =	ssyncadd.s32 $0xFFFF3800  }
0x83: {  	[hbm4b:s14+s2] =	stream.linear.scatter [tilespmem:s9], [sflag:$0x3], $0xC800, $0x38;
	[tilespmem:$0x19640] =	vst v63  }
0x84: {  	_ =	swait.ge [sflag:s3], $0xC800  }
0x85: {  	[sflag:s3] =	ssyncset.done $0x0  }
0x86: {  	[sflag:s3] =	ssyncadd.s32 $0xFFFF3800  }
0x87: {  	[tilespmem:s6], [sflag:$0x3] =	stream.linear.gather [hbm4b:s15+s2], $0x320, $0x38;
	[tilespmem:$0x19640] =	vst v63  }
0x88: {  	_ =	swait.ge [sflag:s3], $0x320  }
0x89: {  	[sflag:s3] =	ssyncset.done $0x0  }
0x8a: {  	[sflag:s3] =	ssyncadd.s32 $0xFFFFFCE0  }
0x8b: {  	[tilespmem:s9], [sflag:$0x2] =	stream.indirect.gather [hbm4b:s5+s6], $0x40, s6, s6, $0xb8;
	[tilespmem:$0x19640] =	vst v63  }
0x8c: {  	_ =	swait.ge [sflag:s10], $0xC800  }
0x8d: {  	[sflag:s10] =	ssyncset.done $0x0  }
0x8e: {  	[sflag:s10] =	ssyncadd.s32 $0xFFFF3800  }
0x8f: {  	[hbm4b:s16+s2] =	stream.linear.scatter [tilespmem:s7], [sflag:$0x3], $0xC800, $0x38;
	[tilespmem:$0x19640] =	vst v63  }
0x90: {  	_ =	swait.ge [sflag:s3], $0xC800  }
0x91: {  	[sflag:s3] =	ssyncset.done $0x0  }
0x92: {  	[sflag:s3] =	ssyncadd.s32 $0xFFFF3800  }
0x93: {  	[tilespmem:s2], [sflag:$0x3] =	stream.linear.gather [hbm4b:s17+s2], $0x320, $0x38;
	[tilespmem:$0x19640] =	vst v63  }
0x94: {  	_ =	swait.ge [sflag:s3], $0x320  }
0x95: {  	[sflag:s3] =	ssyncset.done $0x0  }
0x96: {  	[sflag:s3] =	ssyncadd.s32 $0xFFFFFCE0  }
0x97: {  	[tilespmem:s7], [sflag:$0x1] =	stream.indirect.gather [hbm4b:s5+s6], $0x40, s2, s6, $0xb8;
	[tilespmem:$0x19640] =	vst v63  }
0x98: {  	_ =	swait.ge [sflag:s13], $0xC800  }
0x99: {  	[sflag:s13] =	ssyncset.done $0x0  }
0x9a: {  	[sflag:s13] =	ssyncadd.s32 $0xFFFF3800  }
0x9b: {  	[hbm4b:s18+s2] =	stream.linear.scatter [tilespmem:s9], [sflag:$0x3], $0xC800, $0x38;
	[tilespmem:$0x19640] =	vst v63  }
0x9c: {  	_ =	swait.ge [sflag:s3], $0xC800  }
0x9d: {  	[sflag:s3] =	ssyncset.done $0x0  }
0x9e: {  	[sflag:s3] =	ssyncadd.s32 $0xFFFF3800  }
0x9f: {  	[tilespmem:s6], [sflag:$0x3] =	stream.linear.gather [hbm4b:s19+s2], $0x320, $0x38;
	[tilespmem:$0x19640] =	vst v63  }
0xa0: {  	_ =	swait.ge [sflag:s3], $0x320  }
0xa1: {  	[sflag:s3] =	ssyncset.done $0x0  }
0xa2: {  	[sflag:s3] =	ssyncadd.s32 $0xFFFFFCE0  }
0xa3: {  	[tilespmem:s9], [sflag:$0x2] =	stream.indirect.gather [hbm4b:s5+s6], $0x40, s6, s6, $0xb8;
	[tilespmem:$0x19640] =	vst v63  }
0xa4: {  	_ =	swait.ge [sflag:s10], $0xC800  }
0xa5: {  	[sflag:s10] =	ssyncset.done $0x0  }
0xa6: {  	[sflag:s10] =	ssyncadd.s32 $0xFFFF3800  }
0xa7: {  	[hbm4b:s20+s2] =	stream.linear.scatter [tilespmem:s7], [sflag:$0x3], $0xC800, $0x38;
	[tilespmem:$0x19640] =	vst v63  }
0xa8: {  	_ =	swait.ge [sflag:s3], $0xC800  }
0xa9: {  	[sflag:s3] =	ssyncset.done $0x0  }
0xaa: {  	[sflag:s3] =	ssyncadd.s32 $0xFFFF3800  }
0xab: {  	[tilespmem:s2], [sflag:$0x3] =	stream.linear.gather [hbm4b:s21+s2], $0x320, $0x38;
	[tilespmem:$0x19640] =	vst v63  }
0xac: {  	_ =	swait.ge [sflag:s3], $0x320  }
0xad: {  	[sflag:s3] =	ssyncset.done $0x0  }
0xae: {  	[sflag:s3] =	ssyncadd.s32 $0xFFFFFCE0  }
0xaf: {  	[tilespmem:s7], [sflag:$0x1] =	stream.indirect.gather [hbm4b:s5+s6], $0x40, s2, s6, $0xb8;
	[tilespmem:$0x19640] =	vst v63  }
0xb0: {  	_ =	swait.ge [sflag:s13], $0xC800  }
0xb1: {  	[sflag:s13] =	ssyncset.done $0x0  }
0xb2: {  	[sflag:s13] =	ssyncadd.s32 $0xFFFF3800  }
0xb3: {  	[hbm4b:s22+s2] =	stream.linear.scatter [tilespmem:s9], [sflag:$0x3], $0xC800, $0x38;
	[tilespmem:$0x19640] =	vst v63  }
0xb4: {  	_ =	swait.ge [sflag:s3], $0xC800  }
0xb5: {  	[sflag:s3] =	ssyncset.done $0x0  }
0xb6: {  	[sflag:s3] =	ssyncadd.s32 $0xFFFF3800  }
0xb7: {  	[tilespmem:s6], [sflag:$0x3] =	stream.linear.gather [hbm4b:s23+s2], $0x320, $0x38;
	[tilespmem:$0x19640] =	vst v63  }
0xb8: {  	_ =	swait.ge [sflag:s3], $0x320  }
0xb9: {  	[sflag:s3] =	ssyncset.done $0x0  }
0xba: {  	[sflag:s3] =	ssyncadd.s32 $0xFFFFFCE0  }
0xbb: {  	[tilespmem:s9], [sflag:$0x2] =	stream.indirect.gather [hbm4b:s5+s6], $0x40, s6, s6, $0xb8;
	[tilespmem:$0x19640] =	vst v63  }
0xbc: {  	_ =	swait.ge [sflag:s10], $0xC800  }
0xbd: {  	[sflag:s10] =	ssyncset.done $0x0  }
0xbe: {  	[sflag:s10] =	ssyncadd.s32 $0xFFFF3800  }
0xbf: {  	[hbm4b:s24+s2] =	stream.linear.scatter [tilespmem:s7], [sflag:$0x3], $0xC800, $0x38;
	[tilespmem:$0x19640] =	vst v63  }
0xc0: {  	_ =	swait.ge [sflag:s3], $0xC800  }
0xc1: {  	[sflag:s3] =	ssyncset.done $0x0  }
0xc2: {  	[sflag:s3] =	ssyncadd.s32 $0xFFFF3800  }
0xc3: {  	_ =	swait.ge [sflag:s13], $0xC800  }
.Ltmp1:
0xc4: {  	[sflag:s13] =	ssyncset.done $0x0;
	(pc) =	sbr.rel @p0 .LBB2_1-.Ltmp1, $4  }
0xc5: {  	[sflag:s13] =	ssyncadd.s32 $0xFFFF3800  }
0xc6: {  	[hbm4b:s25+s2] =	stream.linear.scatter [tilespmem:s9], [sflag:$0x3], $0xC800, $0x38;
	[tilespmem:$0x19640] =	vst v63  }
0xc7: {  	_ =	swait.ge [sflag:s3], $0xC800  }
0xc8: {  	[sflag:s3] =	ssyncset.done $0x0  }
.LBB2_2:
0xc9: {  	[sflag:s3] =	ssyncadd.s32 $0xFFFF3800  }
0xca: {  	_ =	sfence.sel $0x180000  }
0xcb: {  	[bflag:$0x0] =	sbarrier.arrive $0xFFFF  }
0xcc: {  	p0 =	sne.s32 s0, $0x0;
	_ =	strace $0x9000004A  }
0xcd: {  	s0 =	sadd.s32 @!p0 $0x100000, s1;
	[bflag:$0x2] =	sbarrier.arrive $0xFFFF  }
0xce: {  	[sflag:s0] =	ssyncadd.tile.s32 @!p0 $0x1;
	_ =	shalt  }
.Lfunc_end2:
_tile_overlayer_lowered:
.L_overlay_start_2:
0xcf: {  	(tag) =	ssettag $0x2  }
0xd0: {  	s0 =	rddreg [dreg:$0x0];
	s2 =	stileid.u32  }
0xd1: {  	s1 =	rddreg [dreg:$0x1];
	p0 =	sne.s32 s2, $0x0  }
0xd2: {  	s3 =	rddreg [dreg:$0x2];
	[bflag:$0x3] =	sbarrier.arrive $0xFFFF;
	s2 =	simm.s32 @!p0 $0x1C03  }
0xd3: {  	[timem:s3], [sflag:s2] =	dma.local @!p0 [hbm:s0], s1  }
0xd4: {  	s0 =	simm.s32 @!p0 $0x3  }
0xd5: {  	_ =	swait.ge @!p0 [sflag:s0], s1  }
0xd6: {  	s1 =	ssub.s32 @!p0 $0x0, s1;
	[sflag:s0] =	ssyncset.done @!p0 $0x0  }
0xd7: {  	[sflag:s0] =	ssyncadd.s32 @!p0 s1  }
0xd8: {  	[bflag:$0x3] =	sbarrier.arrive $0xFFFF  }
0xd9: {  	_ =	shalt  }

</sc_bundles>
